<compile_context>
chip_gen: v7x
topology: tpu7x:2x2x1
jax: 0.10.2.dev20260603
libtpu: 0.0.44.dev20260713+nightly
codegen_flags: <defaults>
</compile_context>

<pallas_src>
import functools

import jax
import jax.numpy as jnp
from jax import lax
from jax.experimental import pallas as pl
from jax.experimental.pallas import tpu as pltpu
from jax.experimental.pallas import tpu_sc as plsc

N_NODES = 10000
N_PAD = 10240
N_EDGES = 320000
E_FULL = N_EDGES + N_NODES
NS = 16
CH = 128
NCHUNK = 162
E_PAD = NS * NCHUNK * CH
BR = 512
NB = N_PAD // BR
DP = 80
AOFF = 64


def _build_weights(W, att_src, att_dst):
    H, C = att_src.shape
    n_in = W.shape[0]
    A_s = jnp.einsum("ihc,hc->ih", W.reshape(n_in, H, C), att_src)
    A_d = jnp.einsum("ihc,hc->ih", W.reshape(n_in, H, C), att_dst)
    if H == 1:
        A_s = jnp.tile(A_s, (1, 8))
        A_d = jnp.tile(A_d, (1, 8))
        W = jnp.concatenate([W, jnp.zeros((n_in, 128 - W.shape[1]), jnp.float32)], axis=1)
    zpad = jnp.zeros((n_in, 12), jnp.float32)
    Ws = jnp.stack([jnp.concatenate([W[:, 64 * c:64 * c + 64],
                                     A_s[:, 4 * c:4 * c + 4], zpad], axis=1)
                    for c in (0, 1)])
    Wd = jnp.stack([jnp.concatenate([A_d[:, 4 * c:4 * c + 4], zpad], axis=1)
                    for c in (0, 1)])
    return Ws, Wd


def _build_weights_l3(W3, a3_src, a3_dst):
    Ws, Wd = _build_weights(W3, a3_src, a3_dst)
    return Ws, Wd



def _mm_body(x_ref, ws_ref, wd_ref, ts_ref, td_ref):
    xb = x_ref[...]
    ts_ref[...] = jnp.dot(xb, ws_ref[...], preferred_element_type=jnp.float32)
    td_ref[...] = jnp.dot(xb, wd_ref[...], preferred_element_type=jnp.float32)


def _tables(xp, Ws, Wd):
    return pl.pallas_call(
        _mm_body,
        grid=(2, NB),
        in_specs=[pl.BlockSpec((BR, 128), lambda g, i: (i, 0)),
                  pl.BlockSpec((None, 128, DP), lambda g, i: (g, 0, 0)),
                  pl.BlockSpec((None, 128, 16), lambda g, i: (g, 0, 0))],
        out_specs=[pl.BlockSpec((BR, DP), lambda g, i: (g * NB + i, 0)),
                   pl.BlockSpec((BR, 16), lambda g, i: (g * NB + i, 0))],
        out_shape=[jax.ShapeDtypeStruct((2 * N_PAD, DP), jnp.float32),
                   jax.ShapeDtypeStruct((2 * N_PAD, 16), jnp.float32)],
    )(xp, Ws, Wd)


def _mid_body(a0_ref, a1_ref, b_ref, exp_ref, ws_ref, wd_ref, ts_ref, td_ref):
    a0 = a0_ref[...]
    a1 = a1_ref[...]
    num = jnp.concatenate([a0[:, :64], a1[:, :64]], axis=1)
    den = jnp.concatenate([a0[:, 64:68], a1[:, 64:68]], axis=1)
    den_e = jnp.dot(den, exp_ref[...], preferred_element_type=jnp.float32)
    y = num / (den_e + 1e-16) + b_ref[...]
    z = jnp.where(y > 0, y, jnp.exp(jnp.minimum(y, 0.0)) - 1.0)
    ts_ref[...] = jnp.dot(z, ws_ref[...], preferred_element_type=jnp.float32)
    td_ref[...] = jnp.dot(z, wd_ref[...], preferred_element_type=jnp.float32)


def _mid(acc, b2d, exp8, Ws, Wd):
    return pl.pallas_call(
        _mid_body,
        grid=(2, NB),
        in_specs=[pl.BlockSpec((None, BR, DP), lambda g, i: (0, i, 0)),
                  pl.BlockSpec((None, BR, DP), lambda g, i: (1, i, 0)),
                  pl.BlockSpec((1, 128), lambda g, i: (0, 0)),
                  pl.BlockSpec((8, 128), lambda g, i: (0, 0)),
                  pl.BlockSpec((None, 128, DP), lambda g, i: (g, 0, 0)),
                  pl.BlockSpec((None, 128, 16), lambda g, i: (g, 0, 0))],
        out_specs=[pl.BlockSpec((BR, DP), lambda g, i: (g * NB + i, 0)),
                   pl.BlockSpec((BR, 16), lambda g, i: (g * NB + i, 0))],
        out_shape=[jax.ShapeDtypeStruct((2 * N_PAD, DP), jnp.float32),
                   jax.ShapeDtypeStruct((2 * N_PAD, 16), jnp.float32)],
    )(acc, acc, b2d, exp8, Ws, Wd)


def _fin_body(a0_ref, b_ref, o_ref):
    a0 = a0_ref[...]
    num = a0[:, :40]
    den = a0[:, 64:65]
    y = num / (den + 1e-16) + b_ref[...]
    m = jnp.max(y, axis=1, keepdims=True)
    ls = jnp.log(jnp.sum(jnp.exp(y - m), axis=1, keepdims=True))
    o_ref[...] = y - m - ls


def _final(acc, b2d):
    return pl.pallas_call(
        _fin_body,
        grid=(NB,),
        in_specs=[pl.BlockSpec((None, BR, DP), lambda i: (0, i, 0)),
                  pl.BlockSpec((1, 40), lambda i: (0, 0))],
        out_specs=pl.BlockSpec((BR, 40), lambda i: (i, 0)),
        out_shape=jax.ShapeDtypeStruct((N_PAD, 40), jnp.float32),
    )(acc, b2d)



def _bcast_lane(v, lane):
    idx = jnp.full((16, 1), lane, dtype=jnp.int32)
    dnums = lax.GatherDimensionNumbers(
        offset_dims=(), collapsed_slice_dims=(0,), start_index_map=(0,))
    return lax.gather(v, idx, dnums, (1,),
                      mode=lax.GatherScatterMode.PROMISE_IN_BOUNDS)


def _make_edge_kernel():
    rows_pt = N_PAD // NS
    n_rcopy = rows_pt // CH
    mesh = plsc.VectorSubcoreMesh(core_axis_name="c", subcore_axis_name="s")

    @functools.partial(
        pl.kernel,
        out_type=jax.ShapeDtypeStruct((2, N_PAD, DP), jnp.float32),
        mesh=mesh,
        compiler_params=pltpu.CompilerParams(use_tc_tiling_on_sc=False),
        scratch_types=[
            pltpu.VMEM((NCHUNK, CH), jnp.int32),
            pltpu.VMEM((NCHUNK, CH), jnp.int32),
            pltpu.VMEM((CH,), jnp.int32),
            pltpu.VMEM((CH,), jnp.int32),
            pltpu.VMEM((CH, DP), jnp.float32),
            pltpu.VMEM((CH, 16), jnp.float32),
            pltpu.VMEM((CH, DP), jnp.float32),
            pltpu.VMEM_SHARED((N_PAD, DP), jnp.float32),
            pltpu.SemaphoreType.DMA,
            pltpu.SemaphoreType.DMA,
        ],
    )
    def edge_kernel(ts_hbm, td_hbm, si_hbm, di_hbm, out_hbm,
                    si_v, di_v, sadj, dadj, grow, gatt, stage, acc_sp,
                    sem_s, sem_d):
        c = lax.axis_index("c")
        s = lax.axis_index("s")
        base = c * N_PAD

        def _zb(i, _):
            stage[i // 5, pl.ds((i % 5) * 16, 16)] = jnp.zeros((16,), jnp.float32)
            return 0
        lax.fori_loop(0, CH * (DP // 16), _zb, 0)
        for k in range(n_rcopy):
            pltpu.sync_copy(stage, acc_sp.at[pl.ds(s * rows_pt + k * CH, CH)])
        plsc.subcore_barrier()

        pltpu.sync_copy(si_hbm.at[s], si_v)
        pltpu.sync_copy(di_hbm.at[s], di_v)

        def _chunk(j, _):
            for k in range(CH // 16):
                sadj[pl.ds(k * 16, 16)] = si_v[j, pl.ds(k * 16, 16)] + base
                dadj[pl.ds(k * 16, 16)] = di_v[j, pl.ds(k * 16, 16)] + base
            cp1 = pltpu.async_copy(ts_hbm.at[sadj], grow, sem_s)
            cp2 = pltpu.async_copy(td_hbm.at[dadj], gatt, sem_d)
            cp1.wait()
            cp2.wait()

            def _edge(i, _):
                asrc = grow[i, pl.ds(AOFF, 16)]
                e = asrc + gatt[i, :]
                e = jnp.where(e >= 0.0, e, 0.2 * e)
                wv = jnp.exp(e)
                stage[i, pl.ds(AOFF, 16)] = wv
                for hb in range(4):
                    wb = _bcast_lane(wv, hb)
                    stage[i, pl.ds(hb * 16, 16)] = grow[i, pl.ds(hb * 16, 16)] * wb
                return 0
            lax.fori_loop(0, CH, _edge, 0)
            pltpu.sync_copy(stage, acc_sp.at[di_v.at[j]], add=True)
            return 0
        lax.fori_loop(0, NCHUNK, _chunk, 0)

        plsc.subcore_barrier()
        for k in range(n_rcopy):
            r0 = s * rows_pt + k * CH
            pltpu.sync_copy(acc_sp.at[pl.ds(r0, CH)], out_hbm.at[c, pl.ds(r0, CH)])

    return edge_kernel


_edge = _make_edge_kernel()


def kernel(x, edge_index, W1, a1_src, a1_dst, b1,
           W2, a2_src, a2_dst, b2, W3, a3_src, a3_dst, b3):
    src = edge_index[0].astype(jnp.int32)
    dst = edge_index[1].astype(jnp.int32)
    loop = jnp.arange(N_NODES, dtype=jnp.int32)
    padi = jnp.full((E_PAD - E_FULL,), N_NODES, jnp.int32)
    si = jnp.concatenate([src, loop, padi]).reshape(NS, NCHUNK, CH)
    di = jnp.concatenate([dst, loop, padi]).reshape(NS, NCHUNK, CH)
    xp = jnp.pad(x, ((0, N_PAD - N_NODES), (0, 0)))

    Ws1, Wd1 = _build_weights(W1, a1_src, a1_dst)
    Ws2, Wd2 = _build_weights(W2, a2_src, a2_dst)
    Ws3, Wd3 = _build_weights_l3(W3, a3_src, a3_dst)

    exp8 = jnp.repeat(jnp.eye(8, dtype=jnp.float32), 16, axis=1)
    b1_2d = b1.reshape(1, 128)
    b2_2d = b2.reshape(1, 128)
    b3_2d = b3.reshape(1, 40)

    ts1, td1 = _tables(xp, Ws1, Wd1)
    acc1 = _edge(ts1, td1, si, di)
    ts2, td2 = _mid(acc1, b1_2d, exp8, Ws2, Wd2)
    acc2 = _edge(ts2, td2, si, di)
    ts3, td3 = _mid(acc2, b2_2d, exp8, Ws3, Wd3)
    acc3 = _edge(ts3, td3, si, di)
    out = _final(acc3, b3_2d)
    return out[:N_NODES]

# --- scband reference (transcript-rebuilt; emitter-appended) ---
"""Pipeline reference for scband-simple-gatnode-53463752900657 (READ-ONLY COPY).

The authoritative reference and input builder live on the scoring server;
editing this copy changes nothing except your own understanding.
"""

import jax, jax.numpy as jnp
import numpy as np

N_NODES = 10000
N_EDGES = 320000
IN_CH = 128
HID = 16
HEADS = 8
OUT_CH = 40


def setup_inputs(seed: int = 0) -> dict:
    key = jax.random.key(seed)
    ks = jax.random.split(key, 16)
    x = jax.random.normal(ks[0], (N_NODES, IN_CH), dtype=jnp.float32)
    edge_index = jax.random.randint(ks[1], (2, N_EDGES), 0, N_NODES, dtype=jnp.int64 if jax.config.jax_enable_x64 else jnp.int32).astype(jnp.int32)
    s = 0.1
    # Layer 1: in=128 -> heads=8, C=16, concat -> 128
    W1 = jax.random.normal(ks[2], (IN_CH, HEADS * HID), dtype=jnp.float32) * s
    a1_src = jax.random.normal(ks[3], (HEADS, HID), dtype=jnp.float32) * s
    a1_dst = jax.random.normal(ks[4], (HEADS, HID), dtype=jnp.float32) * s
    b1 = jnp.zeros((HEADS * HID,), dtype=jnp.float32)
    # Layer 2: in=128 -> heads=8, C=16, concat -> 128
    W2 = jax.random.normal(ks[5], (HEADS * HID, HEADS * HID), dtype=jnp.float32) * s
    a2_src = jax.random.normal(ks[6], (HEADS, HID), dtype=jnp.float32) * s
    a2_dst = jax.random.normal(ks[7], (HEADS, HID), dtype=jnp.float32) * s
    b2 = jnp.zeros((HEADS * HID,), dtype=jnp.float32)
    # Layer 3: in=128 -> heads=1, C=40, no concat (mean)
    W3 = jax.random.normal(ks[8], (HEADS * HID, 1 * OUT_CH), dtype=jnp.float32) * s
    a3_src = jax.random.normal(ks[9], (1, OUT_CH), dtype=jnp.float32) * s
    a3_dst = jax.random.normal(ks[10], (1, OUT_CH), dtype=jnp.float32) * s
    b3 = jnp.zeros((OUT_CH,), dtype=jnp.float32)
    return {"x": x, "edge_index": edge_index,
            "W1": W1, "a1_src": a1_src, "a1_dst": a1_dst, "b1": b1,
            "W2": W2, "a2_src": a2_src, "a2_dst": a2_dst, "b2": b2,
            "W3": W3, "a3_src": a3_src, "a3_dst": a3_dst, "b3": b3}


def gat_conv(x, src, dst, W, att_src, att_dst, bias, concat):
    # Faithful PyG GATConv (eval mode, add_self_loops=True, negative_slope=0.2)
    N = x.shape[0]
    H, C = att_src.shape
    h = (x @ W).reshape(N, H, C)
    loop = jnp.arange(N, dtype=src.dtype)
    src_f = jnp.concatenate([src, loop])
    dst_f = jnp.concatenate([dst, loop])
    a_src = jnp.sum(h * att_src[None, :, :], axis=-1)  # [N, H]
    a_dst = jnp.sum(h * att_dst[None, :, :], axis=-1)  # [N, H]
    e = a_src[src_f] + a_dst[dst_f]                    # [E+N, H]
    e = jax.nn.leaky_relu(e, negative_slope=0.2)
    e_max = jax.ops.segment_max(e, dst_f, num_segments=N)
    e_exp = jnp.exp(e - jax.lax.stop_gradient(e_max)[dst_f])
    denom = jax.ops.segment_sum(e_exp, dst_f, num_segments=N)
    alpha = e_exp / (denom[dst_f] + 1e-16)             # softmax over incoming edges
    msg = h[src_f] * alpha[:, :, None]                 # [E+N, H, C]
    out = jax.ops.segment_sum(msg, dst_f, num_segments=N)  # [N, H, C]
    if concat:
        out = out.reshape(N, H * C)
    else:
        out = out.mean(axis=1)
    return out + bias


def reference(x, edge_index, W1, a1_src, a1_dst, b1, W2, a2_src, a2_dst, b2, W3, a3_src, a3_dst, b3):
    src = edge_index[0]
    dst = edge_index[1]
    # eval mode: dropout is identity
    h = gat_conv(x, src, dst, W1, a1_src, a1_dst, b1, concat=True)
    h = jax.nn.elu(h)
    h = gat_conv(h, src, dst, W2, a2_src, a2_dst, b2, concat=True)
    h = jax.nn.elu(h)
    h = gat_conv(h, src, dst, W3, a3_src, a3_dst, b3, concat=False)
    return jax.nn.log_softmax(h, axis=1)

if __name__ == "__main__":
    import jax
    _d = setup_inputs()
    print(jax.jit(kernel)(*tuple(_d.values())))

</pallas_src>

<mosaic_0001>
#map = affine_map<(d0, d1) -> (0, 0)>
#map1 = affine_map<(d0, d1) -> (0, 0, 0)>
module attributes {stable_mosaic.version = 14 : i64} {
  func.func @edge_kernel(%arg0: i32, %arg1: i32, %arg2: memref<20480x80xf32, #tpu.memory_space<hbm>>, %arg3: memref<20480x16xf32, #tpu.memory_space<hbm>>, %arg4: memref<16x162x128xi32, #tpu.memory_space<hbm>>, %arg5: memref<16x162x128xi32, #tpu.memory_space<hbm>>, %arg6: memref<2x10240x80xf32, #tpu.memory_space<hbm>>, %arg7: memref<162x128xi32, #tpu.memory_space<vmem>>, %arg8: memref<162x128xi32, #tpu.memory_space<vmem>>, %arg9: memref<128xi32, #tpu.memory_space<vmem>>, %arg10: memref<128xi32, #tpu.memory_space<vmem>>, %arg11: memref<128x80xf32, #tpu.memory_space<vmem>>, %arg12: memref<128x16xf32, #tpu.memory_space<vmem>>, %arg13: memref<128x80xf32, #tpu.memory_space<vmem>>, %arg14: memref<10240x80xf32, #tpu.memory_space<vmem_shared>>, %arg15: memref<!tpu.dma_semaphore, #tpu.memory_space<semaphore_mem>>, %arg16: memref<!tpu.dma_semaphore, #tpu.memory_space<semaphore_mem>>) attributes {dimension_semantics = [#tpu.dimension_semantics<core_parallel>, #tpu.dimension_semantics<subcore_parallel>], iteration_bounds = array<i64: 2, 16>, scalar_prefetch = 0 : i64, scratch_operands = 10 : i64, tpu.core_type = #tpu.core_type<sc_vector_subcore>, window_params = [{transform_indices = #map}, {transform_indices = #map}, {transform_indices = #map1}, {transform_indices = #map1}, {transform_indices = #map1}]} {
    %mul3A = arith.constant 10240 : i32
    %mul3A_0 = arith.muli %arg0, %mul3A : i32
    %scan3A = arith.constant 0 : i32
    %scan3A_1 = arith.constant 0 : i32
    %scan3A_2 = arith.constant 640 : i32
    %scan3A_3 = arith.addi %scan3A_1, %scan3A_2 : i32
    %scan3A_4 = arith.constant 1 : i32
    %scan3A_5 = scf.for %scan3A_54 = %scan3A_1 to %scan3A_3 step %scan3A_4 iter_args(%scan3A_55 = %scan3A) -> (i32)  : i32 {
      %broadcast_in_dim3A = arith.constant 0.000000e+00 : f32
      %broadcast_in_dim3A_56 = vector.broadcast %broadcast_in_dim3A : f32 to vector<16xf32>
      %jit3A = arith.constant 5 : i32
      %div3A = arith.divsi %scan3A_54, %jit3A : i32
      %sign3A = arith.constant 0 : i32
      %sign3A_57 = arith.cmpi sgt, %scan3A_54, %sign3A : i32
      %sign3A_58 = arith.extui %sign3A_57 : i1 to i32
      %sign3A_59 = arith.constant 0 : i32
      %sign3A_60 = arith.cmpi slt, %scan3A_54, %sign3A_59 : i32
      %sign3A_61 = arith.extui %sign3A_60 : i1 to i32
      %sign3A_62 = arith.subi %sign3A_58, %sign3A_61 : i32
      %sign3A_63 = arith.constant 0 : i32
      %sign3A_64 = arith.cmpi sgt, %jit3A, %sign3A_63 : i32
      %sign3A_65 = arith.extui %sign3A_64 : i1 to i32
      %sign3A_66 = arith.constant 0 : i32
      %sign3A_67 = arith.cmpi slt, %jit3A, %sign3A_66 : i32
      %sign3A_68 = arith.extui %sign3A_67 : i1 to i32
      %sign3A_69 = arith.subi %sign3A_65, %sign3A_68 : i32
      %ne3A = arith.cmpi ne, %sign3A_62, %sign3A_69 : i32
      %rem3A = arith.remsi %scan3A_54, %jit3A : i32
      %ne3A_70 = arith.constant 0 : i32
      %ne3A_71 = arith.cmpi ne, %rem3A, %ne3A_70 : i32
      %and3A = arith.andi %ne3A, %ne3A_71 : i1
      %sub3A = arith.constant 1 : i32
      %sub3A_72 = arith.subi %div3A, %sub3A : i32
      %select_n3A = arith.select %and3A, %sub3A_72, %div3A : i32
      %jit3A_73 = arith.constant 5 : i32
      %eq3A = arith.constant 0 : i32
      %eq3A_74 = arith.cmpi eq, %jit3A_73, %eq3A : i32
      %jit3A_75 = arith.constant 1 : i32
      %select_n3A_76 = arith.select %eq3A_74, %jit3A_75, %jit3A_73 : i32
      %rem3A_77 = arith.remsi %scan3A_54, %select_n3A_76 : i32
      %ne3A_78 = arith.constant 0 : i32
      %ne3A_79 = arith.cmpi ne, %rem3A_77, %ne3A_78 : i32
      %lt3A = arith.constant 0 : i32
      %lt3A_80 = arith.cmpi slt, %rem3A_77, %lt3A : i32
      %lt3A_81 = arith.constant 0 : i32
      %lt3A_82 = arith.cmpi slt, %select_n3A_76, %lt3A_81 : i32
      %ne3A_83 = arith.xori %lt3A_80, %lt3A_82 : i1
      %and3A_84 = arith.andi %ne3A_83, %ne3A_79 : i1
      %add3A_85 = arith.addi %rem3A_77, %select_n3A_76 : i32
      %select_n3A_86 = arith.select %and3A_84, %add3A_85, %rem3A_77 : i32
      %mul3A_87 = arith.constant 16 : i32
      %mul3A_88 = arith.muli %select_n3A_86, %mul3A_87 : i32
      %swap3A = arith.index_cast %select_n3A : i32 to index
      %swap3A_89 = arith.index_cast %mul3A_88 : i32 to index
      %swap3A_90 = tpu.vector_load %arg13[%swap3A, %swap3A_89] {strides = array<i32>} : memref<128x80xf32, #tpu.memory_space<vmem>>, vector<1x16xf32>,
      %swap3A_91 = vector.shape_cast %swap3A_90 : vector<1x16xf32> to vector<16xf32>
      %swap3A_92 = vector.shape_cast %broadcast_in_dim3A_56 : vector<16xf32> to vector<1x16xf32>
      tpu.vector_store %arg13[%swap3A, %swap3A_89], %swap3A_92 {strides = array<i32>} : memref<128x80xf32, #tpu.memory_space<vmem>>, vector<1x16xf32>,
      %scan3A_93 = arith.constant 0 : i32
      scf.yield %scan3A_93 : i32
    }
    %scan3A_6 = arith.constant 640 : i32
    %mul3A_7 = arith.constant 640 : i32
    %mul3A_8 = arith.muli %arg1, %mul3A_7 : i32
    %add3A = arith.constant 0 : i32
    %add3A_9 = arith.addi %mul3A_8, %add3A : i32
    "tpu.region"() ({
      %run_scoped3A = tpu.sem_alloc : memref<!tpu.dma_semaphore, #tpu.memory_space<semaphore_mem>>
      %dma_start3A = arith.constant 0 : i32
      %dma_start3A_54 = tpu.memref_slice %arg14[%add3A_9, %dma_start3A] : memref<10240x80xf32, #tpu.memory_space<vmem_shared>> -> memref<128x80xf32, #tpu.memory_space<vmem_shared>>
      %dma_start3A_55 = arith.constant 0 : i32
      %dma_start3A_56 = tpu.memref_slice %arg14[%add3A_9, %dma_start3A_55] : memref<10240x80xf32, #tpu.memory_space<vmem_shared>> -> memref<128x80xf32, #tpu.memory_space<vmem_shared>>
      tpu.enqueue_dma source(%arg13 : memref<128x80xf32, #tpu.memory_space<vmem>>) target(%dma_start3A_56 : memref<128x80xf32, #tpu.memory_space<vmem_shared>>) target_semaphore(%run_scoped3A : memref<!tpu.dma_semaphore, #tpu.memory_space<semaphore_mem>>)
      %dma_wait3A = arith.constant 0 : i32
      %dma_wait3A_57 = tpu.memref_slice %arg14[%add3A_9, %dma_wait3A] : memref<10240x80xf32, #tpu.memory_space<vmem_shared>> -> memref<128x80xf32, #tpu.memory_space<vmem_shared>>
      %dma_wait3A_58 = arith.constant 0 : i32
      %dma_wait3A_59 = tpu.memref_slice %arg14[%add3A_9, %dma_wait3A_58] : memref<10240x80xf32, #tpu.memory_space<vmem_shared>> -> memref<128x80xf32, #tpu.memory_space<vmem_shared>>
      tpu.wait_dma2 semaphore(%run_scoped3A : memref<!tpu.dma_semaphore, #tpu.memory_space<semaphore_mem>>) src(%arg13 : memref<128x80xf32, #tpu.memory_space<vmem>>) dst(%dma_wait3A_59 : memref<128x80xf32, #tpu.memory_space<vmem_shared>>)
      tpu.yield
    }) : () -> ()
    %mul3A_10 = arith.constant 640 : i32
    %mul3A_11 = arith.muli %arg1, %mul3A_10 : i32
    %add3A_12 = arith.constant 128 : i32
    %add3A_13 = arith.addi %mul3A_11, %add3A_12 : i32
    "tpu.region"() ({
      %run_scoped3A = tpu.sem_alloc : memref<!tpu.dma_semaphore, #tpu.memory_space<semaphore_mem>>
      %dma_start3A = arith.constant 0 : i32
      %dma_start3A_54 = tpu.memref_slice %arg14[%add3A_13, %dma_start3A] : memref<10240x80xf32, #tpu.memory_space<vmem_shared>> -> memref<128x80xf32, #tpu.memory_space<vmem_shared>>
      %dma_start3A_55 = arith.constant 0 : i32
      %dma_start3A_56 = tpu.memref_slice %arg14[%add3A_13, %dma_start3A_55] : memref<10240x80xf32, #tpu.memory_space<vmem_shared>> -> memref<128x80xf32, #tpu.memory_space<vmem_shared>>
      tpu.enqueue_dma source(%arg13 : memref<128x80xf32, #tpu.memory_space<vmem>>) target(%dma_start3A_56 : memref<128x80xf32, #tpu.memory_space<vmem_shared>>) target_semaphore(%run_scoped3A : memref<!tpu.dma_semaphore, #tpu.memory_space<semaphore_mem>>)
      %dma_wait3A = arith.constant 0 : i32
      %dma_wait3A_57 = tpu.memref_slice %arg14[%add3A_13, %dma_wait3A] : memref<10240x80xf32, #tpu.memory_space<vmem_shared>> -> memref<128x80xf32, #tpu.memory_space<vmem_shared>>
      %dma_wait3A_58 = arith.constant 0 : i32
      %dma_wait3A_59 = tpu.memref_slice %arg14[%add3A_13, %dma_wait3A_58] : memref<10240x80xf32, #tpu.memory_space<vmem_shared>> -> memref<128x80xf32, #tpu.memory_space<vmem_shared>>
      tpu.wait_dma2 semaphore(%run_scoped3A : memref<!tpu.dma_semaphore, #tpu.memory_space<semaphore_mem>>) src(%arg13 : memref<128x80xf32, #tpu.memory_space<vmem>>) dst(%dma_wait3A_59 : memref<128x80xf32, #tpu.memory_space<vmem_shared>>)
      tpu.yield
    }) : () -> ()
    %mul3A_14 = arith.constant 640 : i32
    %mul3A_15 = arith.muli %arg1, %mul3A_14 : i32
    %add3A_16 = arith.constant 256 : i32
    %add3A_17 = arith.addi %mul3A_15, %add3A_16 : i32
    "tpu.region"() ({
      %run_scoped3A = tpu.sem_alloc : memref<!tpu.dma_semaphore, #tpu.memory_space<semaphore_mem>>
      %dma_start3A = arith.constant 0 : i32
      %dma_start3A_54 = tpu.memref_slice %arg14[%add3A_17, %dma_start3A] : memref<10240x80xf32, #tpu.memory_space<vmem_shared>> -> memref<128x80xf32, #tpu.memory_space<vmem_shared>>
      %dma_start3A_55 = arith.constant 0 : i32
      %dma_start3A_56 = tpu.memref_slice %arg14[%add3A_17, %dma_start3A_55] : memref<10240x80xf32, #tpu.memory_space<vmem_shared>> -> memref<128x80xf32, #tpu.memory_space<vmem_shared>>
      tpu.enqueue_dma source(%arg13 : memref<128x80xf32, #tpu.memory_space<vmem>>) target(%dma_start3A_56 : memref<128x80xf32, #tpu.memory_space<vmem_shared>>) target_semaphore(%run_scoped3A : memref<!tpu.dma_semaphore, #tpu.memory_space<semaphore_mem>>)
      %dma_wait3A = arith.constant 0 : i32
      %dma_wait3A_57 = tpu.memref_slice %arg14[%add3A_17, %dma_wait3A] : memref<10240x80xf32, #tpu.memory_space<vmem_shared>> -> memref<128x80xf32, #tpu.memory_space<vmem_shared>>
      %dma_wait3A_58 = arith.constant 0 : i32
      %dma_wait3A_59 = tpu.memref_slice %arg14[%add3A_17, %dma_wait3A_58] : memref<10240x80xf32, #tpu.memory_space<vmem_shared>> -> memref<128x80xf32, #tpu.memory_space<vmem_shared>>
      tpu.wait_dma2 semaphore(%run_scoped3A : memref<!tpu.dma_semaphore, #tpu.memory_space<semaphore_mem>>) src(%arg13 : memref<128x80xf32, #tpu.memory_space<vmem>>) dst(%dma_wait3A_59 : memref<128x80xf32, #tpu.memory_space<vmem_shared>>)
      tpu.yield
    }) : () -> ()
    %mul3A_18 = arith.constant 640 : i32
    %mul3A_19 = arith.muli %arg1, %mul3A_18 : i32
    %add3A_20 = arith.constant 384 : i32
    %add3A_21 = arith.addi %mul3A_19, %add3A_20 : i32
    "tpu.region"() ({
      %run_scoped3A = tpu.sem_alloc : memref<!tpu.dma_semaphore, #tpu.memory_space<semaphore_mem>>
      %dma_start3A = arith.constant 0 : i32
      %dma_start3A_54 = tpu.memref_slice %arg14[%add3A_21, %dma_start3A] : memref<10240x80xf32, #tpu.memory_space<vmem_shared>> -> memref<128x80xf32, #tpu.memory_space<vmem_shared>>
      %dma_start3A_55 = arith.constant 0 : i32
      %dma_start3A_56 = tpu.memref_slice %arg14[%add3A_21, %dma_start3A_55] : memref<10240x80xf32, #tpu.memory_space<vmem_shared>> -> memref<128x80xf32, #tpu.memory_space<vmem_shared>>
      tpu.enqueue_dma source(%arg13 : memref<128x80xf32, #tpu.memory_space<vmem>>) target(%dma_start3A_56 : memref<128x80xf32, #tpu.memory_space<vmem_shared>>) target_semaphore(%run_scoped3A : memref<!tpu.dma_semaphore, #tpu.memory_space<semaphore_mem>>)
      %dma_wait3A = arith.constant 0 : i32
      %dma_wait3A_57 = tpu.memref_slice %arg14[%add3A_21, %dma_wait3A] : memref<10240x80xf32, #tpu.memory_space<vmem_shared>> -> memref<128x80xf32, #tpu.memory_space<vmem_shared>>
      %dma_wait3A_58 = arith.constant 0 : i32
      %dma_wait3A_59 = tpu.memref_slice %arg14[%add3A_21, %dma_wait3A_58] : memref<10240x80xf32, #tpu.memory_space<vmem_shared>> -> memref<128x80xf32, #tpu.memory_space<vmem_shared>>
      tpu.wait_dma2 semaphore(%run_scoped3A : memref<!tpu.dma_semaphore, #tpu.memory_space<semaphore_mem>>) src(%arg13 : memref<128x80xf32, #tpu.memory_space<vmem>>) dst(%dma_wait3A_59 : memref<128x80xf32, #tpu.memory_space<vmem_shared>>)
      tpu.yield
    }) : () -> ()
    %mul3A_22 = arith.constant 640 : i32
    %mul3A_23 = arith.muli %arg1, %mul3A_22 : i32
    %add3A_24 = arith.constant 512 : i32
    %add3A_25 = arith.addi %mul3A_23, %add3A_24 : i32
    "tpu.region"() ({
      %run_scoped3A = tpu.sem_alloc : memref<!tpu.dma_semaphore, #tpu.memory_space<semaphore_mem>>
      %dma_start3A = arith.constant 0 : i32
      %dma_start3A_54 = tpu.memref_slice %arg14[%add3A_25, %dma_start3A] : memref<10240x80xf32, #tpu.memory_space<vmem_shared>> -> memref<128x80xf32, #tpu.memory_space<vmem_shared>>
      %dma_start3A_55 = arith.constant 0 : i32
      %dma_start3A_56 = tpu.memref_slice %arg14[%add3A_25, %dma_start3A_55] : memref<10240x80xf32, #tpu.memory_space<vmem_shared>> -> memref<128x80xf32, #tpu.memory_space<vmem_shared>>
      tpu.enqueue_dma source(%arg13 : memref<128x80xf32, #tpu.memory_space<vmem>>) target(%dma_start3A_56 : memref<128x80xf32, #tpu.memory_space<vmem_shared>>) target_semaphore(%run_scoped3A : memref<!tpu.dma_semaphore, #tpu.memory_space<semaphore_mem>>)
      %dma_wait3A = arith.constant 0 : i32
      %dma_wait3A_57 = tpu.memref_slice %arg14[%add3A_25, %dma_wait3A] : memref<10240x80xf32, #tpu.memory_space<vmem_shared>> -> memref<128x80xf32, #tpu.memory_space<vmem_shared>>
      %dma_wait3A_58 = arith.constant 0 : i32
      %dma_wait3A_59 = tpu.memref_slice %arg14[%add3A_25, %dma_wait3A_58] : memref<10240x80xf32, #tpu.memory_space<vmem_shared>> -> memref<128x80xf32, #tpu.memory_space<vmem_shared>>
      tpu.wait_dma2 semaphore(%run_scoped3A : memref<!tpu.dma_semaphore, #tpu.memory_space<semaphore_mem>>) src(%arg13 : memref<128x80xf32, #tpu.memory_space<vmem>>) dst(%dma_wait3A_59 : memref<128x80xf32, #tpu.memory_space<vmem_shared>>)
      tpu.yield
    }) : () -> ()
    %barrier3A = arith.constant 0 : index
    tpu.barrier barrier_id(%barrier3A)
    "tpu.region"() ({
      %run_scoped3A = tpu.sem_alloc : memref<!tpu.dma_semaphore, #tpu.memory_space<semaphore_mem>>
      %dma_start3A = arith.constant 0 : i32
      %dma_start3A_54 = arith.constant 0 : i32
      %dma_start3A_55 = tpu.memref_slice %arg4[%arg1, %dma_start3A, %dma_start3A_54] : memref<16x162x128xi32, #tpu.memory_space<hbm>> -> memref<1x162x128xi32, #tpu.memory_space<hbm>>
      %dma_start3A_56 = tpu.memref_squeeze %dma_start3A_55 : memref<1x162x128xi32, #tpu.memory_space<hbm>> -> memref<162x128xi32, #tpu.memory_space<hbm>>
      %dma_start3A_57 = arith.constant 0 : i32
      %dma_start3A_58 = arith.constant 0 : i32
      %dma_start3A_59 = tpu.memref_slice %arg4[%arg1, %dma_start3A_57, %dma_start3A_58] : memref<16x162x128xi32, #tpu.memory_space<hbm>> -> memref<1x162x128xi32, #tpu.memory_space<hbm>>
      %dma_start3A_60 = tpu.memref_squeeze %dma_start3A_59 : memref<1x162x128xi32, #tpu.memory_space<hbm>> -> memref<162x128xi32, #tpu.memory_space<hbm>>
      tpu.enqueue_dma source(%dma_start3A_60 : memref<162x128xi32, #tpu.memory_space<hbm>>) target(%arg7 : memref<162x128xi32, #tpu.memory_space<vmem>>) target_semaphore(%run_scoped3A : memref<!tpu.dma_semaphore, #tpu.memory_space<semaphore_mem>>)
      %dma_wait3A = arith.constant 0 : i32
      %dma_wait3A_61 = arith.constant 0 : i32
      %dma_wait3A_62 = tpu.memref_slice %arg4[%arg1, %dma_wait3A, %dma_wait3A_61] : memref<16x162x128xi32, #tpu.memory_space<hbm>> -> memref<1x162x128xi32, #tpu.memory_space<hbm>>
      %dma_wait3A_63 = tpu.memref_squeeze %dma_wait3A_62 : memref<1x162x128xi32, #tpu.memory_space<hbm>> -> memref<162x128xi32, #tpu.memory_space<hbm>>
      %dma_wait3A_64 = arith.constant 0 : i32
      %dma_wait3A_65 = arith.constant 0 : i32
      %dma_wait3A_66 = tpu.memref_slice %arg4[%arg1, %dma_wait3A_64, %dma_wait3A_65] : memref<16x162x128xi32, #tpu.memory_space<hbm>> -> memref<1x162x128xi32, #tpu.memory_space<hbm>>
      %dma_wait3A_67 = tpu.memref_squeeze %dma_wait3A_66 : memref<1x162x128xi32, #tpu.memory_space<hbm>> -> memref<162x128xi32, #tpu.memory_space<hbm>>
      tpu.wait_dma2 semaphore(%run_scoped3A : memref<!tpu.dma_semaphore, #tpu.memory_space<semaphore_mem>>) src(%dma_wait3A_67 : memref<162x128xi32, #tpu.memory_space<hbm>>) dst(%arg7 : memref<162x128xi32, #tpu.memory_space<vmem>>)
      tpu.yield
    }) : () -> ()
    "tpu.region"() ({
      %run_scoped3A = tpu.sem_alloc : memref<!tpu.dma_semaphore, #tpu.memory_space<semaphore_mem>>
      %dma_start3A = arith.constant 0 : i32
      %dma_start3A_54 = arith.constant 0 : i32
      %dma_start3A_55 = tpu.memref_slice %arg5[%arg1, %dma_start3A, %dma_start3A_54] : memref<16x162x128xi32, #tpu.memory_space<hbm>> -> memref<1x162x128xi32, #tpu.memory_space<hbm>>
      %dma_start3A_56 = tpu.memref_squeeze %dma_start3A_55 : memref<1x162x128xi32, #tpu.memory_space<hbm>> -> memref<162x128xi32, #tpu.memory_space<hbm>>
      %dma_start3A_57 = arith.constant 0 : i32
      %dma_start3A_58 = arith.constant 0 : i32
      %dma_start3A_59 = tpu.memref_slice %arg5[%arg1, %dma_start3A_57, %dma_start3A_58] : memref<16x162x128xi32, #tpu.memory_space<hbm>> -> memref<1x162x128xi32, #tpu.memory_space<hbm>>
      %dma_start3A_60 = tpu.memref_squeeze %dma_start3A_59 : memref<1x162x128xi32, #tpu.memory_space<hbm>> -> memref<162x128xi32, #tpu.memory_space<hbm>>
      tpu.enqueue_dma source(%dma_start3A_60 : memref<162x128xi32, #tpu.memory_space<hbm>>) target(%arg8 : memref<162x128xi32, #tpu.memory_space<vmem>>) target_semaphore(%run_scoped3A : memref<!tpu.dma_semaphore, #tpu.memory_space<semaphore_mem>>)
      %dma_wait3A = arith.constant 0 : i32
      %dma_wait3A_61 = arith.constant 0 : i32
      %dma_wait3A_62 = tpu.memref_slice %arg5[%arg1, %dma_wait3A, %dma_wait3A_61] : memref<16x162x128xi32, #tpu.memory_space<hbm>> -> memref<1x162x128xi32, #tpu.memory_space<hbm>>
      %dma_wait3A_63 = tpu.memref_squeeze %dma_wait3A_62 : memref<1x162x128xi32, #tpu.memory_space<hbm>> -> memref<162x128xi32, #tpu.memory_space<hbm>>
      %dma_wait3A_64 = arith.constant 0 : i32
      %dma_wait3A_65 = arith.constant 0 : i32
      %dma_wait3A_66 = tpu.memref_slice %arg5[%arg1, %dma_wait3A_64, %dma_wait3A_65] : memref<16x162x128xi32, #tpu.memory_space<hbm>> -> memref<1x162x128xi32, #tpu.memory_space<hbm>>
      %dma_wait3A_67 = tpu.memref_squeeze %dma_wait3A_66 : memref<1x162x128xi32, #tpu.memory_space<hbm>> -> memref<162x128xi32, #tpu.memory_space<hbm>>
      tpu.wait_dma2 semaphore(%run_scoped3A : memref<!tpu.dma_semaphore, #tpu.memory_space<semaphore_mem>>) src(%dma_wait3A_67 : memref<162x128xi32, #tpu.memory_space<hbm>>) dst(%arg8 : memref<162x128xi32, #tpu.memory_space<vmem>>)
      tpu.yield
    }) : () -> ()
    %scan3A_26 = arith.constant 0 : i32
    %scan3A_27 = arith.constant 0 : i32
    %scan3A_28 = arith.constant 162 : i32
    %scan3A_29 = arith.addi %scan3A_27, %scan3A_28 : i32
    %scan3A_30 = arith.constant 1 : i32
    %scan3A_31 = scf.for %scan3A_54 = %scan3A_27 to %scan3A_29 step %scan3A_30 iter_args(%scan3A_55 = %scan3A_26) -> (i32)  : i32 {
      %get3A = arith.index_cast %scan3A_54 : i32 to index
      %get3A_56 = arith.constant 0 : index
      %get3A_57 = tpu.vector_load %arg7[%get3A, %get3A_56] {strides = array<i32>} : memref<162x128xi32, #tpu.memory_space<vmem>>, vector<1x16xi32>,
      %get3A_58 = vector.shape_cast %get3A_57 : vector<1x16xi32> to vector<16xi32>
      %add3A_59 = vector.broadcast %mul3A_0 : i32 to vector<16xi32>
      %add3A_60 = arith.addi %get3A_58, %add3A_59 : vector<16xi32>
      %swap3A = arith.constant 0 : index
      %swap3A_61 = tpu.vector_load %arg9[%swap3A] {strides = array<i32>} : memref<128xi32, #tpu.memory_space<vmem>>, vector<16xi32>,
      %swap3A_62 = vector.shape_cast %swap3A_61 : vector<16xi32> to vector<16xi32>
      %swap3A_63 = vector.shape_cast %add3A_60 : vector<16xi32> to vector<16xi32>
      tpu.vector_store %arg9[%swap3A], %swap3A_63 {strides = array<i32>} : memref<128xi32, #tpu.memory_space<vmem>>, vector<16xi32>,
      %get3A_64 = arith.index_cast %scan3A_54 : i32 to index
      %get3A_65 = arith.constant 0 : index
      %get3A_66 = tpu.vector_load %arg8[%get3A_64, %get3A_65] {strides = array<i32>} : memref<162x128xi32, #tpu.memory_space<vmem>>, vector<1x16xi32>,
      %get3A_67 = vector.shape_cast %get3A_66 : vector<1x16xi32> to vector<16xi32>
      %add3A_68 = vector.broadcast %mul3A_0 : i32 to vector<16xi32>
      %add3A_69 = arith.addi %get3A_67, %add3A_68 : vector<16xi32>
      %swap3A_70 = arith.constant 0 : index
      %swap3A_71 = tpu.vector_load %arg10[%swap3A_70] {strides = array<i32>} : memref<128xi32, #tpu.memory_space<vmem>>, vector<16xi32>,
      %swap3A_72 = vector.shape_cast %swap3A_71 : vector<16xi32> to vector<16xi32>
      %swap3A_73 = vector.shape_cast %add3A_69 : vector<16xi32> to vector<16xi32>
      tpu.vector_store %arg10[%swap3A_70], %swap3A_73 {strides = array<i32>} : memref<128xi32, #tpu.memory_space<vmem>>, vector<16xi32>,
      %get3A_74 = arith.index_cast %scan3A_54 : i32 to index
      %get3A_75 = arith.constant 16 : index
      %get3A_76 = tpu.vector_load %arg7[%get3A_74, %get3A_75] {strides = array<i32>} : memref<162x128xi32, #tpu.memory_space<vmem>>, vector<1x16xi32>,
      %get3A_77 = vector.shape_cast %get3A_76 : vector<1x16xi32> to vector<16xi32>
      %add3A_78 = vector.broadcast %mul3A_0 : i32 to vector<16xi32>
      %add3A_79 = arith.addi %get3A_77, %add3A_78 : vector<16xi32>
      %swap3A_80 = arith.constant 16 : index
      %swap3A_81 = tpu.vector_load %arg9[%swap3A_80] {strides = array<i32>} : memref<128xi32, #tpu.memory_space<vmem>>, vector<16xi32>,
      %swap3A_82 = vector.shape_cast %swap3A_81 : vector<16xi32> to vector<16xi32>
      %swap3A_83 = vector.shape_cast %add3A_79 : vector<16xi32> to vector<16xi32>
      tpu.vector_store %arg9[%swap3A_80], %swap3A_83 {strides = array<i32>} : memref<128xi32, #tpu.memory_space<vmem>>, vector<16xi32>,
      %get3A_84 = arith.index_cast %scan3A_54 : i32 to index
      %get3A_85 = arith.constant 16 : index
      %get3A_86 = tpu.vector_load %arg8[%get3A_84, %get3A_85] {strides = array<i32>} : memref<162x128xi32, #tpu.memory_space<vmem>>, vector<1x16xi32>,
      %get3A_87 = vector.shape_cast %get3A_86 : vector<1x16xi32> to vector<16xi32>
      %add3A_88 = vector.broadcast %mul3A_0 : i32 to vector<16xi32>
      %add3A_89 = arith.addi %get3A_87, %add3A_88 : vector<16xi32>
      %swap3A_90 = arith.constant 16 : index
      %swap3A_91 = tpu.vector_load %arg10[%swap3A_90] {strides = array<i32>} : memref<128xi32, #tpu.memory_space<vmem>>, vector<16xi32>,
      %swap3A_92 = vector.shape_cast %swap3A_91 : vector<16xi32> to vector<16xi32>
      %swap3A_93 = vector.shape_cast %add3A_89 : vector<16xi32> to vector<16xi32>
      tpu.vector_store %arg10[%swap3A_90], %swap3A_93 {strides = array<i32>} : memref<128xi32, #tpu.memory_space<vmem>>, vector<16xi32>,
      %get3A_94 = arith.index_cast %scan3A_54 : i32 to index
      %get3A_95 = arith.constant 32 : index
      %get3A_96 = tpu.vector_load %arg7[%get3A_94, %get3A_95] {strides = array<i32>} : memref<162x128xi32, #tpu.memory_space<vmem>>, vector<1x16xi32>,
      %get3A_97 = vector.shape_cast %get3A_96 : vector<1x16xi32> to vector<16xi32>
      %add3A_98 = vector.broadcast %mul3A_0 : i32 to vector<16xi32>
      %add3A_99 = arith.addi %get3A_97, %add3A_98 : vector<16xi32>
      %swap3A_100 = arith.constant 32 : index
      %swap3A_101 = tpu.vector_load %arg9[%swap3A_100] {strides = array<i32>} : memref<128xi32, #tpu.memory_space<vmem>>, vector<16xi32>,
      %swap3A_102 = vector.shape_cast %swap3A_101 : vector<16xi32> to vector<16xi32>
      %swap3A_103 = vector.shape_cast %add3A_99 : vector<16xi32> to vector<16xi32>
      tpu.vector_store %arg9[%swap3A_100], %swap3A_103 {strides = array<i32>} : memref<128xi32, #tpu.memory_space<vmem>>, vector<16xi32>,
      %get3A_104 = arith.index_cast %scan3A_54 : i32 to index
      %get3A_105 = arith.constant 32 : index
      %get3A_106 = tpu.vector_load %arg8[%get3A_104, %get3A_105] {strides = array<i32>} : memref<162x128xi32, #tpu.memory_space<vmem>>, vector<1x16xi32>,
      %get3A_107 = vector.shape_cast %get3A_106 : vector<1x16xi32> to vector<16xi32>
      %add3A_108 = vector.broadcast %mul3A_0 : i32 to vector<16xi32>
      %add3A_109 = arith.addi %get3A_107, %add3A_108 : vector<16xi32>
      %swap3A_110 = arith.constant 32 : index
      %swap3A_111 = tpu.vector_load %arg10[%swap3A_110] {strides = array<i32>} : memref<128xi32, #tpu.memory_space<vmem>>, vector<16xi32>,
      %swap3A_112 = vector.shape_cast %swap3A_111 : vector<16xi32> to vector<16xi32>
      %swap3A_113 = vector.shape_cast %add3A_109 : vector<16xi32> to vector<16xi32>
      tpu.vector_store %arg10[%swap3A_110], %swap3A_113 {strides = array<i32>} : memref<128xi32, #tpu.memory_space<vmem>>, vector<16xi32>,
      %get3A_114 = arith.index_cast %scan3A_54 : i32 to index
      %get3A_115 = arith.constant 48 : index
      %get3A_116 = tpu.vector_load %arg7[%get3A_114, %get3A_115] {strides = array<i32>} : memref<162x128xi32, #tpu.memory_space<vmem>>, vector<1x16xi32>,
      %get3A_117 = vector.shape_cast %get3A_116 : vector<1x16xi32> to vector<16xi32>
      %add3A_118 = vector.broadcast %mul3A_0 : i32 to vector<16xi32>
      %add3A_119 = arith.addi %get3A_117, %add3A_118 : vector<16xi32>
      %swap3A_120 = arith.constant 48 : index
      %swap3A_121 = tpu.vector_load %arg9[%swap3A_120] {strides = array<i32>} : memref<128xi32, #tpu.memory_space<vmem>>, vector<16xi32>,
      %swap3A_122 = vector.shape_cast %swap3A_121 : vector<16xi32> to vector<16xi32>
      %swap3A_123 = vector.shape_cast %add3A_119 : vector<16xi32> to vector<16xi32>
      tpu.vector_store %arg9[%swap3A_120], %swap3A_123 {strides = array<i32>} : memref<128xi32, #tpu.memory_space<vmem>>, vector<16xi32>,
      %get3A_124 = arith.index_cast %scan3A_54 : i32 to index
      %get3A_125 = arith.constant 48 : index
      %get3A_126 = tpu.vector_load %arg8[%get3A_124, %get3A_125] {strides = array<i32>} : memref<162x128xi32, #tpu.memory_space<vmem>>, vector<1x16xi32>,
      %get3A_127 = vector.shape_cast %get3A_126 : vector<1x16xi32> to vector<16xi32>
      %add3A_128 = vector.broadcast %mul3A_0 : i32 to vector<16xi32>
      %add3A_129 = arith.addi %get3A_127, %add3A_128 : vector<16xi32>
      %swap3A_130 = arith.constant 48 : index
      %swap3A_131 = tpu.vector_load %arg10[%swap3A_130] {strides = array<i32>} : memref<128xi32, #tpu.memory_space<vmem>>, vector<16xi32>,
      %swap3A_132 = vector.shape_cast %swap3A_131 : vector<16xi32> to vector<16xi32>
      %swap3A_133 = vector.shape_cast %add3A_129 : vector<16xi32> to vector<16xi32>
      tpu.vector_store %arg10[%swap3A_130], %swap3A_133 {strides = array<i32>} : memref<128xi32, #tpu.memory_space<vmem>>, vector<16xi32>,
      %get3A_134 = arith.index_cast %scan3A_54 : i32 to index
      %get3A_135 = arith.constant 64 : index
      %get3A_136 = tpu.vector_load %arg7[%get3A_134, %get3A_135] {strides = array<i32>} : memref<162x128xi32, #tpu.memory_space<vmem>>, vector<1x16xi32>,
      %get3A_137 = vector.shape_cast %get3A_136 : vector<1x16xi32> to vector<16xi32>
      %add3A_138 = vector.broadcast %mul3A_0 : i32 to vector<16xi32>
      %add3A_139 = arith.addi %get3A_137, %add3A_138 : vector<16xi32>
      %swap3A_140 = arith.constant 64 : index
      %swap3A_141 = tpu.vector_load %arg9[%swap3A_140] {strides = array<i32>} : memref<128xi32, #tpu.memory_space<vmem>>, vector<16xi32>,
      %swap3A_142 = vector.shape_cast %swap3A_141 : vector<16xi32> to vector<16xi32>
      %swap3A_143 = vector.shape_cast %add3A_139 : vector<16xi32> to vector<16xi32>
      tpu.vector_store %arg9[%swap3A_140], %swap3A_143 {strides = array<i32>} : memref<128xi32, #tpu.memory_space<vmem>>, vector<16xi32>,
      %get3A_144 = arith.index_cast %scan3A_54 : i32 to index
      %get3A_145 = arith.constant 64 : index
      %get3A_146 = tpu.vector_load %arg8[%get3A_144, %get3A_145] {strides = array<i32>} : memref<162x128xi32, #tpu.memory_space<vmem>>, vector<1x16xi32>,
      %get3A_147 = vector.shape_cast %get3A_146 : vector<1x16xi32> to vector<16xi32>
      %add3A_148 = vector.broadcast %mul3A_0 : i32 to vector<16xi32>
      %add3A_149 = arith.addi %get3A_147, %add3A_148 : vector<16xi32>
      %swap3A_150 = arith.constant 64 : index
      %swap3A_151 = tpu.vector_load %arg10[%swap3A_150] {strides = array<i32>} : memref<128xi32, #tpu.memory_space<vmem>>, vector<16xi32>,
      %swap3A_152 = vector.shape_cast %swap3A_151 : vector<16xi32> to vector<16xi32>
      %swap3A_153 = vector.shape_cast %add3A_149 : vector<16xi32> to vector<16xi32>
      tpu.vector_store %arg10[%swap3A_150], %swap3A_153 {strides = array<i32>} : memref<128xi32, #tpu.memory_space<vmem>>, vector<16xi32>,
      %get3A_154 = arith.index_cast %scan3A_54 : i32 to index
      %get3A_155 = arith.constant 80 : index
      %get3A_156 = tpu.vector_load %arg7[%get3A_154, %get3A_155] {strides = array<i32>} : memref<162x128xi32, #tpu.memory_space<vmem>>, vector<1x16xi32>,
      %get3A_157 = vector.shape_cast %get3A_156 : vector<1x16xi32> to vector<16xi32>
      %add3A_158 = vector.broadcast %mul3A_0 : i32 to vector<16xi32>
      %add3A_159 = arith.addi %get3A_157, %add3A_158 : vector<16xi32>
      %swap3A_160 = arith.constant 80 : index
      %swap3A_161 = tpu.vector_load %arg9[%swap3A_160] {strides = array<i32>} : memref<128xi32, #tpu.memory_space<vmem>>, vector<16xi32>,
      %swap3A_162 = vector.shape_cast %swap3A_161 : vector<16xi32> to vector<16xi32>
      %swap3A_163 = vector.shape_cast %add3A_159 : vector<16xi32> to vector<16xi32>
      tpu.vector_store %arg9[%swap3A_160], %swap3A_163 {strides = array<i32>} : memref<128xi32, #tpu.memory_space<vmem>>, vector<16xi32>,
      %get3A_164 = arith.index_cast %scan3A_54 : i32 to index
      %get3A_165 = arith.constant 80 : index
      %get3A_166 = tpu.vector_load %arg8[%get3A_164, %get3A_165] {strides = array<i32>} : memref<162x128xi32, #tpu.memory_space<vmem>>, vector<1x16xi32>,
      %get3A_167 = vector.shape_cast %get3A_166 : vector<1x16xi32> to vector<16xi32>
      %add3A_168 = vector.broadcast %mul3A_0 : i32 to vector<16xi32>
      %add3A_169 = arith.addi %get3A_167, %add3A_168 : vector<16xi32>
      %swap3A_170 = arith.constant 80 : index
      %swap3A_171 = tpu.vector_load %arg10[%swap3A_170] {strides = array<i32>} : memref<128xi32, #tpu.memory_space<vmem>>, vector<16xi32>,
      %swap3A_172 = vector.shape_cast %swap3A_171 : vector<16xi32> to vector<16xi32>
      %swap3A_173 = vector.shape_cast %add3A_169 : vector<16xi32> to vector<16xi32>
      tpu.vector_store %arg10[%swap3A_170], %swap3A_173 {strides = array<i32>} : memref<128xi32, #tpu.memory_space<vmem>>, vector<16xi32>,
      %get3A_174 = arith.index_cast %scan3A_54 : i32 to index
      %get3A_175 = arith.constant 96 : index
      %get3A_176 = tpu.vector_load %arg7[%get3A_174, %get3A_175] {strides = array<i32>} : memref<162x128xi32, #tpu.memory_space<vmem>>, vector<1x16xi32>,
      %get3A_177 = vector.shape_cast %get3A_176 : vector<1x16xi32> to vector<16xi32>
      %add3A_178 = vector.broadcast %mul3A_0 : i32 to vector<16xi32>
      %add3A_179 = arith.addi %get3A_177, %add3A_178 : vector<16xi32>
      %swap3A_180 = arith.constant 96 : index
      %swap3A_181 = tpu.vector_load %arg9[%swap3A_180] {strides = array<i32>} : memref<128xi32, #tpu.memory_space<vmem>>, vector<16xi32>,
      %swap3A_182 = vector.shape_cast %swap3A_181 : vector<16xi32> to vector<16xi32>
      %swap3A_183 = vector.shape_cast %add3A_179 : vector<16xi32> to vector<16xi32>
      tpu.vector_store %arg9[%swap3A_180], %swap3A_183 {strides = array<i32>} : memref<128xi32, #tpu.memory_space<vmem>>, vector<16xi32>,
      %get3A_184 = arith.index_cast %scan3A_54 : i32 to index
      %get3A_185 = arith.constant 96 : index
      %get3A_186 = tpu.vector_load %arg8[%get3A_184, %get3A_185] {strides = array<i32>} : memref<162x128xi32, #tpu.memory_space<vmem>>, vector<1x16xi32>,
      %get3A_187 = vector.shape_cast %get3A_186 : vector<1x16xi32> to vector<16xi32>
      %add3A_188 = vector.broadcast %mul3A_0 : i32 to vector<16xi32>
      %add3A_189 = arith.addi %get3A_187, %add3A_188 : vector<16xi32>
      %swap3A_190 = arith.constant 96 : index
      %swap3A_191 = tpu.vector_load %arg10[%swap3A_190] {strides = array<i32>} : memref<128xi32, #tpu.memory_space<vmem>>, vector<16xi32>,
      %swap3A_192 = vector.shape_cast %swap3A_191 : vector<16xi32> to vector<16xi32>
      %swap3A_193 = vector.shape_cast %add3A_189 : vector<16xi32> to vector<16xi32>
      tpu.vector_store %arg10[%swap3A_190], %swap3A_193 {strides = array<i32>} : memref<128xi32, #tpu.memory_space<vmem>>, vector<16xi32>,
      %get3A_194 = arith.index_cast %scan3A_54 : i32 to index
      %get3A_195 = arith.constant 112 : index
      %get3A_196 = tpu.vector_load %arg7[%get3A_194, %get3A_195] {strides = array<i32>} : memref<162x128xi32, #tpu.memory_space<vmem>>, vector<1x16xi32>,
      %get3A_197 = vector.shape_cast %get3A_196 : vector<1x16xi32> to vector<16xi32>
      %add3A_198 = vector.broadcast %mul3A_0 : i32 to vector<16xi32>
      %add3A_199 = arith.addi %get3A_197, %add3A_198 : vector<16xi32>
      %swap3A_200 = arith.constant 112 : index
      %swap3A_201 = tpu.vector_load %arg9[%swap3A_200] {strides = array<i32>} : memref<128xi32, #tpu.memory_space<vmem>>, vector<16xi32>,
      %swap3A_202 = vector.shape_cast %swap3A_201 : vector<16xi32> to vector<16xi32>
      %swap3A_203 = vector.shape_cast %add3A_199 : vector<16xi32> to vector<16xi32>
      tpu.vector_store %arg9[%swap3A_200], %swap3A_203 {strides = array<i32>} : memref<128xi32, #tpu.memory_space<vmem>>, vector<16xi32>,
      %get3A_204 = arith.index_cast %scan3A_54 : i32 to index
      %get3A_205 = arith.constant 112 : index
      %get3A_206 = tpu.vector_load %arg8[%get3A_204, %get3A_205] {strides = array<i32>} : memref<162x128xi32, #tpu.memory_space<vmem>>, vector<1x16xi32>,
      %get3A_207 = vector.shape_cast %get3A_206 : vector<1x16xi32> to vector<16xi32>
      %add3A_208 = vector.broadcast %mul3A_0 : i32 to vector<16xi32>
      %add3A_209 = arith.addi %get3A_207, %add3A_208 : vector<16xi32>
      %swap3A_210 = arith.constant 112 : index
      %swap3A_211 = tpu.vector_load %arg10[%swap3A_210] {strides = array<i32>} : memref<128xi32, #tpu.memory_space<vmem>>, vector<16xi32>,
      %swap3A_212 = vector.shape_cast %swap3A_211 : vector<16xi32> to vector<16xi32>
      %swap3A_213 = vector.shape_cast %add3A_209 : vector<16xi32> to vector<16xi32>
      tpu.vector_store %arg10[%swap3A_210], %swap3A_213 {strides = array<i32>} : memref<128xi32, #tpu.memory_space<vmem>>, vector<16xi32>,
      %dma_start3A = arith.constant 0 : i32
      %dma_start3A_214 = arith.constant 0 : i32
      %dma_start3A_215 = tpu.memref_slice %arg2[%dma_start3A, %dma_start3A_214] : memref<20480x80xf32, #tpu.memory_space<hbm>> -> memref<20480x80xf32, #tpu.memory_space<hbm>>
      tpu.enqueue_indirect_dma source(%dma_start3A_215 : memref<20480x80xf32, #tpu.memory_space<hbm>>) target(%arg11 : memref<128x80xf32, #tpu.memory_space<vmem>>) offsets(%arg9 : memref<128xi32, #tpu.memory_space<vmem>>) semaphore(%arg15 : memref<!tpu.dma_semaphore, #tpu.memory_space<semaphore_mem>>)
      %dma_start3A_216 = arith.constant 0 : i32
      %dma_start3A_217 = arith.constant 0 : i32
      %dma_start3A_218 = tpu.memref_slice %arg3[%dma_start3A_216, %dma_start3A_217] : memref<20480x16xf32, #tpu.memory_space<hbm>> -> memref<20480x16xf32, #tpu.memory_space<hbm>>
      tpu.enqueue_indirect_dma source(%dma_start3A_218 : memref<20480x16xf32, #tpu.memory_space<hbm>>) target(%arg12 : memref<128x16xf32, #tpu.memory_space<vmem>>) offsets(%arg10 : memref<128xi32, #tpu.memory_space<vmem>>) semaphore(%arg16 : memref<!tpu.dma_semaphore, #tpu.memory_space<semaphore_mem>>)
      %dma_wait3A = arith.constant 0 : i32
      %dma_wait3A_219 = arith.constant 0 : i32
      %dma_wait3A_220 = tpu.memref_slice %arg2[%dma_wait3A, %dma_wait3A_219] : memref<20480x80xf32, #tpu.memory_space<hbm>> -> memref<20480x80xf32, #tpu.memory_space<hbm>>
      tpu.wait_indirect_dma semaphore(%arg15 : memref<!tpu.dma_semaphore, #tpu.memory_space<semaphore_mem>>) src(%dma_wait3A_220 : memref<20480x80xf32, #tpu.memory_space<hbm>>) dst(%arg11 : memref<128x80xf32, #tpu.memory_space<vmem>>)
      %dma_wait3A_221 = arith.constant 0 : i32
      %dma_wait3A_222 = arith.constant 0 : i32
      %dma_wait3A_223 = tpu.memref_slice %arg3[%dma_wait3A_221, %dma_wait3A_222] : memref<20480x16xf32, #tpu.memory_space<hbm>> -> memref<20480x16xf32, #tpu.memory_space<hbm>>
      tpu.wait_indirect_dma semaphore(%arg16 : memref<!tpu.dma_semaphore, #tpu.memory_space<semaphore_mem>>) src(%dma_wait3A_223 : memref<20480x16xf32, #tpu.memory_space<hbm>>) dst(%arg12 : memref<128x16xf32, #tpu.memory_space<vmem>>)
      %scan3A_224 = arith.constant 0 : i32
      %scan3A_225 = arith.constant 0 : i32
      %scan3A_226 = arith.constant 128 : i32
      %scan3A_227 = arith.addi %scan3A_225, %scan3A_226 : i32
      %scan3A_228 = arith.constant 1 : i32
      %scan3A_229 = scf.for %scan3A_232 = %scan3A_225 to %scan3A_227 step %scan3A_228 iter_args(%scan3A_233 = %scan3A_224) -> (i32)  : i32 {
        %get3A_234 = arith.index_cast %scan3A_232 : i32 to index
        %get3A_235 = arith.constant 64 : index
        %get3A_236 = tpu.vector_load %arg11[%get3A_234, %get3A_235] {strides = array<i32>} : memref<128x80xf32, #tpu.memory_space<vmem>>, vector<1x16xf32>,
        %get3A_237 = vector.shape_cast %get3A_236 : vector<1x16xf32> to vector<16xf32>
        %get3A_238 = arith.index_cast %scan3A_232 : i32 to index
        %get3A_239 = arith.constant 0 : index
        %get3A_240 = tpu.vector_load %arg12[%get3A_238, %get3A_239] {strides = array<i32>} : memref<128x16xf32, #tpu.memory_space<vmem>>, vector<1x16xf32>,
        %get3A_241 = vector.shape_cast %get3A_240 : vector<1x16xf32> to vector<16xf32>
        %add3A_242 = arith.addf %get3A_237, %get3A_241 : vector<16xf32>
        %ge3A = arith.constant 0.000000e+00 : f32
        %ge3A_243 = vector.broadcast %ge3A : f32 to vector<16xf32>
        %ge3A_244 = arith.cmpf oge, %add3A_242, %ge3A_243 : vector<16xf32>
        %mul3A_245 = arith.constant 2.000000e-01 : f32
        %mul3A_246 = vector.broadcast %mul3A_245 : f32 to vector<16xf32>
        %mul3A_247 = arith.mulf %mul3A_246, %add3A_242 : vector<16xf32>
        %select_n3A = arith.select %ge3A_244, %add3A_242, %mul3A_247 : vector<16xi1>, vector<16xf32>
        %exp3A = math.exp %select_n3A : vector<16xf32>
        %swap3A_248 = arith.index_cast %scan3A_232 : i32 to index
        %swap3A_249 = arith.constant 64 : index
        %swap3A_250 = tpu.vector_load %arg13[%swap3A_248, %swap3A_249] {strides = array<i32>} : memref<128x80xf32, #tpu.memory_space<vmem>>, vector<1x16xf32>,
        %swap3A_251 = vector.shape_cast %swap3A_250 : vector<1x16xf32> to vector<16xf32>
        %swap3A_252 = vector.shape_cast %exp3A : vector<16xf32> to vector<1x16xf32>
        tpu.vector_store %arg13[%swap3A_248, %swap3A_249], %swap3A_252 {strides = array<i32>} : memref<128x80xf32, #tpu.memory_space<vmem>>, vector<1x16xf32>,
        %broadcast_in_dim3A = arith.constant 0 : i32
        %broadcast_in_dim3A_253 = vector.broadcast %broadcast_in_dim3A : i32 to vector<16x1xi32>
        %gather3A = vector.shape_cast %broadcast_in_dim3A_253 : vector<16x1xi32> to vector<16xi32>
        %gather3A_254 = tpu.dynamic_gather %exp3A[%gather3A] in [0] : vector<16xf32>, vector<16xi32> -> vector<16xf32>
        %get3A_255 = arith.index_cast %scan3A_232 : i32 to index
        %get3A_256 = arith.constant 0 : index
        %get3A_257 = tpu.vector_load %arg11[%get3A_255, %get3A_256] {strides = array<i32>} : memref<128x80xf32, #tpu.memory_space<vmem>>, vector<1x16xf32>,
        %get3A_258 = vector.shape_cast %get3A_257 : vector<1x16xf32> to vector<16xf32>
        %mul3A_259 = arith.mulf %get3A_258, %gather3A_254 : vector<16xf32>
        %swap3A_260 = arith.index_cast %scan3A_232 : i32 to index
        %swap3A_261 = arith.constant 0 : index
        %swap3A_262 = tpu.vector_load %arg13[%swap3A_260, %swap3A_261] {strides = array<i32>} : memref<128x80xf32, #tpu.memory_space<vmem>>, vector<1x16xf32>,
        %swap3A_263 = vector.shape_cast %swap3A_262 : vector<1x16xf32> to vector<16xf32>
        %swap3A_264 = vector.shape_cast %mul3A_259 : vector<16xf32> to vector<1x16xf32>
        tpu.vector_store %arg13[%swap3A_260, %swap3A_261], %swap3A_264 {strides = array<i32>} : memref<128x80xf32, #tpu.memory_space<vmem>>, vector<1x16xf32>,
        %broadcast_in_dim3A_265 = arith.constant 1 : i32
        %broadcast_in_dim3A_266 = vector.broadcast %broadcast_in_dim3A_265 : i32 to vector<16x1xi32>
        %gather3A_267 = vector.shape_cast %broadcast_in_dim3A_266 : vector<16x1xi32> to vector<16xi32>
        %gather3A_268 = tpu.dynamic_gather %exp3A[%gather3A_267] in [0] : vector<16xf32>, vector<16xi32> -> vector<16xf32>
        %get3A_269 = arith.index_cast %scan3A_232 : i32 to index
        %get3A_270 = arith.constant 16 : index
        %get3A_271 = tpu.vector_load %arg11[%get3A_269, %get3A_270] {strides = array<i32>} : memref<128x80xf32, #tpu.memory_space<vmem>>, vector<1x16xf32>,
        %get3A_272 = vector.shape_cast %get3A_271 : vector<1x16xf32> to vector<16xf32>
        %mul3A_273 = arith.mulf %get3A_272, %gather3A_268 : vector<16xf32>
        %swap3A_274 = arith.index_cast %scan3A_232 : i32 to index
        %swap3A_275 = arith.constant 16 : index
        %swap3A_276 = tpu.vector_load %arg13[%swap3A_274, %swap3A_275] {strides = array<i32>} : memref<128x80xf32, #tpu.memory_space<vmem>>, vector<1x16xf32>,
        %swap3A_277 = vector.shape_cast %swap3A_276 : vector<1x16xf32> to vector<16xf32>
        %swap3A_278 = vector.shape_cast %mul3A_273 : vector<16xf32> to vector<1x16xf32>
        tpu.vector_store %arg13[%swap3A_274, %swap3A_275], %swap3A_278 {strides = array<i32>} : memref<128x80xf32, #tpu.memory_space<vmem>>, vector<1x16xf32>,
        %broadcast_in_dim3A_279 = arith.constant 2 : i32
        %broadcast_in_dim3A_280 = vector.broadcast %broadcast_in_dim3A_279 : i32 to vector<16x1xi32>
        %gather3A_281 = vector.shape_cast %broadcast_in_dim3A_280 : vector<16x1xi32> to vector<16xi32>
        %gather3A_282 = tpu.dynamic_gather %exp3A[%gather3A_281] in [0] : vector<16xf32>, vector<16xi32> -> vector<16xf32>
        %get3A_283 = arith.index_cast %scan3A_232 : i32 to index
        %get3A_284 = arith.constant 32 : index
        %get3A_285 = tpu.vector_load %arg11[%get3A_283, %get3A_284] {strides = array<i32>} : memref<128x80xf32, #tpu.memory_space<vmem>>, vector<1x16xf32>,
        %get3A_286 = vector.shape_cast %get3A_285 : vector<1x16xf32> to vector<16xf32>
        %mul3A_287 = arith.mulf %get3A_286, %gather3A_282 : vector<16xf32>
        %swap3A_288 = arith.index_cast %scan3A_232 : i32 to index
        %swap3A_289 = arith.constant 32 : index
        %swap3A_290 = tpu.vector_load %arg13[%swap3A_288, %swap3A_289] {strides = array<i32>} : memref<128x80xf32, #tpu.memory_space<vmem>>, vector<1x16xf32>,
        %swap3A_291 = vector.shape_cast %swap3A_290 : vector<1x16xf32> to vector<16xf32>
        %swap3A_292 = vector.shape_cast %mul3A_287 : vector<16xf32> to vector<1x16xf32>
        tpu.vector_store %arg13[%swap3A_288, %swap3A_289], %swap3A_292 {strides = array<i32>} : memref<128x80xf32, #tpu.memory_space<vmem>>, vector<1x16xf32>,
        %broadcast_in_dim3A_293 = arith.constant 3 : i32
        %broadcast_in_dim3A_294 = vector.broadcast %broadcast_in_dim3A_293 : i32 to vector<16x1xi32>
        %gather3A_295 = vector.shape_cast %broadcast_in_dim3A_294 : vector<16x1xi32> to vector<16xi32>
        %gather3A_296 = tpu.dynamic_gather %exp3A[%gather3A_295] in [0] : vector<16xf32>, vector<16xi32> -> vector<16xf32>
        %get3A_297 = arith.index_cast %scan3A_232 : i32 to index
        %get3A_298 = arith.constant 48 : index
        %get3A_299 = tpu.vector_load %arg11[%get3A_297, %get3A_298] {strides = array<i32>} : memref<128x80xf32, #tpu.memory_space<vmem>>, vector<1x16xf32>,
        %get3A_300 = vector.shape_cast %get3A_299 : vector<1x16xf32> to vector<16xf32>
        %mul3A_301 = arith.mulf %get3A_300, %gather3A_296 : vector<16xf32>
        %swap3A_302 = arith.index_cast %scan3A_232 : i32 to index
        %swap3A_303 = arith.constant 48 : index
        %swap3A_304 = tpu.vector_load %arg13[%swap3A_302, %swap3A_303] {strides = array<i32>} : memref<128x80xf32, #tpu.memory_space<vmem>>, vector<1x16xf32>,
        %swap3A_305 = vector.shape_cast %swap3A_304 : vector<1x16xf32> to vector<16xf32>
        %swap3A_306 = vector.shape_cast %mul3A_301 : vector<16xf32> to vector<1x16xf32>
        tpu.vector_store %arg13[%swap3A_302, %swap3A_303], %swap3A_306 {strides = array<i32>} : memref<128x80xf32, #tpu.memory_space<vmem>>, vector<1x16xf32>,
        %scan3A_307 = arith.constant 0 : i32
        scf.yield %scan3A_307 : i32
      }
      %scan3A_230 = arith.constant 128 : i32
      "tpu.region"() ({
        %run_scoped3A = tpu.sem_alloc : memref<!tpu.dma_semaphore, #tpu.memory_space<semaphore_mem>>
        %dma_start3A_232 = arith.constant 0 : i32
        %dma_start3A_233 = tpu.memref_slice %arg8[%scan3A_54, %dma_start3A_232] : memref<162x128xi32, #tpu.memory_space<vmem>> -> memref<1x128xi32, #tpu.memory_space<vmem>>
        %dma_start3A_234 = tpu.memref_squeeze %dma_start3A_233 : memref<1x128xi32, #tpu.memory_space<vmem>> -> memref<128xi32, #tpu.memory_space<vmem>>
        %dma_start3A_235 = arith.constant 0 : i32
        %dma_start3A_236 = arith.constant 0 : i32
        %dma_start3A_237 = tpu.memref_slice %arg14[%dma_start3A_235, %dma_start3A_236] : memref<10240x80xf32, #tpu.memory_space<vmem_shared>> -> memref<10240x80xf32, #tpu.memory_space<vmem_shared>>
        tpu.enqueue_indirect_dma source(%arg13 : memref<128x80xf32, #tpu.memory_space<vmem>>) target(%dma_start3A_237 : memref<10240x80xf32, #tpu.memory_space<vmem_shared>>) offsets(%dma_start3A_234 : memref<128xi32, #tpu.memory_space<vmem>>) semaphore(%run_scoped3A : memref<!tpu.dma_semaphore, #tpu.memory_space<semaphore_mem>>) {add = true}
        %dma_wait3A_238 = arith.constant 0 : i32
        %dma_wait3A_239 = tpu.memref_slice %arg8[%scan3A_54, %dma_wait3A_238] : memref<162x128xi32, #tpu.memory_space<vmem>> -> memref<1x128xi32, #tpu.memory_space<vmem>>
        %dma_wait3A_240 = tpu.memref_squeeze %dma_wait3A_239 : memref<1x128xi32, #tpu.memory_space<vmem>> -> memref<128xi32, #tpu.memory_space<vmem>>
        %dma_wait3A_241 = arith.constant 0 : i32
        %dma_wait3A_242 = arith.constant 0 : i32
        %dma_wait3A_243 = tpu.memref_slice %arg14[%dma_wait3A_241, %dma_wait3A_242] : memref<10240x80xf32, #tpu.memory_space<vmem_shared>> -> memref<10240x80xf32, #tpu.memory_space<vmem_shared>>
        tpu.wait_indirect_dma semaphore(%run_scoped3A : memref<!tpu.dma_semaphore, #tpu.memory_space<semaphore_mem>>) src(%arg13 : memref<128x80xf32, #tpu.memory_space<vmem>>) dst(%dma_wait3A_243 : memref<10240x80xf32, #tpu.memory_space<vmem_shared>>)
        tpu.yield
      }) : () -> ()
      %scan3A_231 = arith.constant 0 : i32
      scf.yield %scan3A_231 : i32
    }
    %scan3A_32 = arith.constant 162 : i32
    %barrier3A_33 = arith.constant 0 : index
    tpu.barrier barrier_id(%barrier3A_33)
    %mul3A_34 = arith.constant 640 : i32
    %mul3A_35 = arith.muli %arg1, %mul3A_34 : i32
    %add3A_36 = arith.constant 0 : i32
    %add3A_37 = arith.addi %mul3A_35, %add3A_36 : i32
    "tpu.region"() ({
      %run_scoped3A = tpu.sem_alloc : memref<!tpu.dma_semaphore, #tpu.memory_space<semaphore_mem>>
      %dma_start3A = arith.constant 0 : i32
      %dma_start3A_54 = tpu.memref_slice %arg6[%arg0, %add3A_37, %dma_start3A] : memref<2x10240x80xf32, #tpu.memory_space<hbm>> -> memref<1x128x80xf32, #tpu.memory_space<hbm>>
      %dma_start3A_55 = tpu.memref_squeeze %dma_start3A_54 : memref<1x128x80xf32, #tpu.memory_space<hbm>> -> memref<128x80xf32, #tpu.memory_space<hbm>>
      %dma_start3A_56 = arith.constant 0 : i32
      %dma_start3A_57 = tpu.memref_slice %arg14[%add3A_37, %dma_start3A_56] : memref<10240x80xf32, #tpu.memory_space<vmem_shared>> -> memref<128x80xf32, #tpu.memory_space<vmem_shared>>
      tpu.enqueue_dma source(%dma_start3A_57 : memref<128x80xf32, #tpu.memory_space<vmem_shared>>) target(%dma_start3A_55 : memref<128x80xf32, #tpu.memory_space<hbm>>) target_semaphore(%run_scoped3A : memref<!tpu.dma_semaphore, #tpu.memory_space<semaphore_mem>>)
      %dma_wait3A = arith.constant 0 : i32
      %dma_wait3A_58 = tpu.memref_slice %arg6[%arg0, %add3A_37, %dma_wait3A] : memref<2x10240x80xf32, #tpu.memory_space<hbm>> -> memref<1x128x80xf32, #tpu.memory_space<hbm>>
      %dma_wait3A_59 = tpu.memref_squeeze %dma_wait3A_58 : memref<1x128x80xf32, #tpu.memory_space<hbm>> -> memref<128x80xf32, #tpu.memory_space<hbm>>
      %dma_wait3A_60 = arith.constant 0 : i32
      %dma_wait3A_61 = tpu.memref_slice %arg14[%add3A_37, %dma_wait3A_60] : memref<10240x80xf32, #tpu.memory_space<vmem_shared>> -> memref<128x80xf32, #tpu.memory_space<vmem_shared>>
      tpu.wait_dma2 semaphore(%run_scoped3A : memref<!tpu.dma_semaphore, #tpu.memory_space<semaphore_mem>>) src(%dma_wait3A_61 : memref<128x80xf32, #tpu.memory_space<vmem_shared>>) dst(%dma_wait3A_59 : memref<128x80xf32, #tpu.memory_space<hbm>>)
      tpu.yield
    }) : () -> ()
    %mul3A_38 = arith.constant 640 : i32
    %mul3A_39 = arith.muli %arg1, %mul3A_38 : i32
    %add3A_40 = arith.constant 128 : i32
    %add3A_41 = arith.addi %mul3A_39, %add3A_40 : i32
    "tpu.region"() ({
      %run_scoped3A = tpu.sem_alloc : memref<!tpu.dma_semaphore, #tpu.memory_space<semaphore_mem>>
      %dma_start3A = arith.constant 0 : i32
      %dma_start3A_54 = tpu.memref_slice %arg6[%arg0, %add3A_41, %dma_start3A] : memref<2x10240x80xf32, #tpu.memory_space<hbm>> -> memref<1x128x80xf32, #tpu.memory_space<hbm>>
      %dma_start3A_55 = tpu.memref_squeeze %dma_start3A_54 : memref<1x128x80xf32, #tpu.memory_space<hbm>> -> memref<128x80xf32, #tpu.memory_space<hbm>>
      %dma_start3A_56 = arith.constant 0 : i32
      %dma_start3A_57 = tpu.memref_slice %arg14[%add3A_41, %dma_start3A_56] : memref<10240x80xf32, #tpu.memory_space<vmem_shared>> -> memref<128x80xf32, #tpu.memory_space<vmem_shared>>
      tpu.enqueue_dma source(%dma_start3A_57 : memref<128x80xf32, #tpu.memory_space<vmem_shared>>) target(%dma_start3A_55 : memref<128x80xf32, #tpu.memory_space<hbm>>) target_semaphore(%run_scoped3A : memref<!tpu.dma_semaphore, #tpu.memory_space<semaphore_mem>>)
      %dma_wait3A = arith.constant 0 : i32
      %dma_wait3A_58 = tpu.memref_slice %arg6[%arg0, %add3A_41, %dma_wait3A] : memref<2x10240x80xf32, #tpu.memory_space<hbm>> -> memref<1x128x80xf32, #tpu.memory_space<hbm>>
      %dma_wait3A_59 = tpu.memref_squeeze %dma_wait3A_58 : memref<1x128x80xf32, #tpu.memory_space<hbm>> -> memref<128x80xf32, #tpu.memory_space<hbm>>
      %dma_wait3A_60 = arith.constant 0 : i32
      %dma_wait3A_61 = tpu.memref_slice %arg14[%add3A_41, %dma_wait3A_60] : memref<10240x80xf32, #tpu.memory_space<vmem_shared>> -> memref<128x80xf32, #tpu.memory_space<vmem_shared>>
      tpu.wait_dma2 semaphore(%run_scoped3A : memref<!tpu.dma_semaphore, #tpu.memory_space<semaphore_mem>>) src(%dma_wait3A_61 : memref<128x80xf32, #tpu.memory_space<vmem_shared>>) dst(%dma_wait3A_59 : memref<128x80xf32, #tpu.memory_space<hbm>>)
      tpu.yield
    }) : () -> ()
    %mul3A_42 = arith.constant 640 : i32
    %mul3A_43 = arith.muli %arg1, %mul3A_42 : i32
    %add3A_44 = arith.constant 256 : i32
    %add3A_45 = arith.addi %mul3A_43, %add3A_44 : i32
    "tpu.region"() ({
      %run_scoped3A = tpu.sem_alloc : memref<!tpu.dma_semaphore, #tpu.memory_space<semaphore_mem>>
      %dma_start3A = arith.constant 0 : i32
      %dma_start3A_54 = tpu.memref_slice %arg6[%arg0, %add3A_45, %dma_start3A] : memref<2x10240x80xf32, #tpu.memory_space<hbm>> -> memref<1x128x80xf32, #tpu.memory_space<hbm>>
      %dma_start3A_55 = tpu.memref_squeeze %dma_start3A_54 : memref<1x128x80xf32, #tpu.memory_space<hbm>> -> memref<128x80xf32, #tpu.memory_space<hbm>>
      %dma_start3A_56 = arith.constant 0 : i32
      %dma_start3A_57 = tpu.memref_slice %arg14[%add3A_45, %dma_start3A_56] : memref<10240x80xf32, #tpu.memory_space<vmem_shared>> -> memref<128x80xf32, #tpu.memory_space<vmem_shared>>
      tpu.enqueue_dma source(%dma_start3A_57 : memref<128x80xf32, #tpu.memory_space<vmem_shared>>) target(%dma_start3A_55 : memref<128x80xf32, #tpu.memory_space<hbm>>) target_semaphore(%run_scoped3A : memref<!tpu.dma_semaphore, #tpu.memory_space<semaphore_mem>>)
      %dma_wait3A = arith.constant 0 : i32
      %dma_wait3A_58 = tpu.memref_slice %arg6[%arg0, %add3A_45, %dma_wait3A] : memref<2x10240x80xf32, #tpu.memory_space<hbm>> -> memref<1x128x80xf32, #tpu.memory_space<hbm>>
      %dma_wait3A_59 = tpu.memref_squeeze %dma_wait3A_58 : memref<1x128x80xf32, #tpu.memory_space<hbm>> -> memref<128x80xf32, #tpu.memory_space<hbm>>
      %dma_wait3A_60 = arith.constant 0 : i32
      %dma_wait3A_61 = tpu.memref_slice %arg14[%add3A_45, %dma_wait3A_60] : memref<10240x80xf32, #tpu.memory_space<vmem_shared>> -> memref<128x80xf32, #tpu.memory_space<vmem_shared>>
      tpu.wait_dma2 semaphore(%run_scoped3A : memref<!tpu.dma_semaphore, #tpu.memory_space<semaphore_mem>>) src(%dma_wait3A_61 : memref<128x80xf32, #tpu.memory_space<vmem_shared>>) dst(%dma_wait3A_59 : memref<128x80xf32, #tpu.memory_space<hbm>>)
      tpu.yield
    }) : () -> ()
    %mul3A_46 = arith.constant 640 : i32
    %mul3A_47 = arith.muli %arg1, %mul3A_46 : i32
    %add3A_48 = arith.constant 384 : i32
    %add3A_49 = arith.addi %mul3A_47, %add3A_48 : i32
    "tpu.region"() ({
      %run_scoped3A = tpu.sem_alloc : memref<!tpu.dma_semaphore, #tpu.memory_space<semaphore_mem>>
      %dma_start3A = arith.constant 0 : i32
      %dma_start3A_54 = tpu.memref_slice %arg6[%arg0, %add3A_49, %dma_start3A] : memref<2x10240x80xf32, #tpu.memory_space<hbm>> -> memref<1x128x80xf32, #tpu.memory_space<hbm>>
      %dma_start3A_55 = tpu.memref_squeeze %dma_start3A_54 : memref<1x128x80xf32, #tpu.memory_space<hbm>> -> memref<128x80xf32, #tpu.memory_space<hbm>>
      %dma_start3A_56 = arith.constant 0 : i32
      %dma_start3A_57 = tpu.memref_slice %arg14[%add3A_49, %dma_start3A_56] : memref<10240x80xf32, #tpu.memory_space<vmem_shared>> -> memref<128x80xf32, #tpu.memory_space<vmem_shared>>
      tpu.enqueue_dma source(%dma_start3A_57 : memref<128x80xf32, #tpu.memory_space<vmem_shared>>) target(%dma_start3A_55 : memref<128x80xf32, #tpu.memory_space<hbm>>) target_semaphore(%run_scoped3A : memref<!tpu.dma_semaphore, #tpu.memory_space<semaphore_mem>>)
      %dma_wait3A = arith.constant 0 : i32
      %dma_wait3A_58 = tpu.memref_slice %arg6[%arg0, %add3A_49, %dma_wait3A] : memref<2x10240x80xf32, #tpu.memory_space<hbm>> -> memref<1x128x80xf32, #tpu.memory_space<hbm>>
      %dma_wait3A_59 = tpu.memref_squeeze %dma_wait3A_58 : memref<1x128x80xf32, #tpu.memory_space<hbm>> -> memref<128x80xf32, #tpu.memory_space<hbm>>
      %dma_wait3A_60 = arith.constant 0 : i32
      %dma_wait3A_61 = tpu.memref_slice %arg14[%add3A_49, %dma_wait3A_60] : memref<10240x80xf32, #tpu.memory_space<vmem_shared>> -> memref<128x80xf32, #tpu.memory_space<vmem_shared>>
      tpu.wait_dma2 semaphore(%run_scoped3A : memref<!tpu.dma_semaphore, #tpu.memory_space<semaphore_mem>>) src(%dma_wait3A_61 : memref<128x80xf32, #tpu.memory_space<vmem_shared>>) dst(%dma_wait3A_59 : memref<128x80xf32, #tpu.memory_space<hbm>>)
      tpu.yield
    }) : () -> ()
    %mul3A_50 = arith.constant 640 : i32
    %mul3A_51 = arith.muli %arg1, %mul3A_50 : i32
    %add3A_52 = arith.constant 512 : i32
    %add3A_53 = arith.addi %mul3A_51, %add3A_52 : i32
    "tpu.region"() ({
      %run_scoped3A = tpu.sem_alloc : memref<!tpu.dma_semaphore, #tpu.memory_space<semaphore_mem>>
      %dma_start3A = arith.constant 0 : i32
      %dma_start3A_54 = tpu.memref_slice %arg6[%arg0, %add3A_53, %dma_start3A] : memref<2x10240x80xf32, #tpu.memory_space<hbm>> -> memref<1x128x80xf32, #tpu.memory_space<hbm>>
      %dma_start3A_55 = tpu.memref_squeeze %dma_start3A_54 : memref<1x128x80xf32, #tpu.memory_space<hbm>> -> memref<128x80xf32, #tpu.memory_space<hbm>>
      %dma_start3A_56 = arith.constant 0 : i32
      %dma_start3A_57 = tpu.memref_slice %arg14[%add3A_53, %dma_start3A_56] : memref<10240x80xf32, #tpu.memory_space<vmem_shared>> -> memref<128x80xf32, #tpu.memory_space<vmem_shared>>
      tpu.enqueue_dma source(%dma_start3A_57 : memref<128x80xf32, #tpu.memory_space<vmem_shared>>) target(%dma_start3A_55 : memref<128x80xf32, #tpu.memory_space<hbm>>) target_semaphore(%run_scoped3A : memref<!tpu.dma_semaphore, #tpu.memory_space<semaphore_mem>>)
      %dma_wait3A = arith.constant 0 : i32
      %dma_wait3A_58 = tpu.memref_slice %arg6[%arg0, %add3A_53, %dma_wait3A] : memref<2x10240x80xf32, #tpu.memory_space<hbm>> -> memref<1x128x80xf32, #tpu.memory_space<hbm>>
      %dma_wait3A_59 = tpu.memref_squeeze %dma_wait3A_58 : memref<1x128x80xf32, #tpu.memory_space<hbm>> -> memref<128x80xf32, #tpu.memory_space<hbm>>
      %dma_wait3A_60 = arith.constant 0 : i32
      %dma_wait3A_61 = tpu.memref_slice %arg14[%add3A_53, %dma_wait3A_60] : memref<10240x80xf32, #tpu.memory_space<vmem_shared>> -> memref<128x80xf32, #tpu.memory_space<vmem_shared>>
      tpu.wait_dma2 semaphore(%run_scoped3A : memref<!tpu.dma_semaphore, #tpu.memory_space<semaphore_mem>>) src(%dma_wait3A_61 : memref<128x80xf32, #tpu.memory_space<vmem_shared>>) dst(%dma_wait3A_59 : memref<128x80xf32, #tpu.memory_space<hbm>>)
      tpu.yield
    }) : () -> ()
    return
  }
}

#map = affine_map<(d0, d1) -> (0, 0)>
#map1 = affine_map<(d0, d1) -> (0, 0, 0)>
module attributes {stable_mosaic.version = 14 : i64} {
  func.func @edge_kernel(%arg0: i32, %arg1: i32, %arg2: memref<20480x80xf32, #tpu.memory_space<hbm>>, %arg3: memref<20480x16xf32, #tpu.memory_space<hbm>>, %arg4: memref<16x162x128xi32, #tpu.memory_space<hbm>>, %arg5: memref<16x162x128xi32, #tpu.memory_space<hbm>>, %arg6: memref<2x10240x80xf32, #tpu.memory_space<hbm>>, %arg7: memref<162x128xi32, #tpu.memory_space<vmem>>, %arg8: memref<162x128xi32, #tpu.memory_space<vmem>>, %arg9: memref<128xi32, #tpu.memory_space<vmem>>, %arg10: memref<128xi32, #tpu.memory_space<vmem>>, %arg11: memref<128x80xf32, #tpu.memory_space<vmem>>, %arg12: memref<128x16xf32, #tpu.memory_space<vmem>>, %arg13: memref<128x80xf32, #tpu.memory_space<vmem>>, %arg14: memref<10240x80xf32, #tpu.memory_space<vmem_shared>>, %arg15: memref<!tpu.dma_semaphore, #tpu.memory_space<semaphore_mem>>, %arg16: memref<!tpu.dma_semaphore, #tpu.memory_space<semaphore_mem>>) attributes {dimension_semantics = [#tpu.dimension_semantics<core_parallel>, #tpu.dimension_semantics<subcore_parallel>], iteration_bounds = array<i64: 2, 16>, scalar_prefetch = 0 : i64, scratch_operands = 10 : i64, tpu.core_type = #tpu.core_type<sc_vector_subcore>, window_params = [{transform_indices = #map}, {transform_indices = #map}, {transform_indices = #map1}, {transform_indices = #map1}, {transform_indices = #map1}]} {
    %mul3A = arith.constant 10240 : i32
    %mul3A_0 = arith.muli %arg0, %mul3A : i32
    %scan3A = arith.constant 0 : i32
    %scan3A_1 = arith.constant 0 : i32
    %scan3A_2 = arith.constant 640 : i32
    %scan3A_3 = arith.addi %scan3A_1, %scan3A_2 : i32
    %scan3A_4 = arith.constant 1 : i32
    %scan3A_5 = scf.for %scan3A_54 = %scan3A_1 to %scan3A_3 step %scan3A_4 iter_args(%scan3A_55 = %scan3A) -> (i32)  : i32 {
      %broadcast_in_dim3A = arith.constant 0.000000e+00 : f32
      %broadcast_in_dim3A_56 = vector.broadcast %broadcast_in_dim3A : f32 to vector<16xf32>
      %jit3A = arith.constant 5 : i32
      %div3A = arith.divsi %scan3A_54, %jit3A : i32
      %sign3A = arith.constant 0 : i32
      %sign3A_57 = arith.cmpi sgt, %scan3A_54, %sign3A : i32
      %sign3A_58 = arith.extui %sign3A_57 : i1 to i32
      %sign3A_59 = arith.constant 0 : i32
      %sign3A_60 = arith.cmpi slt, %scan3A_54, %sign3A_59 : i32
      %sign3A_61 = arith.extui %sign3A_60 : i1 to i32
      %sign3A_62 = arith.subi %sign3A_58, %sign3A_61 : i32
      %sign3A_63 = arith.constant 0 : i32
      %sign3A_64 = arith.cmpi sgt, %jit3A, %sign3A_63 : i32
      %sign3A_65 = arith.extui %sign3A_64 : i1 to i32
      %sign3A_66 = arith.constant 0 : i32
      %sign3A_67 = arith.cmpi slt, %jit3A, %sign3A_66 : i32
      %sign3A_68 = arith.extui %sign3A_67 : i1 to i32
      %sign3A_69 = arith.subi %sign3A_65, %sign3A_68 : i32
      %ne3A = arith.cmpi ne, %sign3A_62, %sign3A_69 : i32
      %rem3A = arith.remsi %scan3A_54, %jit3A : i32
      %ne3A_70 = arith.constant 0 : i32
      %ne3A_71 = arith.cmpi ne, %rem3A, %ne3A_70 : i32
      %and3A = arith.andi %ne3A, %ne3A_71 : i1
      %sub3A = arith.constant 1 : i32
      %sub3A_72 = arith.subi %div3A, %sub3A : i32
      %select_n3A = arith.select %and3A, %sub3A_72, %div3A : i32
      %jit3A_73 = arith.constant 5 : i32
      %eq3A = arith.constant 0 : i32
      %eq3A_74 = arith.cmpi eq, %jit3A_73, %eq3A : i32
      %jit3A_75 = arith.constant 1 : i32
      %select_n3A_76 = arith.select %eq3A_74, %jit3A_75, %jit3A_73 : i32
      %rem3A_77 = arith.remsi %scan3A_54, %select_n3A_76 : i32
      %ne3A_78 = arith.constant 0 : i32
      %ne3A_79 = arith.cmpi ne, %rem3A_77, %ne3A_78 : i32
      %lt3A = arith.constant 0 : i32
      %lt3A_80 = arith.cmpi slt, %rem3A_77, %lt3A : i32
      %lt3A_81 = arith.constant 0 : i32
      %lt3A_82 = arith.cmpi slt, %select_n3A_76, %lt3A_81 : i32
      %ne3A_83 = arith.xori %lt3A_80, %lt3A_82 : i1
      %and3A_84 = arith.andi %ne3A_83, %ne3A_79 : i1
      %add3A_85 = arith.addi %rem3A_77, %select_n3A_76 : i32
      %select_n3A_86 = arith.select %and3A_84, %add3A_85, %rem3A_77 : i32
      %mul3A_87 = arith.constant 16 : i32
      %mul3A_88 = arith.muli %select_n3A_86, %mul3A_87 : i32
      %swap3A = arith.index_cast %select_n3A : i32 to index
      %swap3A_89 = arith.index_cast %mul3A_88 : i32 to index
      %swap3A_90 = tpu.vector_load %arg13[%swap3A, %swap3A_89] {strides = array<i32>} : memref<128x80xf32, #tpu.memory_space<vmem>>, vector<1x16xf32>,
      %swap3A_91 = vector.shape_cast %swap3A_90 : vector<1x16xf32> to vector<16xf32>
      %swap3A_92 = vector.shape_cast %broadcast_in_dim3A_56 : vector<16xf32> to vector<1x16xf32>
      tpu.vector_store %arg13[%swap3A, %swap3A_89], %swap3A_92 {strides = array<i32>} : memref<128x80xf32, #tpu.memory_space<vmem>>, vector<1x16xf32>,
      %scan3A_93 = arith.constant 0 : i32
      scf.yield %scan3A_93 : i32
    }
    %scan3A_6 = arith.constant 640 : i32
    %mul3A_7 = arith.constant 640 : i32
    %mul3A_8 = arith.muli %arg1, %mul3A_7 : i32
    %add3A = arith.constant 0 : i32
    %add3A_9 = arith.addi %mul3A_8, %add3A : i32
    "tpu.region"() ({
      %run_scoped3A = tpu.sem_alloc : memref<!tpu.dma_semaphore, #tpu.memory_space<semaphore_mem>>
      %dma_start3A = arith.constant 0 : i32
      %dma_start3A_54 = tpu.memref_slice %arg14[%add3A_9, %dma_start3A] : memref<10240x80xf32, #tpu.memory_space<vmem_shared>> -> memref<128x80xf32, #tpu.memory_space<vmem_shared>>
      %dma_start3A_55 = arith.constant 0 : i32
      %dma_start3A_56 = tpu.memref_slice %arg14[%add3A_9, %dma_start3A_55] : memref<10240x80xf32, #tpu.memory_space<vmem_shared>> -> memref<128x80xf32, #tpu.memory_space<vmem_shared>>
      tpu.enqueue_dma source(%arg13 : memref<128x80xf32, #tpu.memory_space<vmem>>) target(%dma_start3A_56 : memref<128x80xf32, #tpu.memory_space<vmem_shared>>) target_semaphore(%run_scoped3A : memref<!tpu.dma_semaphore, #tpu.memory_space<semaphore_mem>>)
      %dma_wait3A = arith.constant 0 : i32
      %dma_wait3A_57 = tpu.memref_slice %arg14[%add3A_9, %dma_wait3A] : memref<10240x80xf32, #tpu.memory_space<vmem_shared>> -> memref<128x80xf32, #tpu.memory_space<vmem_shared>>
      %dma_wait3A_58 = arith.constant 0 : i32
      %dma_wait3A_59 = tpu.memref_slice %arg14[%add3A_9, %dma_wait3A_58] : memref<10240x80xf32, #tpu.memory_space<vmem_shared>> -> memref<128x80xf32, #tpu.memory_space<vmem_shared>>
      tpu.wait_dma2 semaphore(%run_scoped3A : memref<!tpu.dma_semaphore, #tpu.memory_space<semaphore_mem>>) src(%arg13 : memref<128x80xf32, #tpu.memory_space<vmem>>) dst(%dma_wait3A_59 : memref<128x80xf32, #tpu.memory_space<vmem_shared>>)
      tpu.yield
    }) : () -> ()
    %mul3A_10 = arith.constant 640 : i32
    %mul3A_11 = arith.muli %arg1, %mul3A_10 : i32
    %add3A_12 = arith.constant 128 : i32
    %add3A_13 = arith.addi %mul3A_11, %add3A_12 : i32
    "tpu.region"() ({
      %run_scoped3A = tpu.sem_alloc : memref<!tpu.dma_semaphore, #tpu.memory_space<semaphore_mem>>
      %dma_start3A = arith.constant 0 : i32
      %dma_start3A_54 = tpu.memref_slice %arg14[%add3A_13, %dma_start3A] : memref<10240x80xf32, #tpu.memory_space<vmem_shared>> -> memref<128x80xf32, #tpu.memory_space<vmem_shared>>
      %dma_start3A_55 = arith.constant 0 : i32
      %dma_start3A_56 = tpu.memref_slice %arg14[%add3A_13, %dma_start3A_55] : memref<10240x80xf32, #tpu.memory_space<vmem_shared>> -> memref<128x80xf32, #tpu.memory_space<vmem_shared>>
      tpu.enqueue_dma source(%arg13 : memref<128x80xf32, #tpu.memory_space<vmem>>) target(%dma_start3A_56 : memref<128x80xf32, #tpu.memory_space<vmem_shared>>) target_semaphore(%run_scoped3A : memref<!tpu.dma_semaphore, #tpu.memory_space<semaphore_mem>>)
      %dma_wait3A = arith.constant 0 : i32
      %dma_wait3A_57 = tpu.memref_slice %arg14[%add3A_13, %dma_wait3A] : memref<10240x80xf32, #tpu.memory_space<vmem_shared>> -> memref<128x80xf32, #tpu.memory_space<vmem_shared>>
      %dma_wait3A_58 = arith.constant 0 : i32
      %dma_wait3A_59 = tpu.memref_slice %arg14[%add3A_13, %dma_wait3A_58] : memref<10240x80xf32, #tpu.memory_space<vmem_shared>> -> memref<128x80xf32, #tpu.memory_space<vmem_shared>>
      tpu.wait_dma2 semaphore(%run_scoped3A : memref<!tpu.dma_semaphore, #tpu.memory_space<semaphore_mem>>) src(%arg13 : memref<128x80xf32, #tpu.memory_space<vmem>>) dst(%dma_wait3A_59 : memref<128x80xf32, #tpu.memory_space<vmem_shared>>)
      tpu.yield
    }) : () -> ()
    %mul3A_14 = arith.constant 640 : i32
    %mul3A_15 = arith.muli %arg1, %mul3A_14 : i32
    %add3A_16 = arith.constant 256 : i32
    %add3A_17 = arith.addi %mul3A_15, %add3A_16 : i32
    "tpu.region"() ({
      %run_scoped3A = tpu.sem_alloc : memref<!tpu.dma_semaphore, #tpu.memory_space<semaphore_mem>>
      %dma_start3A = arith.constant 0 : i32
      %dma_start3A_54 = tpu.memref_slice %arg14[%add3A_17, %dma_start3A] : memref<10240x80xf32, #tpu.memory_space<vmem_shared>> -> memref<128x80xf32, #tpu.memory_space<vmem_shared>>
      %dma_start3A_55 = arith.constant 0 : i32
      %dma_start3A_56 = tpu.memref_slice %arg14[%add3A_17, %dma_start3A_55] : memref<10240x80xf32, #tpu.memory_space<vmem_shared>> -> memref<128x80xf32, #tpu.memory_space<vmem_shared>>
      tpu.enqueue_dma source(%arg13 : memref<128x80xf32, #tpu.memory_space<vmem>>) target(%dma_start3A_56 : memref<128x80xf32, #tpu.memory_space<vmem_shared>>) target_semaphore(%run_scoped3A : memref<!tpu.dma_semaphore, #tpu.memory_space<semaphore_mem>>)
      %dma_wait3A = arith.constant 0 : i32
      %dma_wait3A_57 = tpu.memref_slice %arg14[%add3A_17, %dma_wait3A] : memref<10240x80xf32, #tpu.memory_space<vmem_shared>> -> memref<128x80xf32, #tpu.memory_space<vmem_shared>>
      %dma_wait3A_58 = arith.constant 0 : i32
      %dma_wait3A_59 = tpu.memref_slice %arg14[%add3A_17, %dma_wait3A_58] : memref<10240x80xf32, #tpu.memory_space<vmem_shared>> -> memref<128x80xf32, #tpu.memory_space<vmem_shared>>
      tpu.wait_dma2 semaphore(%run_scoped3A : memref<!tpu.dma_semaphore, #tpu.memory_space<semaphore_mem>>) src(%arg13 : memref<128x80xf32, #tpu.memory_space<vmem>>) dst(%dma_wait3A_59 : memref<128x80xf32, #tpu.memory_space<vmem_shared>>)
      tpu.yield
    }) : () -> ()
    %mul3A_18 = arith.constant 640 : i32
    %mul3A_19 = arith.muli %arg1, %mul3A_18 : i32
    %add3A_20 = arith.constant 384 : i32
    %add3A_21 = arith.addi %mul3A_19, %add3A_20 : i32
    "tpu.region"() ({
      %run_scoped3A = tpu.sem_alloc : memref<!tpu.dma_semaphore, #tpu.memory_space<semaphore_mem>>
      %dma_start3A = arith.constant 0 : i32
      %dma_start3A_54 = tpu.memref_slice %arg14[%add3A_21, %dma_start3A] : memref<10240x80xf32, #tpu.memory_space<vmem_shared>> -> memref<128x80xf32, #tpu.memory_space<vmem_shared>>
      %dma_start3A_55 = arith.constant 0 : i32
      %dma_start3A_56 = tpu.memref_slice %arg14[%add3A_21, %dma_start3A_55] : memref<10240x80xf32, #tpu.memory_space<vmem_shared>> -> memref<128x80xf32, #tpu.memory_space<vmem_shared>>
      tpu.enqueue_dma source(%arg13 : memref<128x80xf32, #tpu.memory_space<vmem>>) target(%dma_start3A_56 : memref<128x80xf32, #tpu.memory_space<vmem_shared>>) target_semaphore(%run_scoped3A : memref<!tpu.dma_semaphore, #tpu.memory_space<semaphore_mem>>)
      %dma_wait3A = arith.constant 0 : i32
      %dma_wait3A_57 = tpu.memref_slice %arg14[%add3A_21, %dma_wait3A] : memref<10240x80xf32, #tpu.memory_space<vmem_shared>> -> memref<128x80xf32, #tpu.memory_space<vmem_shared>>
      %dma_wait3A_58 = arith.constant 0 : i32
      %dma_wait3A_59 = tpu.memref_slice %arg14[%add3A_21, %dma_wait3A_58] : memref<10240x80xf32, #tpu.memory_space<vmem_shared>> -> memref<128x80xf32, #tpu.memory_space<vmem_shared>>
      tpu.wait_dma2 semaphore(%run_scoped3A : memref<!tpu.dma_semaphore, #tpu.memory_space<semaphore_mem>>) src(%arg13 : memref<128x80xf32, #tpu.memory_space<vmem>>) dst(%dma_wait3A_59 : memref<128x80xf32, #tpu.memory_space<vmem_shared>>)
      tpu.yield
    }) : () -> ()
    %mul3A_22 = arith.constant 640 : i32
    %mul3A_23 = arith.muli %arg1, %mul3A_22 : i32
    %add3A_24 = arith.constant 512 : i32
    %add3A_25 = arith.addi %mul3A_23, %add3A_24 : i32
    "tpu.region"() ({
      %run_scoped3A = tpu.sem_alloc : memref<!tpu.dma_semaphore, #tpu.memory_space<semaphore_mem>>
      %dma_start3A = arith.constant 0 : i32
      %dma_start3A_54 = tpu.memref_slice %arg14[%add3A_25, %dma_start3A] : memref<10240x80xf32, #tpu.memory_space<vmem_shared>> -> memref<128x80xf32, #tpu.memory_space<vmem_shared>>
      %dma_start3A_55 = arith.constant 0 : i32
      %dma_start3A_56 = tpu.memref_slice %arg14[%add3A_25, %dma_start3A_55] : memref<10240x80xf32, #tpu.memory_space<vmem_shared>> -> memref<128x80xf32, #tpu.memory_space<vmem_shared>>
      tpu.enqueue_dma source(%arg13 : memref<128x80xf32, #tpu.memory_space<vmem>>) target(%dma_start3A_56 : memref<128x80xf32, #tpu.memory_space<vmem_shared>>) target_semaphore(%run_scoped3A : memref<!tpu.dma_semaphore, #tpu.memory_space<semaphore_mem>>)
      %dma_wait3A = arith.constant 0 : i32
      %dma_wait3A_57 = tpu.memref_slice %arg14[%add3A_25, %dma_wait3A] : memref<10240x80xf32, #tpu.memory_space<vmem_shared>> -> memref<128x80xf32, #tpu.memory_space<vmem_shared>>
      %dma_wait3A_58 = arith.constant 0 : i32
      %dma_wait3A_59 = tpu.memref_slice %arg14[%add3A_25, %dma_wait3A_58] : memref<10240x80xf32, #tpu.memory_space<vmem_shared>> -> memref<128x80xf32, #tpu.memory_space<vmem_shared>>
      tpu.wait_dma2 semaphore(%run_scoped3A : memref<!tpu.dma_semaphore, #tpu.memory_space<semaphore_mem>>) src(%arg13 : memref<128x80xf32, #tpu.memory_space<vmem>>) dst(%dma_wait3A_59 : memref<128x80xf32, #tpu.memory_space<vmem_shared>>)
      tpu.yield
    }) : () -> ()
    %barrier3A = arith.constant 0 : index
    tpu.barrier barrier_id(%barrier3A)
    "tpu.region"() ({
      %run_scoped3A = tpu.sem_alloc : memref<!tpu.dma_semaphore, #tpu.memory_space<semaphore_mem>>
      %dma_start3A = arith.constant 0 : i32
      %dma_start3A_54 = arith.constant 0 : i32
      %dma_start3A_55 = tpu.memref_slice %arg4[%arg1, %dma_start3A, %dma_start3A_54] : memref<16x162x128xi32, #tpu.memory_space<hbm>> -> memref<1x162x128xi32, #tpu.memory_space<hbm>>
      %dma_start3A_56 = tpu.memref_squeeze %dma_start3A_55 : memref<1x162x128xi32, #tpu.memory_space<hbm>> -> memref<162x128xi32, #tpu.memory_space<hbm>>
      %dma_start3A_57 = arith.constant 0 : i32
      %dma_start3A_58 = arith.constant 0 : i32
      %dma_start3A_59 = tpu.memref_slice %arg4[%arg1, %dma_start3A_57, %dma_start3A_58] : memref<16x162x128xi32, #tpu.memory_space<hbm>> -> memref<1x162x128xi32, #tpu.memory_space<hbm>>
      %dma_start3A_60 = tpu.memref_squeeze %dma_start3A_59 : memref<1x162x128xi32, #tpu.memory_space<hbm>> -> memref<162x128xi32, #tpu.memory_space<hbm>>
      tpu.enqueue_dma source(%dma_start3A_60 : memref<162x128xi32, #tpu.memory_space<hbm>>) target(%arg7 : memref<162x128xi32, #tpu.memory_space<vmem>>) target_semaphore(%run_scoped3A : memref<!tpu.dma_semaphore, #tpu.memory_space<semaphore_mem>>)
      %dma_wait3A = arith.constant 0 : i32
      %dma_wait3A_61 = arith.constant 0 : i32
      %dma_wait3A_62 = tpu.memref_slice %arg4[%arg1, %dma_wait3A, %dma_wait3A_61] : memref<16x162x128xi32, #tpu.memory_space<hbm>> -> memref<1x162x128xi32, #tpu.memory_space<hbm>>
      %dma_wait3A_63 = tpu.memref_squeeze %dma_wait3A_62 : memref<1x162x128xi32, #tpu.memory_space<hbm>> -> memref<162x128xi32, #tpu.memory_space<hbm>>
      %dma_wait3A_64 = arith.constant 0 : i32
      %dma_wait3A_65 = arith.constant 0 : i32
      %dma_wait3A_66 = tpu.memref_slice %arg4[%arg1, %dma_wait3A_64, %dma_wait3A_65] : memref<16x162x128xi32, #tpu.memory_space<hbm>> -> memref<1x162x128xi32, #tpu.memory_space<hbm>>
      %dma_wait3A_67 = tpu.memref_squeeze %dma_wait3A_66 : memref<1x162x128xi32, #tpu.memory_space<hbm>> -> memref<162x128xi32, #tpu.memory_space<hbm>>
      tpu.wait_dma2 semaphore(%run_scoped3A : memref<!tpu.dma_semaphore, #tpu.memory_space<semaphore_mem>>) src(%dma_wait3A_67 : memref<162x128xi32, #tpu.memory_space<hbm>>) dst(%arg7 : memref<162x128xi32, #tpu.memory_space<vmem>>)
      tpu.yield
    }) : () -> ()
    "tpu.region"() ({
      %run_scoped3A = tpu.sem_alloc : memref<!tpu.dma_semaphore, #tpu.memory_space<semaphore_mem>>
      %dma_start3A = arith.constant 0 : i32
      %dma_start3A_54 = arith.constant 0 : i32
      %dma_start3A_55 = tpu.memref_slice %arg5[%arg1, %dma_start3A, %dma_start3A_54] : memref<16x162x128xi32, #tpu.memory_space<hbm>> -> memref<1x162x128xi32, #tpu.memory_space<hbm>>
      %dma_start3A_56 = tpu.memref_squeeze %dma_start3A_55 : memref<1x162x128xi32, #tpu.memory_space<hbm>> -> memref<162x128xi32, #tpu.memory_space<hbm>>
      %dma_start3A_57 = arith.constant 0 : i32
      %dma_start3A_58 = arith.constant 0 : i32
      %dma_start3A_59 = tpu.memref_slice %arg5[%arg1, %dma_start3A_57, %dma_start3A_58] : memref<16x162x128xi32, #tpu.memory_space<hbm>> -> memref<1x162x128xi32, #tpu.memory_space<hbm>>
      %dma_start3A_60 = tpu.memref_squeeze %dma_start3A_59 : memref<1x162x128xi32, #tpu.memory_space<hbm>> -> memref<162x128xi32, #tpu.memory_space<hbm>>
      tpu.enqueue_dma source(%dma_start3A_60 : memref<162x128xi32, #tpu.memory_space<hbm>>) target(%arg8 : memref<162x128xi32, #tpu.memory_space<vmem>>) target_semaphore(%run_scoped3A : memref<!tpu.dma_semaphore, #tpu.memory_space<semaphore_mem>>)
      %dma_wait3A = arith.constant 0 : i32
      %dma_wait3A_61 = arith.constant 0 : i32
      %dma_wait3A_62 = tpu.memref_slice %arg5[%arg1, %dma_wait3A, %dma_wait3A_61] : memref<16x162x128xi32, #tpu.memory_space<hbm>> -> memref<1x162x128xi32, #tpu.memory_space<hbm>>
      %dma_wait3A_63 = tpu.memref_squeeze %dma_wait3A_62 : memref<1x162x128xi32, #tpu.memory_space<hbm>> -> memref<162x128xi32, #tpu.memory_space<hbm>>
      %dma_wait3A_64 = arith.constant 0 : i32
      %dma_wait3A_65 = arith.constant 0 : i32
      %dma_wait3A_66 = tpu.memref_slice %arg5[%arg1, %dma_wait3A_64, %dma_wait3A_65] : memref<16x162x128xi32, #tpu.memory_space<hbm>> -> memref<1x162x128xi32, #tpu.memory_space<hbm>>
      %dma_wait3A_67 = tpu.memref_squeeze %dma_wait3A_66 : memref<1x162x128xi32, #tpu.memory_space<hbm>> -> memref<162x128xi32, #tpu.memory_space<hbm>>
      tpu.wait_dma2 semaphore(%run_scoped3A : memref<!tpu.dma_semaphore, #tpu.memory_space<semaphore_mem>>) src(%dma_wait3A_67 : memref<162x128xi32, #tpu.memory_space<hbm>>) dst(%arg8 : memref<162x128xi32, #tpu.memory_space<vmem>>)
      tpu.yield
    }) : () -> ()
    %scan3A_26 = arith.constant 0 : i32
    %scan3A_27 = arith.constant 0 : i32
    %scan3A_28 = arith.constant 162 : i32
    %scan3A_29 = arith.addi %scan3A_27, %scan3A_28 : i32
    %scan3A_30 = arith.constant 1 : i32
    %scan3A_31 = scf.for %scan3A_54 = %scan3A_27 to %scan3A_29 step %scan3A_30 iter_args(%scan3A_55 = %scan3A_26) -> (i32)  : i32 {
      %get3A = arith.index_cast %scan3A_54 : i32 to index
      %get3A_56 = arith.constant 0 : index
      %get3A_57 = tpu.vector_load %arg7[%get3A, %get3A_56] {strides = array<i32>} : memref<162x128xi32, #tpu.memory_space<vmem>>, vector<1x16xi32>,
      %get3A_58 = vector.shape_cast %get3A_57 : vector<1x16xi32> to vector<16xi32>
      %add3A_59 = vector.broadcast %mul3A_0 : i32 to vector<16xi32>
      %add3A_60 = arith.addi %get3A_58, %add3A_59 : vector<16xi32>
      %swap3A = arith.constant 0 : index
      %swap3A_61 = tpu.vector_load %arg9[%swap3A] {strides = array<i32>} : memref<128xi32, #tpu.memory_space<vmem>>, vector<16xi32>,
      %swap3A_62 = vector.shape_cast %swap3A_61 : vector<16xi32> to vector<16xi32>
      %swap3A_63 = vector.shape_cast %add3A_60 : vector<16xi32> to vector<16xi32>
      tpu.vector_store %arg9[%swap3A], %swap3A_63 {strides = array<i32>} : memref<128xi32, #tpu.memory_space<vmem>>, vector<16xi32>,
      %get3A_64 = arith.index_cast %scan3A_54 : i32 to index
      %get3A_65 = arith.constant 0 : index
      %get3A_66 = tpu.vector_load %arg8[%get3A_64, %get3A_65] {strides = array<i32>} : memref<162x128xi32, #tpu.memory_space<vmem>>, vector<1x16xi32>,
      %get3A_67 = vector.shape_cast %get3A_66 : vector<1x16xi32> to vector<16xi32>
      %add3A_68 = vector.broadcast %mul3A_0 : i32 to vector<16xi32>
      %add3A_69 = arith.addi %get3A_67, %add3A_68 : vector<16xi32>
      %swap3A_70 = arith.constant 0 : index
      %swap3A_71 = tpu.vector_load %arg10[%swap3A_70] {strides = array<i32>} : memref<128xi32, #tpu.memory_space<vmem>>, vector<16xi32>,
      %swap3A_72 = vector.shape_cast %swap3A_71 : vector<16xi32> to vector<16xi32>
      %swap3A_73 = vector.shape_cast %add3A_69 : vector<16xi32> to vector<16xi32>
      tpu.vector_store %arg10[%swap3A_70], %swap3A_73 {strides = array<i32>} : memref<128xi32, #tpu.memory_space<vmem>>, vector<16xi32>,
      %get3A_74 = arith.index_cast %scan3A_54 : i32 to index
      %get3A_75 = arith.constant 16 : index
      %get3A_76 = tpu.vector_load %arg7[%get3A_74, %get3A_75] {strides = array<i32>} : memref<162x128xi32, #tpu.memory_space<vmem>>, vector<1x16xi32>,
      %get3A_77 = vector.shape_cast %get3A_76 : vector<1x16xi32> to vector<16xi32>
      %add3A_78 = vector.broadcast %mul3A_0 : i32 to vector<16xi32>
      %add3A_79 = arith.addi %get3A_77, %add3A_78 : vector<16xi32>
      %swap3A_80 = arith.constant 16 : index
      %swap3A_81 = tpu.vector_load %arg9[%swap3A_80] {strides = array<i32>} : memref<128xi32, #tpu.memory_space<vmem>>, vector<16xi32>,
      %swap3A_82 = vector.shape_cast %swap3A_81 : vector<16xi32> to vector<16xi32>
      %swap3A_83 = vector.shape_cast %add3A_79 : vector<16xi32> to vector<16xi32>
      tpu.vector_store %arg9[%swap3A_80], %swap3A_83 {strides = array<i32>} : memref<128xi32, #tpu.memory_space<vmem>>, vector<16xi32>,
      %get3A_84 = arith.index_cast %scan3A_54 : i32 to index
      %get3A_85 = arith.constant 16 : index
      %get3A_86 = tpu.vector_load %arg8[%get3A_84, %get3A_85] {strides = array<i32>} : memref<162x128xi32, #tpu.memory_space<vmem>>, vector<1x16xi32>,
      %get3A_87 = vector.shape_cast %get3A_86 : vector<1x16xi32> to vector<16xi32>
      %add3A_88 = vector.broadcast %mul3A_0 : i32 to vector<16xi32>
      %add3A_89 = arith.addi %get3A_87, %add3A_88 : vector<16xi32>
      %swap3A_90 = arith.constant 16 : index
      %swap3A_91 = tpu.vector_load %arg10[%swap3A_90] {strides = array<i32>} : memref<128xi32, #tpu.memory_space<vmem>>, vector<16xi32>,
      %swap3A_92 = vector.shape_cast %swap3A_91 : vector<16xi32> to vector<16xi32>
      %swap3A_93 = vector.shape_cast %add3A_89 : vector<16xi32> to vector<16xi32>
      tpu.vector_store %arg10[%swap3A_90], %swap3A_93 {strides = array<i32>} : memref<128xi32, #tpu.memory_space<vmem>>, vector<16xi32>,
      %get3A_94 = arith.index_cast %scan3A_54 : i32 to index
      %get3A_95 = arith.constant 32 : index
      %get3A_96 = tpu.vector_load %arg7[%get3A_94, %get3A_95] {strides = array<i32>} : memref<162x128xi32, #tpu.memory_space<vmem>>, vector<1x16xi32>,
      %get3A_97 = vector.shape_cast %get3A_96 : vector<1x16xi32> to vector<16xi32>
      %add3A_98 = vector.broadcast %mul3A_0 : i32 to vector<16xi32>
      %add3A_99 = arith.addi %get3A_97, %add3A_98 : vector<16xi32>
      %swap3A_100 = arith.constant 32 : index
      %swap3A_101 = tpu.vector_load %arg9[%swap3A_100] {strides = array<i32>} : memref<128xi32, #tpu.memory_space<vmem>>, vector<16xi32>,
      %swap3A_102 = vector.shape_cast %swap3A_101 : vector<16xi32> to vector<16xi32>
      %swap3A_103 = vector.shape_cast %add3A_99 : vector<16xi32> to vector<16xi32>
      tpu.vector_store %arg9[%swap3A_100], %swap3A_103 {strides = array<i32>} : memref<128xi32, #tpu.memory_space<vmem>>, vector<16xi32>,
      %get3A_104 = arith.index_cast %scan3A_54 : i32 to index
      %get3A_105 = arith.constant 32 : index
      %get3A_106 = tpu.vector_load %arg8[%get3A_104, %get3A_105] {strides = array<i32>} : memref<162x128xi32, #tpu.memory_space<vmem>>, vector<1x16xi32>,
      %get3A_107 = vector.shape_cast %get3A_106 : vector<1x16xi32> to vector<16xi32>
      %add3A_108 = vector.broadcast %mul3A_0 : i32 to vector<16xi32>
      %add3A_109 = arith.addi %get3A_107, %add3A_108 : vector<16xi32>
      %swap3A_110 = arith.constant 32 : index
      %swap3A_111 = tpu.vector_load %arg10[%swap3A_110] {strides = array<i32>} : memref<128xi32, #tpu.memory_space<vmem>>, vector<16xi32>,
      %swap3A_112 = vector.shape_cast %swap3A_111 : vector<16xi32> to vector<16xi32>
      %swap3A_113 = vector.shape_cast %add3A_109 : vector<16xi32> to vector<16xi32>
      tpu.vector_store %arg10[%swap3A_110], %swap3A_113 {strides = array<i32>} : memref<128xi32, #tpu.memory_space<vmem>>, vector<16xi32>,
      %get3A_114 = arith.index_cast %scan3A_54 : i32 to index
      %get3A_115 = arith.constant 48 : index
      %get3A_116 = tpu.vector_load %arg7[%get3A_114, %get3A_115] {strides = array<i32>} : memref<162x128xi32, #tpu.memory_space<vmem>>, vector<1x16xi32>,
      %get3A_117 = vector.shape_cast %get3A_116 : vector<1x16xi32> to vector<16xi32>
      %add3A_118 = vector.broadcast %mul3A_0 : i32 to vector<16xi32>
      %add3A_119 = arith.addi %get3A_117, %add3A_118 : vector<16xi32>
      %swap3A_120 = arith.constant 48 : index
      %swap3A_121 = tpu.vector_load %arg9[%swap3A_120] {strides = array<i32>} : memref<128xi32, #tpu.memory_space<vmem>>, vector<16xi32>,
      %swap3A_122 = vector.shape_cast %swap3A_121 : vector<16xi32> to vector<16xi32>
      %swap3A_123 = vector.shape_cast %add3A_119 : vector<16xi32> to vector<16xi32>
      tpu.vector_store %arg9[%swap3A_120], %swap3A_123 {strides = array<i32>} : memref<128xi32, #tpu.memory_space<vmem>>, vector<16xi32>,
      %get3A_124 = arith.index_cast %scan3A_54 : i32 to index
      %get3A_125 = arith.constant 48 : index
      %get3A_126 = tpu.vector_load %arg8[%get3A_124, %get3A_125] {strides = array<i32>} : memref<162x128xi32, #tpu.memory_space<vmem>>, vector<1x16xi32>,
      %get3A_127 = vector.shape_cast %get3A_126 : vector<1x16xi32> to vector<16xi32>
      %add3A_128 = vector.broadcast %mul3A_0 : i32 to vector<16xi32>
      %add3A_129 = arith.addi %get3A_127, %add3A_128 : vector<16xi32>
      %swap3A_130 = arith.constant 48 : index
      %swap3A_131 = tpu.vector_load %arg10[%swap3A_130] {strides = array<i32>} : memref<128xi32, #tpu.memory_space<vmem>>, vector<16xi32>,
      %swap3A_132 = vector.shape_cast %swap3A_131 : vector<16xi32> to vector<16xi32>
      %swap3A_133 = vector.shape_cast %add3A_129 : vector<16xi32> to vector<16xi32>
      tpu.vector_store %arg10[%swap3A_130], %swap3A_133 {strides = array<i32>} : memref<128xi32, #tpu.memory_space<vmem>>, vector<16xi32>,
      %get3A_134 = arith.index_cast %scan3A_54 : i32 to index
      %get3A_135 = arith.constant 64 : index
      %get3A_136 = tpu.vector_load %arg7[%get3A_134, %get3A_135] {strides = array<i32>} : memref<162x128xi32, #tpu.memory_space<vmem>>, vector<1x16xi32>,
      %get3A_137 = vector.shape_cast %get3A_136 : vector<1x16xi32> to vector<16xi32>
      %add3A_138 = vector.broadcast %mul3A_0 : i32 to vector<16xi32>
      %add3A_139 = arith.addi %get3A_137, %add3A_138 : vector<16xi32>
      %swap3A_140 = arith.constant 64 : index
      %swap3A_141 = tpu.vector_load %arg9[%swap3A_140] {strides = array<i32>} : memref<128xi32, #tpu.memory_space<vmem>>, vector<16xi32>,
      %swap3A_142 = vector.shape_cast %swap3A_141 : vector<16xi32> to vector<16xi32>
      %swap3A_143 = vector.shape_cast %add3A_139 : vector<16xi32> to vector<16xi32>
      tpu.vector_store %arg9[%swap3A_140], %swap3A_143 {strides = array<i32>} : memref<128xi32, #tpu.memory_space<vmem>>, vector<16xi32>,
      %get3A_144 = arith.index_cast %scan3A_54 : i32 to index
      %get3A_145 = arith.constant 64 : index
      %get3A_146 = tpu.vector_load %arg8[%get3A_144, %get3A_145] {strides = array<i32>} : memref<162x128xi32, #tpu.memory_space<vmem>>, vector<1x16xi32>,
      %get3A_147 = vector.shape_cast %get3A_146 : vector<1x16xi32> to vector<16xi32>
      %add3A_148 = vector.broadcast %mul3A_0 : i32 to vector<16xi32>
      %add3A_149 = arith.addi %get3A_147, %add3A_148 : vector<16xi32>
      %swap3A_150 = arith.constant 64 : index
      %swap3A_151 = tpu.vector_load %arg10[%swap3A_150] {strides = array<i32>} : memref<128xi32, #tpu.memory_space<vmem>>, vector<16xi32>,
      %swap3A_152 = vector.shape_cast %swap3A_151 : vector<16xi32> to vector<16xi32>
      %swap3A_153 = vector.shape_cast %add3A_149 : vector<16xi32> to vector<16xi32>
      tpu.vector_store %arg10[%swap3A_150], %swap3A_153 {strides = array<i32>} : memref<128xi32, #tpu.memory_space<vmem>>, vector<16xi32>,
      %get3A_154 = arith.index_cast %scan3A_54 : i32 to index
      %get3A_155 = arith.constant 80 : index
      %get3A_156 = tpu.vector_load %arg7[%get3A_154, %get3A_155] {strides = array<i32>} : memref<162x128xi32, #tpu.memory_space<vmem>>, vector<1x16xi32>,
      %get3A_157 = vector.shape_cast %get3A_156 : vector<1x16xi32> to vector<16xi32>
      %add3A_158 = vector.broadcast %mul3A_0 : i32 to vector<16xi32>
      %add3A_159 = arith.addi %get3A_157, %add3A_158 : vector<16xi32>
      %swap3A_160 = arith.constant 80 : index
      %swap3A_161 = tpu.vector_load %arg9[%swap3A_160] {strides = array<i32>} : memref<128xi32, #tpu.memory_space<vmem>>, vector<16xi32>,
      %swap3A_162 = vector.shape_cast %swap3A_161 : vector<16xi32> to vector<16xi32>
      %swap3A_163 = vector.shape_cast %add3A_159 : vector<16xi32> to vector<16xi32>
      tpu.vector_store %arg9[%swap3A_160], %swap3A_163 {strides = array<i32>} : memref<128xi32, #tpu.memory_space<vmem>>, vector<16xi32>,
      %get3A_164 = arith.index_cast %scan3A_54 : i32 to index
      %get3A_165 = arith.constant 80 : index
      %get3A_166 = tpu.vector_load %arg8[%get3A_164, %get3A_165] {strides = array<i32>} : memref<162x128xi32, #tpu.memory_space<vmem>>, vector<1x16xi32>,
      %get3A_167 = vector.shape_cast %get3A_166 : vector<1x16xi32> to vector<16xi32>
      %add3A_168 = vector.broadcast %mul3A_0 : i32 to vector<16xi32>
      %add3A_169 = arith.addi %get3A_167, %add3A_168 : vector<16xi32>
      %swap3A_170 = arith.constant 80 : index
      %swap3A_171 = tpu.vector_load %arg10[%swap3A_170] {strides = array<i32>} : memref<128xi32, #tpu.memory_space<vmem>>, vector<16xi32>,
      %swap3A_172 = vector.shape_cast %swap3A_171 : vector<16xi32> to vector<16xi32>
      %swap3A_173 = vector.shape_cast %add3A_169 : vector<16xi32> to vector<16xi32>
      tpu.vector_store %arg10[%swap3A_170], %swap3A_173 {strides = array<i32>} : memref<128xi32, #tpu.memory_space<vmem>>, vector<16xi32>,
      %get3A_174 = arith.index_cast %scan3A_54 : i32 to index
      %get3A_175 = arith.constant 96 : index
      %get3A_176 = tpu.vector_load %arg7[%get3A_174, %get3A_175] {strides = array<i32>} : memref<162x128xi32, #tpu.memory_space<vmem>>, vector<1x16xi32>,
      %get3A_177 = vector.shape_cast %get3A_176 : vector<1x16xi32> to vector<16xi32>
      %add3A_178 = vector.broadcast %mul3A_0 : i32 to vector<16xi32>
      %add3A_179 = arith.addi %get3A_177, %add3A_178 : vector<16xi32>
      %swap3A_180 = arith.constant 96 : index
      %swap3A_181 = tpu.vector_load %arg9[%swap3A_180] {strides = array<i32>} : memref<128xi32, #tpu.memory_space<vmem>>, vector<16xi32>,
      %swap3A_182 = vector.shape_cast %swap3A_181 : vector<16xi32> to vector<16xi32>
      %swap3A_183 = vector.shape_cast %add3A_179 : vector<16xi32> to vector<16xi32>
      tpu.vector_store %arg9[%swap3A_180], %swap3A_183 {strides = array<i32>} : memref<128xi32, #tpu.memory_space<vmem>>, vector<16xi32>,
      %get3A_184 = arith.index_cast %scan3A_54 : i32 to index
      %get3A_185 = arith.constant 96 : index
      %get3A_186 = tpu.vector_load %arg8[%get3A_184, %get3A_185] {strides = array<i32>} : memref<162x128xi32, #tpu.memory_space<vmem>>, vector<1x16xi32>,
      %get3A_187 = vector.shape_cast %get3A_186 : vector<1x16xi32> to vector<16xi32>
      %add3A_188 = vector.broadcast %mul3A_0 : i32 to vector<16xi32>
      %add3A_189 = arith.addi %get3A_187, %add3A_188 : vector<16xi32>
      %swap3A_190 = arith.constant 96 : index
      %swap3A_191 = tpu.vector_load %arg10[%swap3A_190] {strides = array<i32>} : memref<128xi32, #tpu.memory_space<vmem>>, vector<16xi32>,
      %swap3A_192 = vector.shape_cast %swap3A_191 : vector<16xi32> to vector<16xi32>
      %swap3A_193 = vector.shape_cast %add3A_189 : vector<16xi32> to vector<16xi32>
      tpu.vector_store %arg10[%swap3A_190], %swap3A_193 {strides = array<i32>} : memref<128xi32, #tpu.memory_space<vmem>>, vector<16xi32>,
      %get3A_194 = arith.index_cast %scan3A_54 : i32 to index
      %get3A_195 = arith.constant 112 : index
      %get3A_196 = tpu.vector_load %arg7[%get3A_194, %get3A_195] {strides = array<i32>} : memref<162x128xi32, #tpu.memory_space<vmem>>, vector<1x16xi32>,
      %get3A_197 = vector.shape_cast %get3A_196 : vector<1x16xi32> to vector<16xi32>
      %add3A_198 = vector.broadcast %mul3A_0 : i32 to vector<16xi32>
      %add3A_199 = arith.addi %get3A_197, %add3A_198 : vector<16xi32>
      %swap3A_200 = arith.constant 112 : index
      %swap3A_201 = tpu.vector_load %arg9[%swap3A_200] {strides = array<i32>} : memref<128xi32, #tpu.memory_space<vmem>>, vector<16xi32>,
      %swap3A_202 = vector.shape_cast %swap3A_201 : vector<16xi32> to vector<16xi32>
      %swap3A_203 = vector.shape_cast %add3A_199 : vector<16xi32> to vector<16xi32>
      tpu.vector_store %arg9[%swap3A_200], %swap3A_203 {strides = array<i32>} : memref<128xi32, #tpu.memory_space<vmem>>, vector<16xi32>,
      %get3A_204 = arith.index_cast %scan3A_54 : i32 to index
      %get3A_205 = arith.constant 112 : index
      %get3A_206 = tpu.vector_load %arg8[%get3A_204, %get3A_205] {strides = array<i32>} : memref<162x128xi32, #tpu.memory_space<vmem>>, vector<1x16xi32>,
      %get3A_207 = vector.shape_cast %get3A_206 : vector<1x16xi32> to vector<16xi32>
      %add3A_208 = vector.broadcast %mul3A_0 : i32 to vector<16xi32>
      %add3A_209 = arith.addi %get3A_207, %add3A_208 : vector<16xi32>
      %swap3A_210 = arith.constant 112 : index
      %swap3A_211 = tpu.vector_load %arg10[%swap3A_210] {strides = array<i32>} : memref<128xi32, #tpu.memory_space<vmem>>, vector<16xi32>,
      %swap3A_212 = vector.shape_cast %swap3A_211 : vector<16xi32> to vector<16xi32>
      %swap3A_213 = vector.shape_cast %add3A_209 : vector<16xi32> to vector<16xi32>
      tpu.vector_store %arg10[%swap3A_210], %swap3A_213 {strides = array<i32>} : memref<128xi32, #tpu.memory_space<vmem>>, vector<16xi32>,
      %dma_start3A = arith.constant 0 : i32
      %dma_start3A_214 = arith.constant 0 : i32
      %dma_start3A_215 = tpu.memref_slice %arg2[%dma_start3A, %dma_start3A_214] : memref<20480x80xf32, #tpu.memory_space<hbm>> -> memref<20480x80xf32, #tpu.memory_space<hbm>>
      tpu.enqueue_indirect_dma source(%dma_start3A_215 : memref<20480x80xf32, #tpu.memory_space<hbm>>) target(%arg11 : memref<128x80xf32, #tpu.memory_space<vmem>>) offsets(%arg9 : memref<128xi32, #tpu.memory_space<vmem>>) semaphore(%arg15 : memref<!tpu.dma_semaphore, #tpu.memory_space<semaphore_mem>>)
      %dma_start3A_216 = arith.constant 0 : i32
      %dma_start3A_217 = arith.constant 0 : i32
      %dma_start3A_218 = tpu.memref_slice %arg3[%dma_start3A_216, %dma_start3A_217] : memref<20480x16xf32, #tpu.memory_space<hbm>> -> memref<20480x16xf32, #tpu.memory_space<hbm>>
      tpu.enqueue_indirect_dma source(%dma_start3A_218 : memref<20480x16xf32, #tpu.memory_space<hbm>>) target(%arg12 : memref<128x16xf32, #tpu.memory_space<vmem>>) offsets(%arg10 : memref<128xi32, #tpu.memory_space<vmem>>) semaphore(%arg16 : memref<!tpu.dma_semaphore, #tpu.memory_space<semaphore_mem>>)
      %dma_wait3A = arith.constant 0 : i32
      %dma_wait3A_219 = arith.constant 0 : i32
      %dma_wait3A_220 = tpu.memref_slice %arg2[%dma_wait3A, %dma_wait3A_219] : memref<20480x80xf32, #tpu.memory_space<hbm>> -> memref<20480x80xf32, #tpu.memory_space<hbm>>
      tpu.wait_indirect_dma semaphore(%arg15 : memref<!tpu.dma_semaphore, #tpu.memory_space<semaphore_mem>>) src(%dma_wait3A_220 : memref<20480x80xf32, #tpu.memory_space<hbm>>) dst(%arg11 : memref<128x80xf32, #tpu.memory_space<vmem>>)
      %dma_wait3A_221 = arith.constant 0 : i32
      %dma_wait3A_222 = arith.constant 0 : i32
      %dma_wait3A_223 = tpu.memref_slice %arg3[%dma_wait3A_221, %dma_wait3A_222] : memref<20480x16xf32, #tpu.memory_space<hbm>> -> memref<20480x16xf32, #tpu.memory_space<hbm>>
      tpu.wait_indirect_dma semaphore(%arg16 : memref<!tpu.dma_semaphore, #tpu.memory_space<semaphore_mem>>) src(%dma_wait3A_223 : memref<20480x16xf32, #tpu.memory_space<hbm>>) dst(%arg12 : memref<128x16xf32, #tpu.memory_space<vmem>>)
      %scan3A_224 = arith.constant 0 : i32
      %scan3A_225 = arith.constant 0 : i32
      %scan3A_226 = arith.constant 128 : i32
      %scan3A_227 = arith.addi %scan3A_225, %scan3A_226 : i32
      %scan3A_228 = arith.constant 1 : i32
      %scan3A_229 = scf.for %scan3A_232 = %scan3A_225 to %scan3A_227 step %scan3A_228 iter_args(%scan3A_233 = %scan3A_224) -> (i32)  : i32 {
        %get3A_234 = arith.index_cast %scan3A_232 : i32 to index
        %get3A_235 = arith.constant 64 : index
        %get3A_236 = tpu.vector_load %arg11[%get3A_234, %get3A_235] {strides = array<i32>} : memref<128x80xf32, #tpu.memory_space<vmem>>, vector<1x16xf32>,
        %get3A_237 = vector.shape_cast %get3A_236 : vector<1x16xf32> to vector<16xf32>
        %get3A_238 = arith.index_cast %scan3A_232 : i32 to index
        %get3A_239 = arith.constant 0 : index
        %get3A_240 = tpu.vector_load %arg12[%get3A_238, %get3A_239] {strides = array<i32>} : memref<128x16xf32, #tpu.memory_space<vmem>>, vector<1x16xf32>,
        %get3A_241 = vector.shape_cast %get3A_240 : vector<1x16xf32> to vector<16xf32>
        %add3A_242 = arith.addf %get3A_237, %get3A_241 : vector<16xf32>
        %ge3A = arith.constant 0.000000e+00 : f32
        %ge3A_243 = vector.broadcast %ge3A : f32 to vector<16xf32>
        %ge3A_244 = arith.cmpf oge, %add3A_242, %ge3A_243 : vector<16xf32>
        %mul3A_245 = arith.constant 2.000000e-01 : f32
        %mul3A_246 = vector.broadcast %mul3A_245 : f32 to vector<16xf32>
        %mul3A_247 = arith.mulf %mul3A_246, %add3A_242 : vector<16xf32>
        %select_n3A = arith.select %ge3A_244, %add3A_242, %mul3A_247 : vector<16xi1>, vector<16xf32>
        %exp3A = math.exp %select_n3A : vector<16xf32>
        %swap3A_248 = arith.index_cast %scan3A_232 : i32 to index
        %swap3A_249 = arith.constant 64 : index
        %swap3A_250 = tpu.vector_load %arg13[%swap3A_248, %swap3A_249] {strides = array<i32>} : memref<128x80xf32, #tpu.memory_space<vmem>>, vector<1x16xf32>,
        %swap3A_251 = vector.shape_cast %swap3A_250 : vector<1x16xf32> to vector<16xf32>
        %swap3A_252 = vector.shape_cast %exp3A : vector<16xf32> to vector<1x16xf32>
        tpu.vector_store %arg13[%swap3A_248, %swap3A_249], %swap3A_252 {strides = array<i32>} : memref<128x80xf32, #tpu.memory_space<vmem>>, vector<1x16xf32>,
        %broadcast_in_dim3A = arith.constant 0 : i32
        %broadcast_in_dim3A_253 = vector.broadcast %broadcast_in_dim3A : i32 to vector<16x1xi32>
        %gather3A = vector.shape_cast %broadcast_in_dim3A_253 : vector<16x1xi32> to vector<16xi32>
        %gather3A_254 = tpu.dynamic_gather %exp3A[%gather3A] in [0] : vector<16xf32>, vector<16xi32> -> vector<16xf32>
        %get3A_255 = arith.index_cast %scan3A_232 : i32 to index
        %get3A_256 = arith.constant 0 : index
        %get3A_257 = tpu.vector_load %arg11[%get3A_255, %get3A_256] {strides = array<i32>} : memref<128x80xf32, #tpu.memory_space<vmem>>, vector<1x16xf32>,
        %get3A_258 = vector.shape_cast %get3A_257 : vector<1x16xf32> to vector<16xf32>
        %mul3A_259 = arith.mulf %get3A_258, %gather3A_254 : vector<16xf32>
        %swap3A_260 = arith.index_cast %scan3A_232 : i32 to index
        %swap3A_261 = arith.constant 0 : index
        %swap3A_262 = tpu.vector_load %arg13[%swap3A_260, %swap3A_261] {strides = array<i32>} : memref<128x80xf32, #tpu.memory_space<vmem>>, vector<1x16xf32>,
        %swap3A_263 = vector.shape_cast %swap3A_262 : vector<1x16xf32> to vector<16xf32>
        %swap3A_264 = vector.shape_cast %mul3A_259 : vector<16xf32> to vector<1x16xf32>
        tpu.vector_store %arg13[%swap3A_260, %swap3A_261], %swap3A_264 {strides = array<i32>} : memref<128x80xf32, #tpu.memory_space<vmem>>, vector<1x16xf32>,
        %broadcast_in_dim3A_265 = arith.constant 1 : i32
        %broadcast_in_dim3A_266 = vector.broadcast %broadcast_in_dim3A_265 : i32 to vector<16x1xi32>
        %gather3A_267 = vector.shape_cast %broadcast_in_dim3A_266 : vector<16x1xi32> to vector<16xi32>
        %gather3A_268 = tpu.dynamic_gather %exp3A[%gather3A_267] in [0] : vector<16xf32>, vector<16xi32> -> vector<16xf32>
        %get3A_269 = arith.index_cast %scan3A_232 : i32 to index
        %get3A_270 = arith.constant 16 : index
        %get3A_271 = tpu.vector_load %arg11[%get3A_269, %get3A_270] {strides = array<i32>} : memref<128x80xf32, #tpu.memory_space<vmem>>, vector<1x16xf32>,
        %get3A_272 = vector.shape_cast %get3A_271 : vector<1x16xf32> to vector<16xf32>
        %mul3A_273 = arith.mulf %get3A_272, %gather3A_268 : vector<16xf32>
        %swap3A_274 = arith.index_cast %scan3A_232 : i32 to index
        %swap3A_275 = arith.constant 16 : index
        %swap3A_276 = tpu.vector_load %arg13[%swap3A_274, %swap3A_275] {strides = array<i32>} : memref<128x80xf32, #tpu.memory_space<vmem>>, vector<1x16xf32>,
        %swap3A_277 = vector.shape_cast %swap3A_276 : vector<1x16xf32> to vector<16xf32>
        %swap3A_278 = vector.shape_cast %mul3A_273 : vector<16xf32> to vector<1x16xf32>
        tpu.vector_store %arg13[%swap3A_274, %swap3A_275], %swap3A_278 {strides = array<i32>} : memref<128x80xf32, #tpu.memory_space<vmem>>, vector<1x16xf32>,
        %broadcast_in_dim3A_279 = arith.constant 2 : i32
        %broadcast_in_dim3A_280 = vector.broadcast %broadcast_in_dim3A_279 : i32 to vector<16x1xi32>
        %gather3A_281 = vector.shape_cast %broadcast_in_dim3A_280 : vector<16x1xi32> to vector<16xi32>
        %gather3A_282 = tpu.dynamic_gather %exp3A[%gather3A_281] in [0] : vector<16xf32>, vector<16xi32> -> vector<16xf32>
        %get3A_283 = arith.index_cast %scan3A_232 : i32 to index
        %get3A_284 = arith.constant 32 : index
        %get3A_285 = tpu.vector_load %arg11[%get3A_283, %get3A_284] {strides = array<i32>} : memref<128x80xf32, #tpu.memory_space<vmem>>, vector<1x16xf32>,
        %get3A_286 = vector.shape_cast %get3A_285 : vector<1x16xf32> to vector<16xf32>
        %mul3A_287 = arith.mulf %get3A_286, %gather3A_282 : vector<16xf32>
        %swap3A_288 = arith.index_cast %scan3A_232 : i32 to index
        %swap3A_289 = arith.constant 32 : index
        %swap3A_290 = tpu.vector_load %arg13[%swap3A_288, %swap3A_289] {strides = array<i32>} : memref<128x80xf32, #tpu.memory_space<vmem>>, vector<1x16xf32>,
        %swap3A_291 = vector.shape_cast %swap3A_290 : vector<1x16xf32> to vector<16xf32>
        %swap3A_292 = vector.shape_cast %mul3A_287 : vector<16xf32> to vector<1x16xf32>
        tpu.vector_store %arg13[%swap3A_288, %swap3A_289], %swap3A_292 {strides = array<i32>} : memref<128x80xf32, #tpu.memory_space<vmem>>, vector<1x16xf32>,
        %broadcast_in_dim3A_293 = arith.constant 3 : i32
        %broadcast_in_dim3A_294 = vector.broadcast %broadcast_in_dim3A_293 : i32 to vector<16x1xi32>
        %gather3A_295 = vector.shape_cast %broadcast_in_dim3A_294 : vector<16x1xi32> to vector<16xi32>
        %gather3A_296 = tpu.dynamic_gather %exp3A[%gather3A_295] in [0] : vector<16xf32>, vector<16xi32> -> vector<16xf32>
        %get3A_297 = arith.index_cast %scan3A_232 : i32 to index
        %get3A_298 = arith.constant 48 : index
        %get3A_299 = tpu.vector_load %arg11[%get3A_297, %get3A_298] {strides = array<i32>} : memref<128x80xf32, #tpu.memory_space<vmem>>, vector<1x16xf32>,
        %get3A_300 = vector.shape_cast %get3A_299 : vector<1x16xf32> to vector<16xf32>
        %mul3A_301 = arith.mulf %get3A_300, %gather3A_296 : vector<16xf32>
        %swap3A_302 = arith.index_cast %scan3A_232 : i32 to index
        %swap3A_303 = arith.constant 48 : index
        %swap3A_304 = tpu.vector_load %arg13[%swap3A_302, %swap3A_303] {strides = array<i32>} : memref<128x80xf32, #tpu.memory_space<vmem>>, vector<1x16xf32>,
        %swap3A_305 = vector.shape_cast %swap3A_304 : vector<1x16xf32> to vector<16xf32>
        %swap3A_306 = vector.shape_cast %mul3A_301 : vector<16xf32> to vector<1x16xf32>
        tpu.vector_store %arg13[%swap3A_302, %swap3A_303], %swap3A_306 {strides = array<i32>} : memref<128x80xf32, #tpu.memory_space<vmem>>, vector<1x16xf32>,
        %scan3A_307 = arith.constant 0 : i32
        scf.yield %scan3A_307 : i32
      }
      %scan3A_230 = arith.constant 128 : i32
      "tpu.region"() ({
        %run_scoped3A = tpu.sem_alloc : memref<!tpu.dma_semaphore, #tpu.memory_space<semaphore_mem>>
        %dma_start3A_232 = arith.constant 0 : i32
        %dma_start3A_233 = tpu.memref_slice %arg8[%scan3A_54, %dma_start3A_232] : memref<162x128xi32, #tpu.memory_space<vmem>> -> memref<1x128xi32, #tpu.memory_space<vmem>>
        %dma_start3A_234 = tpu.memref_squeeze %dma_start3A_233 : memref<1x128xi32, #tpu.memory_space<vmem>> -> memref<128xi32, #tpu.memory_space<vmem>>
        %dma_start3A_235 = arith.constant 0 : i32
        %dma_start3A_236 = arith.constant 0 : i32
        %dma_start3A_237 = tpu.memref_slice %arg14[%dma_start3A_235, %dma_start3A_236] : memref<10240x80xf32, #tpu.memory_space<vmem_shared>> -> memref<10240x80xf32, #tpu.memory_space<vmem_shared>>
        tpu.enqueue_indirect_dma source(%arg13 : memref<128x80xf32, #tpu.memory_space<vmem>>) target(%dma_start3A_237 : memref<10240x80xf32, #tpu.memory_space<vmem_shared>>) offsets(%dma_start3A_234 : memref<128xi32, #tpu.memory_space<vmem>>) semaphore(%run_scoped3A : memref<!tpu.dma_semaphore, #tpu.memory_space<semaphore_mem>>) {add = true}
        %dma_wait3A_238 = arith.constant 0 : i32
        %dma_wait3A_239 = tpu.memref_slice %arg8[%scan3A_54, %dma_wait3A_238] : memref<162x128xi32, #tpu.memory_space<vmem>> -> memref<1x128xi32, #tpu.memory_space<vmem>>
        %dma_wait3A_240 = tpu.memref_squeeze %dma_wait3A_239 : memref<1x128xi32, #tpu.memory_space<vmem>> -> memref<128xi32, #tpu.memory_space<vmem>>
        %dma_wait3A_241 = arith.constant 0 : i32
        %dma_wait3A_242 = arith.constant 0 : i32
        %dma_wait3A_243 = tpu.memref_slice %arg14[%dma_wait3A_241, %dma_wait3A_242] : memref<10240x80xf32, #tpu.memory_space<vmem_shared>> -> memref<10240x80xf32, #tpu.memory_space<vmem_shared>>
        tpu.wait_indirect_dma semaphore(%run_scoped3A : memref<!tpu.dma_semaphore, #tpu.memory_space<semaphore_mem>>) src(%arg13 : memref<128x80xf32, #tpu.memory_space<vmem>>) dst(%dma_wait3A_243 : memref<10240x80xf32, #tpu.memory_space<vmem_shared>>)
        tpu.yield
      }) : () -> ()
      %scan3A_231 = arith.constant 0 : i32
      scf.yield %scan3A_231 : i32
    }
    %scan3A_32 = arith.constant 162 : i32
    %barrier3A_33 = arith.constant 0 : index
    tpu.barrier barrier_id(%barrier3A_33)
    %mul3A_34 = arith.constant 640 : i32
    %mul3A_35 = arith.muli %arg1, %mul3A_34 : i32
    %add3A_36 = arith.constant 0 : i32
    %add3A_37 = arith.addi %mul3A_35, %add3A_36 : i32
    "tpu.region"() ({
      %run_scoped3A = tpu.sem_alloc : memref<!tpu.dma_semaphore, #tpu.memory_space<semaphore_mem>>
      %dma_start3A = arith.constant 0 : i32
      %dma_start3A_54 = tpu.memref_slice %arg6[%arg0, %add3A_37, %dma_start3A] : memref<2x10240x80xf32, #tpu.memory_space<hbm>> -> memref<1x128x80xf32, #tpu.memory_space<hbm>>
      %dma_start3A_55 = tpu.memref_squeeze %dma_start3A_54 : memref<1x128x80xf32, #tpu.memory_space<hbm>> -> memref<128x80xf32, #tpu.memory_space<hbm>>
      %dma_start3A_56 = arith.constant 0 : i32
      %dma_start3A_57 = tpu.memref_slice %arg14[%add3A_37, %dma_start3A_56] : memref<10240x80xf32, #tpu.memory_space<vmem_shared>> -> memref<128x80xf32, #tpu.memory_space<vmem_shared>>
      tpu.enqueue_dma source(%dma_start3A_57 : memref<128x80xf32, #tpu.memory_space<vmem_shared>>) target(%dma_start3A_55 : memref<128x80xf32, #tpu.memory_space<hbm>>) target_semaphore(%run_scoped3A : memref<!tpu.dma_semaphore, #tpu.memory_space<semaphore_mem>>)
      %dma_wait3A = arith.constant 0 : i32
      %dma_wait3A_58 = tpu.memref_slice %arg6[%arg0, %add3A_37, %dma_wait3A] : memref<2x10240x80xf32, #tpu.memory_space<hbm>> -> memref<1x128x80xf32, #tpu.memory_space<hbm>>
      %dma_wait3A_59 = tpu.memref_squeeze %dma_wait3A_58 : memref<1x128x80xf32, #tpu.memory_space<hbm>> -> memref<128x80xf32, #tpu.memory_space<hbm>>
      %dma_wait3A_60 = arith.constant 0 : i32
      %dma_wait3A_61 = tpu.memref_slice %arg14[%add3A_37, %dma_wait3A_60] : memref<10240x80xf32, #tpu.memory_space<vmem_shared>> -> memref<128x80xf32, #tpu.memory_space<vmem_shared>>
      tpu.wait_dma2 semaphore(%run_scoped3A : memref<!tpu.dma_semaphore, #tpu.memory_space<semaphore_mem>>) src(%dma_wait3A_61 : memref<128x80xf32, #tpu.memory_space<vmem_shared>>) dst(%dma_wait3A_59 : memref<128x80xf32, #tpu.memory_space<hbm>>)
      tpu.yield
    }) : () -> ()
    %mul3A_38 = arith.constant 640 : i32
    %mul3A_39 = arith.muli %arg1, %mul3A_38 : i32
    %add3A_40 = arith.constant 128 : i32
    %add3A_41 = arith.addi %mul3A_39, %add3A_40 : i32
    "tpu.region"() ({
      %run_scoped3A = tpu.sem_alloc : memref<!tpu.dma_semaphore, #tpu.memory_space<semaphore_mem>>
      %dma_start3A = arith.constant 0 : i32
      %dma_start3A_54 = tpu.memref_slice %arg6[%arg0, %add3A_41, %dma_start3A] : memref<2x10240x80xf32, #tpu.memory_space<hbm>> -> memref<1x128x80xf32, #tpu.memory_space<hbm>>
      %dma_start3A_55 = tpu.memref_squeeze %dma_start3A_54 : memref<1x128x80xf32, #tpu.memory_space<hbm>> -> memref<128x80xf32, #tpu.memory_space<hbm>>
      %dma_start3A_56 = arith.constant 0 : i32
      %dma_start3A_57 = tpu.memref_slice %arg14[%add3A_41, %dma_start3A_56] : memref<10240x80xf32, #tpu.memory_space<vmem_shared>> -> memref<128x80xf32, #tpu.memory_space<vmem_shared>>
      tpu.enqueue_dma source(%dma_start3A_57 : memref<128x80xf32, #tpu.memory_space<vmem_shared>>) target(%dma_start3A_55 : memref<128x80xf32, #tpu.memory_space<hbm>>) target_semaphore(%run_scoped3A : memref<!tpu.dma_semaphore, #tpu.memory_space<semaphore_mem>>)
      %dma_wait3A = arith.constant 0 : i32
      %dma_wait3A_58 = tpu.memref_slice %arg6[%arg0, %add3A_41, %dma_wait3A] : memref<2x10240x80xf32, #tpu.memory_space<hbm>> -> memref<1x128x80xf32, #tpu.memory_space<hbm>>
      %dma_wait3A_59 = tpu.memref_squeeze %dma_wait3A_58 : memref<1x128x80xf32, #tpu.memory_space<hbm>> -> memref<128x80xf32, #tpu.memory_space<hbm>>
      %dma_wait3A_60 = arith.constant 0 : i32
      %dma_wait3A_61 = tpu.memref_slice %arg14[%add3A_41, %dma_wait3A_60] : memref<10240x80xf32, #tpu.memory_space<vmem_shared>> -> memref<128x80xf32, #tpu.memory_space<vmem_shared>>
      tpu.wait_dma2 semaphore(%run_scoped3A : memref<!tpu.dma_semaphore, #tpu.memory_space<semaphore_mem>>) src(%dma_wait3A_61 : memref<128x80xf32, #tpu.memory_space<vmem_shared>>) dst(%dma_wait3A_59 : memref<128x80xf32, #tpu.memory_space<hbm>>)
      tpu.yield
    }) : () -> ()
    %mul3A_42 = arith.constant 640 : i32
    %mul3A_43 = arith.muli %arg1, %mul3A_42 : i32
    %add3A_44 = arith.constant 256 : i32
    %add3A_45 = arith.addi %mul3A_43, %add3A_44 : i32
    "tpu.region"() ({
      %run_scoped3A = tpu.sem_alloc : memref<!tpu.dma_semaphore, #tpu.memory_space<semaphore_mem>>
      %dma_start3A = arith.constant 0 : i32
      %dma_start3A_54 = tpu.memref_slice %arg6[%arg0, %add3A_45, %dma_start3A] : memref<2x10240x80xf32, #tpu.memory_space<hbm>> -> memref<1x128x80xf32, #tpu.memory_space<hbm>>
      %dma_start3A_55 = tpu.memref_squeeze %dma_start3A_54 : memref<1x128x80xf32, #tpu.memory_space<hbm>> -> memref<128x80xf32, #tpu.memory_space<hbm>>
      %dma_start3A_56 = arith.constant 0 : i32
      %dma_start3A_57 = tpu.memref_slice %arg14[%add3A_45, %dma_start3A_56] : memref<10240x80xf32, #tpu.memory_space<vmem_shared>> -> memref<128x80xf32, #tpu.memory_space<vmem_shared>>
      tpu.enqueue_dma source(%dma_start3A_57 : memref<128x80xf32, #tpu.memory_space<vmem_shared>>) target(%dma_start3A_55 : memref<128x80xf32, #tpu.memory_space<hbm>>) target_semaphore(%run_scoped3A : memref<!tpu.dma_semaphore, #tpu.memory_space<semaphore_mem>>)
      %dma_wait3A = arith.constant 0 : i32
      %dma_wait3A_58 = tpu.memref_slice %arg6[%arg0, %add3A_45, %dma_wait3A] : memref<2x10240x80xf32, #tpu.memory_space<hbm>> -> memref<1x128x80xf32, #tpu.memory_space<hbm>>
      %dma_wait3A_59 = tpu.memref_squeeze %dma_wait3A_58 : memref<1x128x80xf32, #tpu.memory_space<hbm>> -> memref<128x80xf32, #tpu.memory_space<hbm>>
      %dma_wait3A_60 = arith.constant 0 : i32
      %dma_wait3A_61 = tpu.memref_slice %arg14[%add3A_45, %dma_wait3A_60] : memref<10240x80xf32, #tpu.memory_space<vmem_shared>> -> memref<128x80xf32, #tpu.memory_space<vmem_shared>>
      tpu.wait_dma2 semaphore(%run_scoped3A : memref<!tpu.dma_semaphore, #tpu.memory_space<semaphore_mem>>) src(%dma_wait3A_61 : memref<128x80xf32, #tpu.memory_space<vmem_shared>>) dst(%dma_wait3A_59 : memref<128x80xf32, #tpu.memory_space<hbm>>)
      tpu.yield
    }) : () -> ()
    %mul3A_46 = arith.constant 640 : i32
    %mul3A_47 = arith.muli %arg1, %mul3A_46 : i32
    %add3A_48 = arith.constant 384 : i32
    %add3A_49 = arith.addi %mul3A_47, %add3A_48 : i32
    "tpu.region"() ({
      %run_scoped3A = tpu.sem_alloc : memref<!tpu.dma_semaphore, #tpu.memory_space<semaphore_mem>>
      %dma_start3A = arith.constant 0 : i32
      %dma_start3A_54 = tpu.memref_slice %arg6[%arg0, %add3A_49, %dma_start3A] : memref<2x10240x80xf32, #tpu.memory_space<hbm>> -> memref<1x128x80xf32, #tpu.memory_space<hbm>>
      %dma_start3A_55 = tpu.memref_squeeze %dma_start3A_54 : memref<1x128x80xf32, #tpu.memory_space<hbm>> -> memref<128x80xf32, #tpu.memory_space<hbm>>
      %dma_start3A_56 = arith.constant 0 : i32
      %dma_start3A_57 = tpu.memref_slice %arg14[%add3A_49, %dma_start3A_56] : memref<10240x80xf32, #tpu.memory_space<vmem_shared>> -> memref<128x80xf32, #tpu.memory_space<vmem_shared>>
      tpu.enqueue_dma source(%dma_start3A_57 : memref<128x80xf32, #tpu.memory_space<vmem_shared>>) target(%dma_start3A_55 : memref<128x80xf32, #tpu.memory_space<hbm>>) target_semaphore(%run_scoped3A : memref<!tpu.dma_semaphore, #tpu.memory_space<semaphore_mem>>)
      %dma_wait3A = arith.constant 0 : i32
      %dma_wait3A_58 = tpu.memref_slice %arg6[%arg0, %add3A_49, %dma_wait3A] : memref<2x10240x80xf32, #tpu.memory_space<hbm>> -> memref<1x128x80xf32, #tpu.memory_space<hbm>>
      %dma_wait3A_59 = tpu.memref_squeeze %dma_wait3A_58 : memref<1x128x80xf32, #tpu.memory_space<hbm>> -> memref<128x80xf32, #tpu.memory_space<hbm>>
      %dma_wait3A_60 = arith.constant 0 : i32
      %dma_wait3A_61 = tpu.memref_slice %arg14[%add3A_49, %dma_wait3A_60] : memref<10240x80xf32, #tpu.memory_space<vmem_shared>> -> memref<128x80xf32, #tpu.memory_space<vmem_shared>>
      tpu.wait_dma2 semaphore(%run_scoped3A : memref<!tpu.dma_semaphore, #tpu.memory_space<semaphore_mem>>) src(%dma_wait3A_61 : memref<128x80xf32, #tpu.memory_space<vmem_shared>>) dst(%dma_wait3A_59 : memref<128x80xf32, #tpu.memory_space<hbm>>)
      tpu.yield
    }) : () -> ()
    %mul3A_50 = arith.constant 640 : i32
    %mul3A_51 = arith.muli %arg1, %mul3A_50 : i32
    %add3A_52 = arith.constant 512 : i32
    %add3A_53 = arith.addi %mul3A_51, %add3A_52 : i32
    "tpu.region"() ({
      %run_scoped3A = tpu.sem_alloc : memref<!tpu.dma_semaphore, #tpu.memory_space<semaphore_mem>>
      %dma_start3A = arith.constant 0 : i32
      %dma_start3A_54 = tpu.memref_slice %arg6[%arg0, %add3A_53, %dma_start3A] : memref<2x10240x80xf32, #tpu.memory_space<hbm>> -> memref<1x128x80xf32, #tpu.memory_space<hbm>>
      %dma_start3A_55 = tpu.memref_squeeze %dma_start3A_54 : memref<1x128x80xf32, #tpu.memory_space<hbm>> -> memref<128x80xf32, #tpu.memory_space<hbm>>
      %dma_start3A_56 = arith.constant 0 : i32
      %dma_start3A_57 = tpu.memref_slice %arg14[%add3A_53, %dma_start3A_56] : memref<10240x80xf32, #tpu.memory_space<vmem_shared>> -> memref<128x80xf32, #tpu.memory_space<vmem_shared>>
      tpu.enqueue_dma source(%dma_start3A_57 : memref<128x80xf32, #tpu.memory_space<vmem_shared>>) target(%dma_start3A_55 : memref<128x80xf32, #tpu.memory_space<hbm>>) target_semaphore(%run_scoped3A : memref<!tpu.dma_semaphore, #tpu.memory_space<semaphore_mem>>)
      %dma_wait3A = arith.constant 0 : i32
      %dma_wait3A_58 = tpu.memref_slice %arg6[%arg0, %add3A_53, %dma_wait3A] : memref<2x10240x80xf32, #tpu.memory_space<hbm>> -> memref<1x128x80xf32, #tpu.memory_space<hbm>>
      %dma_wait3A_59 = tpu.memref_squeeze %dma_wait3A_58 : memref<1x128x80xf32, #tpu.memory_space<hbm>> -> memref<128x80xf32, #tpu.memory_space<hbm>>
      %dma_wait3A_60 = arith.constant 0 : i32
      %dma_wait3A_61 = tpu.memref_slice %arg14[%add3A_53, %dma_wait3A_60] : memref<10240x80xf32, #tpu.memory_space<vmem_shared>> -> memref<128x80xf32, #tpu.memory_space<vmem_shared>>
      tpu.wait_dma2 semaphore(%run_scoped3A : memref<!tpu.dma_semaphore, #tpu.memory_space<semaphore_mem>>) src(%dma_wait3A_61 : memref<128x80xf32, #tpu.memory_space<vmem_shared>>) dst(%dma_wait3A_59 : memref<128x80xf32, #tpu.memory_space<hbm>>)
      tpu.yield
    }) : () -> ()
    return
  }
}

#map = affine_map<(d0, d1) -> (0, 0)>
#map1 = affine_map<(d0, d1) -> (0, 0, 0)>
module attributes {stable_mosaic.version = 14 : i64} {
  func.func @edge_kernel(%arg0: i32, %arg1: i32, %arg2: memref<20480x80xf32, #tpu.memory_space<hbm>>, %arg3: memref<20480x16xf32, #tpu.memory_space<hbm>>, %arg4: memref<16x162x128xi32, #tpu.memory_space<hbm>>, %arg5: memref<16x162x128xi32, #tpu.memory_space<hbm>>, %arg6: memref<2x10240x80xf32, #tpu.memory_space<hbm>>, %arg7: memref<162x128xi32, #tpu.memory_space<vmem>>, %arg8: memref<162x128xi32, #tpu.memory_space<vmem>>, %arg9: memref<128xi32, #tpu.memory_space<vmem>>, %arg10: memref<128xi32, #tpu.memory_space<vmem>>, %arg11: memref<128x80xf32, #tpu.memory_space<vmem>>, %arg12: memref<128x16xf32, #tpu.memory_space<vmem>>, %arg13: memref<128x80xf32, #tpu.memory_space<vmem>>, %arg14: memref<10240x80xf32, #tpu.memory_space<vmem_shared>>, %arg15: memref<!tpu.dma_semaphore, #tpu.memory_space<semaphore_mem>>, %arg16: memref<!tpu.dma_semaphore, #tpu.memory_space<semaphore_mem>>) attributes {dimension_semantics = [#tpu.dimension_semantics<core_parallel>, #tpu.dimension_semantics<subcore_parallel>], iteration_bounds = array<i64: 2, 16>, scalar_prefetch = 0 : i64, scratch_operands = 10 : i64, tpu.core_type = #tpu.core_type<sc_vector_subcore>, window_params = [{transform_indices = #map}, {transform_indices = #map}, {transform_indices = #map1}, {transform_indices = #map1}, {transform_indices = #map1}]} {
    %mul3A = arith.constant 10240 : i32
    %mul3A_0 = arith.muli %arg0, %mul3A : i32
    %scan3A = arith.constant 0 : i32
    %scan3A_1 = arith.constant 0 : i32
    %scan3A_2 = arith.constant 640 : i32
    %scan3A_3 = arith.addi %scan3A_1, %scan3A_2 : i32
    %scan3A_4 = arith.constant 1 : i32
    %scan3A_5 = scf.for %scan3A_54 = %scan3A_1 to %scan3A_3 step %scan3A_4 iter_args(%scan3A_55 = %scan3A) -> (i32)  : i32 {
      %broadcast_in_dim3A = arith.constant 0.000000e+00 : f32
      %broadcast_in_dim3A_56 = vector.broadcast %broadcast_in_dim3A : f32 to vector<16xf32>
      %jit3A = arith.constant 5 : i32
      %div3A = arith.divsi %scan3A_54, %jit3A : i32
      %sign3A = arith.constant 0 : i32
      %sign3A_57 = arith.cmpi sgt, %scan3A_54, %sign3A : i32
      %sign3A_58 = arith.extui %sign3A_57 : i1 to i32
      %sign3A_59 = arith.constant 0 : i32
      %sign3A_60 = arith.cmpi slt, %scan3A_54, %sign3A_59 : i32
      %sign3A_61 = arith.extui %sign3A_60 : i1 to i32
      %sign3A_62 = arith.subi %sign3A_58, %sign3A_61 : i32
      %sign3A_63 = arith.constant 0 : i32
      %sign3A_64 = arith.cmpi sgt, %jit3A, %sign3A_63 : i32
      %sign3A_65 = arith.extui %sign3A_64 : i1 to i32
      %sign3A_66 = arith.constant 0 : i32
      %sign3A_67 = arith.cmpi slt, %jit3A, %sign3A_66 : i32
      %sign3A_68 = arith.extui %sign3A_67 : i1 to i32
      %sign3A_69 = arith.subi %sign3A_65, %sign3A_68 : i32
      %ne3A = arith.cmpi ne, %sign3A_62, %sign3A_69 : i32
      %rem3A = arith.remsi %scan3A_54, %jit3A : i32
      %ne3A_70 = arith.constant 0 : i32
      %ne3A_71 = arith.cmpi ne, %rem3A, %ne3A_70 : i32
      %and3A = arith.andi %ne3A, %ne3A_71 : i1
      %sub3A = arith.constant 1 : i32
      %sub3A_72 = arith.subi %div3A, %sub3A : i32
      %select_n3A = arith.select %and3A, %sub3A_72, %div3A : i32
      %jit3A_73 = arith.constant 5 : i32
      %eq3A = arith.constant 0 : i32
      %eq3A_74 = arith.cmpi eq, %jit3A_73, %eq3A : i32
      %jit3A_75 = arith.constant 1 : i32
      %select_n3A_76 = arith.select %eq3A_74, %jit3A_75, %jit3A_73 : i32
      %rem3A_77 = arith.remsi %scan3A_54, %select_n3A_76 : i32
      %ne3A_78 = arith.constant 0 : i32
      %ne3A_79 = arith.cmpi ne, %rem3A_77, %ne3A_78 : i32
      %lt3A = arith.constant 0 : i32
      %lt3A_80 = arith.cmpi slt, %rem3A_77, %lt3A : i32
      %lt3A_81 = arith.constant 0 : i32
      %lt3A_82 = arith.cmpi slt, %select_n3A_76, %lt3A_81 : i32
      %ne3A_83 = arith.xori %lt3A_80, %lt3A_82 : i1
      %and3A_84 = arith.andi %ne3A_83, %ne3A_79 : i1
      %add3A_85 = arith.addi %rem3A_77, %select_n3A_76 : i32
      %select_n3A_86 = arith.select %and3A_84, %add3A_85, %rem3A_77 : i32
      %mul3A_87 = arith.constant 16 : i32
      %mul3A_88 = arith.muli %select_n3A_86, %mul3A_87 : i32
      %swap3A = arith.index_cast %select_n3A : i32 to index
      %swap3A_89 = arith.index_cast %mul3A_88 : i32 to index
      %swap3A_90 = tpu.vector_load %arg13[%swap3A, %swap3A_89] {strides = array<i32>} : memref<128x80xf32, #tpu.memory_space<vmem>>, vector<1x16xf32>,
      %swap3A_91 = vector.shape_cast %swap3A_90 : vector<1x16xf32> to vector<16xf32>
      %swap3A_92 = vector.shape_cast %broadcast_in_dim3A_56 : vector<16xf32> to vector<1x16xf32>
      tpu.vector_store %arg13[%swap3A, %swap3A_89], %swap3A_92 {strides = array<i32>} : memref<128x80xf32, #tpu.memory_space<vmem>>, vector<1x16xf32>,
      %scan3A_93 = arith.constant 0 : i32
      scf.yield %scan3A_93 : i32
    }
    %scan3A_6 = arith.constant 640 : i32
    %mul3A_7 = arith.constant 640 : i32
    %mul3A_8 = arith.muli %arg1, %mul3A_7 : i32
    %add3A = arith.constant 0 : i32
    %add3A_9 = arith.addi %mul3A_8, %add3A : i32
    "tpu.region"() ({
      %run_scoped3A = tpu.sem_alloc : memref<!tpu.dma_semaphore, #tpu.memory_space<semaphore_mem>>
      %dma_start3A = arith.constant 0 : i32
      %dma_start3A_54 = tpu.memref_slice %arg14[%add3A_9, %dma_start3A] : memref<10240x80xf32, #tpu.memory_space<vmem_shared>> -> memref<128x80xf32, #tpu.memory_space<vmem_shared>>
      %dma_start3A_55 = arith.constant 0 : i32
      %dma_start3A_56 = tpu.memref_slice %arg14[%add3A_9, %dma_start3A_55] : memref<10240x80xf32, #tpu.memory_space<vmem_shared>> -> memref<128x80xf32, #tpu.memory_space<vmem_shared>>
      tpu.enqueue_dma source(%arg13 : memref<128x80xf32, #tpu.memory_space<vmem>>) target(%dma_start3A_56 : memref<128x80xf32, #tpu.memory_space<vmem_shared>>) target_semaphore(%run_scoped3A : memref<!tpu.dma_semaphore, #tpu.memory_space<semaphore_mem>>)
      %dma_wait3A = arith.constant 0 : i32
      %dma_wait3A_57 = tpu.memref_slice %arg14[%add3A_9, %dma_wait3A] : memref<10240x80xf32, #tpu.memory_space<vmem_shared>> -> memref<128x80xf32, #tpu.memory_space<vmem_shared>>
      %dma_wait3A_58 = arith.constant 0 : i32
      %dma_wait3A_59 = tpu.memref_slice %arg14[%add3A_9, %dma_wait3A_58] : memref<10240x80xf32, #tpu.memory_space<vmem_shared>> -> memref<128x80xf32, #tpu.memory_space<vmem_shared>>
      tpu.wait_dma2 semaphore(%run_scoped3A : memref<!tpu.dma_semaphore, #tpu.memory_space<semaphore_mem>>) src(%arg13 : memref<128x80xf32, #tpu.memory_space<vmem>>) dst(%dma_wait3A_59 : memref<128x80xf32, #tpu.memory_space<vmem_shared>>)
      tpu.yield
    }) : () -> ()
    %mul3A_10 = arith.constant 640 : i32
    %mul3A_11 = arith.muli %arg1, %mul3A_10 : i32
    %add3A_12 = arith.constant 128 : i32
    %add3A_13 = arith.addi %mul3A_11, %add3A_12 : i32
    "tpu.region"() ({
      %run_scoped3A = tpu.sem_alloc : memref<!tpu.dma_semaphore, #tpu.memory_space<semaphore_mem>>
      %dma_start3A = arith.constant 0 : i32
      %dma_start3A_54 = tpu.memref_slice %arg14[%add3A_13, %dma_start3A] : memref<10240x80xf32, #tpu.memory_space<vmem_shared>> -> memref<128x80xf32, #tpu.memory_space<vmem_shared>>
      %dma_start3A_55 = arith.constant 0 : i32
      %dma_start3A_56 = tpu.memref_slice %arg14[%add3A_13, %dma_start3A_55] : memref<10240x80xf32, #tpu.memory_space<vmem_shared>> -> memref<128x80xf32, #tpu.memory_space<vmem_shared>>
      tpu.enqueue_dma source(%arg13 : memref<128x80xf32, #tpu.memory_space<vmem>>) target(%dma_start3A_56 : memref<128x80xf32, #tpu.memory_space<vmem_shared>>) target_semaphore(%run_scoped3A : memref<!tpu.dma_semaphore, #tpu.memory_space<semaphore_mem>>)
      %dma_wait3A = arith.constant 0 : i32
      %dma_wait3A_57 = tpu.memref_slice %arg14[%add3A_13, %dma_wait3A] : memref<10240x80xf32, #tpu.memory_space<vmem_shared>> -> memref<128x80xf32, #tpu.memory_space<vmem_shared>>
      %dma_wait3A_58 = arith.constant 0 : i32
      %dma_wait3A_59 = tpu.memref_slice %arg14[%add3A_13, %dma_wait3A_58] : memref<10240x80xf32, #tpu.memory_space<vmem_shared>> -> memref<128x80xf32, #tpu.memory_space<vmem_shared>>
      tpu.wait_dma2 semaphore(%run_scoped3A : memref<!tpu.dma_semaphore, #tpu.memory_space<semaphore_mem>>) src(%arg13 : memref<128x80xf32, #tpu.memory_space<vmem>>) dst(%dma_wait3A_59 : memref<128x80xf32, #tpu.memory_space<vmem_shared>>)
      tpu.yield
    }) : () -> ()
    %mul3A_14 = arith.constant 640 : i32
    %mul3A_15 = arith.muli %arg1, %mul3A_14 : i32
    %add3A_16 = arith.constant 256 : i32
    %add3A_17 = arith.addi %mul3A_15, %add3A_16 : i32
    "tpu.region"() ({
      %run_scoped3A = tpu.sem_alloc : memref<!tpu.dma_semaphore, #tpu.memory_space<semaphore_mem>>
      %dma_start3A = arith.constant 0 : i32
      %dma_start3A_54 = tpu.memref_slice %arg14[%add3A_17, %dma_start3A] : memref<10240x80xf32, #tpu.memory_space<vmem_shared>> -> memref<128x80xf32, #tpu.memory_space<vmem_shared>>
      %dma_start3A_55 = arith.constant 0 : i32
      %dma_start3A_56 = tpu.memref_slice %arg14[%add3A_17, %dma_start3A_55] : memref<10240x80xf32, #tpu.memory_space<vmem_shared>> -> memref<128x80xf32, #tpu.memory_space<vmem_shared>>
      tpu.enqueue_dma source(%arg13 : memref<128x80xf32, #tpu.memory_space<vmem>>) target(%dma_start3A_56 : memref<128x80xf32, #tpu.memory_space<vmem_shared>>) target_semaphore(%run_scoped3A : memref<!tpu.dma_semaphore, #tpu.memory_space<semaphore_mem>>)
      %dma_wait3A = arith.constant 0 : i32
      %dma_wait3A_57 = tpu.memref_slice %arg14[%add3A_17, %dma_wait3A] : memref<10240x80xf32, #tpu.memory_space<vmem_shared>> -> memref<128x80xf32, #tpu.memory_space<vmem_shared>>
      %dma_wait3A_58 = arith.constant 0 : i32
      %dma_wait3A_59 = tpu.memref_slice %arg14[%add3A_17, %dma_wait3A_58] : memref<10240x80xf32, #tpu.memory_space<vmem_shared>> -> memref<128x80xf32, #tpu.memory_space<vmem_shared>>
      tpu.wait_dma2 semaphore(%run_scoped3A : memref<!tpu.dma_semaphore, #tpu.memory_space<semaphore_mem>>) src(%arg13 : memref<128x80xf32, #tpu.memory_space<vmem>>) dst(%dma_wait3A_59 : memref<128x80xf32, #tpu.memory_space<vmem_shared>>)
      tpu.yield
    }) : () -> ()
    %mul3A_18 = arith.constant 640 : i32
    %mul3A_19 = arith.muli %arg1, %mul3A_18 : i32
    %add3A_20 = arith.constant 384 : i32
    %add3A_21 = arith.addi %mul3A_19, %add3A_20 : i32
    "tpu.region"() ({
      %run_scoped3A = tpu.sem_alloc : memref<!tpu.dma_semaphore, #tpu.memory_space<semaphore_mem>>
      %dma_start3A = arith.constant 0 : i32
      %dma_start3A_54 = tpu.memref_slice %arg14[%add3A_21, %dma_start3A] : memref<10240x80xf32, #tpu.memory_space<vmem_shared>> -> memref<128x80xf32, #tpu.memory_space<vmem_shared>>
      %dma_start3A_55 = arith.constant 0 : i32
      %dma_start3A_56 = tpu.memref_slice %arg14[%add3A_21, %dma_start3A_55] : memref<10240x80xf32, #tpu.memory_space<vmem_shared>> -> memref<128x80xf32, #tpu.memory_space<vmem_shared>>
      tpu.enqueue_dma source(%arg13 : memref<128x80xf32, #tpu.memory_space<vmem>>) target(%dma_start3A_56 : memref<128x80xf32, #tpu.memory_space<vmem_shared>>) target_semaphore(%run_scoped3A : memref<!tpu.dma_semaphore, #tpu.memory_space<semaphore_mem>>)
      %dma_wait3A = arith.constant 0 : i32
      %dma_wait3A_57 = tpu.memref_slice %arg14[%add3A_21, %dma_wait3A] : memref<10240x80xf32, #tpu.memory_space<vmem_shared>> -> memref<128x80xf32, #tpu.memory_space<vmem_shared>>
      %dma_wait3A_58 = arith.constant 0 : i32
      %dma_wait3A_59 = tpu.memref_slice %arg14[%add3A_21, %dma_wait3A_58] : memref<10240x80xf32, #tpu.memory_space<vmem_shared>> -> memref<128x80xf32, #tpu.memory_space<vmem_shared>>
      tpu.wait_dma2 semaphore(%run_scoped3A : memref<!tpu.dma_semaphore, #tpu.memory_space<semaphore_mem>>) src(%arg13 : memref<128x80xf32, #tpu.memory_space<vmem>>) dst(%dma_wait3A_59 : memref<128x80xf32, #tpu.memory_space<vmem_shared>>)
      tpu.yield
    }) : () -> ()
    %mul3A_22 = arith.constant 640 : i32
    %mul3A_23 = arith.muli %arg1, %mul3A_22 : i32
    %add3A_24 = arith.constant 512 : i32
    %add3A_25 = arith.addi %mul3A_23, %add3A_24 : i32
    "tpu.region"() ({
      %run_scoped3A = tpu.sem_alloc : memref<!tpu.dma_semaphore, #tpu.memory_space<semaphore_mem>>
      %dma_start3A = arith.constant 0 : i32
      %dma_start3A_54 = tpu.memref_slice %arg14[%add3A_25, %dma_start3A] : memref<10240x80xf32, #tpu.memory_space<vmem_shared>> -> memref<128x80xf32, #tpu.memory_space<vmem_shared>>
      %dma_start3A_55 = arith.constant 0 : i32
      %dma_start3A_56 = tpu.memref_slice %arg14[%add3A_25, %dma_start3A_55] : memref<10240x80xf32, #tpu.memory_space<vmem_shared>> -> memref<128x80xf32, #tpu.memory_space<vmem_shared>>
      tpu.enqueue_dma source(%arg13 : memref<128x80xf32, #tpu.memory_space<vmem>>) target(%dma_start3A_56 : memref<128x80xf32, #tpu.memory_space<vmem_shared>>) target_semaphore(%run_scoped3A : memref<!tpu.dma_semaphore, #tpu.memory_space<semaphore_mem>>)
      %dma_wait3A = arith.constant 0 : i32
      %dma_wait3A_57 = tpu.memref_slice %arg14[%add3A_25, %dma_wait3A] : memref<10240x80xf32, #tpu.memory_space<vmem_shared>> -> memref<128x80xf32, #tpu.memory_space<vmem_shared>>
      %dma_wait3A_58 = arith.constant 0 : i32
      %dma_wait3A_59 = tpu.memref_slice %arg14[%add3A_25, %dma_wait3A_58] : memref<10240x80xf32, #tpu.memory_space<vmem_shared>> -> memref<128x80xf32, #tpu.memory_space<vmem_shared>>
      tpu.wait_dma2 semaphore(%run_scoped3A : memref<!tpu.dma_semaphore, #tpu.memory_space<semaphore_mem>>) src(%arg13 : memref<128x80xf32, #tpu.memory_space<vmem>>) dst(%dma_wait3A_59 : memref<128x80xf32, #tpu.memory_space<vmem_shared>>)
      tpu.yield
    }) : () -> ()
    %barrier3A = arith.constant 0 : index
    tpu.barrier barrier_id(%barrier3A)
    "tpu.region"() ({
      %run_scoped3A = tpu.sem_alloc : memref<!tpu.dma_semaphore, #tpu.memory_space<semaphore_mem>>
      %dma_start3A = arith.constant 0 : i32
      %dma_start3A_54 = arith.constant 0 : i32
      %dma_start3A_55 = tpu.memref_slice %arg4[%arg1, %dma_start3A, %dma_start3A_54] : memref<16x162x128xi32, #tpu.memory_space<hbm>> -> memref<1x162x128xi32, #tpu.memory_space<hbm>>
      %dma_start3A_56 = tpu.memref_squeeze %dma_start3A_55 : memref<1x162x128xi32, #tpu.memory_space<hbm>> -> memref<162x128xi32, #tpu.memory_space<hbm>>
      %dma_start3A_57 = arith.constant 0 : i32
      %dma_start3A_58 = arith.constant 0 : i32
      %dma_start3A_59 = tpu.memref_slice %arg4[%arg1, %dma_start3A_57, %dma_start3A_58] : memref<16x162x128xi32, #tpu.memory_space<hbm>> -> memref<1x162x128xi32, #tpu.memory_space<hbm>>
      %dma_start3A_60 = tpu.memref_squeeze %dma_start3A_59 : memref<1x162x128xi32, #tpu.memory_space<hbm>> -> memref<162x128xi32, #tpu.memory_space<hbm>>
      tpu.enqueue_dma source(%dma_start3A_60 : memref<162x128xi32, #tpu.memory_space<hbm>>) target(%arg7 : memref<162x128xi32, #tpu.memory_space<vmem>>) target_semaphore(%run_scoped3A : memref<!tpu.dma_semaphore, #tpu.memory_space<semaphore_mem>>)
      %dma_wait3A = arith.constant 0 : i32
      %dma_wait3A_61 = arith.constant 0 : i32
      %dma_wait3A_62 = tpu.memref_slice %arg4[%arg1, %dma_wait3A, %dma_wait3A_61] : memref<16x162x128xi32, #tpu.memory_space<hbm>> -> memref<1x162x128xi32, #tpu.memory_space<hbm>>
      %dma_wait3A_63 = tpu.memref_squeeze %dma_wait3A_62 : memref<1x162x128xi32, #tpu.memory_space<hbm>> -> memref<162x128xi32, #tpu.memory_space<hbm>>
      %dma_wait3A_64 = arith.constant 0 : i32
      %dma_wait3A_65 = arith.constant 0 : i32
      %dma_wait3A_66 = tpu.memref_slice %arg4[%arg1, %dma_wait3A_64, %dma_wait3A_65] : memref<16x162x128xi32, #tpu.memory_space<hbm>> -> memref<1x162x128xi32, #tpu.memory_space<hbm>>
      %dma_wait3A_67 = tpu.memref_squeeze %dma_wait3A_66 : memref<1x162x128xi32, #tpu.memory_space<hbm>> -> memref<162x128xi32, #tpu.memory_space<hbm>>
      tpu.wait_dma2 semaphore(%run_scoped3A : memref<!tpu.dma_semaphore, #tpu.memory_space<semaphore_mem>>) src(%dma_wait3A_67 : memref<162x128xi32, #tpu.memory_space<hbm>>) dst(%arg7 : memref<162x128xi32, #tpu.memory_space<vmem>>)
      tpu.yield
    }) : () -> ()
    "tpu.region"() ({
      %run_scoped3A = tpu.sem_alloc : memref<!tpu.dma_semaphore, #tpu.memory_space<semaphore_mem>>
      %dma_start3A = arith.constant 0 : i32
      %dma_start3A_54 = arith.constant 0 : i32
      %dma_start3A_55 = tpu.memref_slice %arg5[%arg1, %dma_start3A, %dma_start3A_54] : memref<16x162x128xi32, #tpu.memory_space<hbm>> -> memref<1x162x128xi32, #tpu.memory_space<hbm>>
      %dma_start3A_56 = tpu.memref_squeeze %dma_start3A_55 : memref<1x162x128xi32, #tpu.memory_space<hbm>> -> memref<162x128xi32, #tpu.memory_space<hbm>>
      %dma_start3A_57 = arith.constant 0 : i32
      %dma_start3A_58 = arith.constant 0 : i32
      %dma_start3A_59 = tpu.memref_slice %arg5[%arg1, %dma_start3A_57, %dma_start3A_58] : memref<16x162x128xi32, #tpu.memory_space<hbm>> -> memref<1x162x128xi32, #tpu.memory_space<hbm>>
      %dma_start3A_60 = tpu.memref_squeeze %dma_start3A_59 : memref<1x162x128xi32, #tpu.memory_space<hbm>> -> memref<162x128xi32, #tpu.memory_space<hbm>>
      tpu.enqueue_dma source(%dma_start3A_60 : memref<162x128xi32, #tpu.memory_space<hbm>>) target(%arg8 : memref<162x128xi32, #tpu.memory_space<vmem>>) target_semaphore(%run_scoped3A : memref<!tpu.dma_semaphore, #tpu.memory_space<semaphore_mem>>)
      %dma_wait3A = arith.constant 0 : i32
      %dma_wait3A_61 = arith.constant 0 : i32
      %dma_wait3A_62 = tpu.memref_slice %arg5[%arg1, %dma_wait3A, %dma_wait3A_61] : memref<16x162x128xi32, #tpu.memory_space<hbm>> -> memref<1x162x128xi32, #tpu.memory_space<hbm>>
      %dma_wait3A_63 = tpu.memref_squeeze %dma_wait3A_62 : memref<1x162x128xi32, #tpu.memory_space<hbm>> -> memref<162x128xi32, #tpu.memory_space<hbm>>
      %dma_wait3A_64 = arith.constant 0 : i32
      %dma_wait3A_65 = arith.constant 0 : i32
      %dma_wait3A_66 = tpu.memref_slice %arg5[%arg1, %dma_wait3A_64, %dma_wait3A_65] : memref<16x162x128xi32, #tpu.memory_space<hbm>> -> memref<1x162x128xi32, #tpu.memory_space<hbm>>
      %dma_wait3A_67 = tpu.memref_squeeze %dma_wait3A_66 : memref<1x162x128xi32, #tpu.memory_space<hbm>> -> memref<162x128xi32, #tpu.memory_space<hbm>>
      tpu.wait_dma2 semaphore(%run_scoped3A : memref<!tpu.dma_semaphore, #tpu.memory_space<semaphore_mem>>) src(%dma_wait3A_67 : memref<162x128xi32, #tpu.memory_space<hbm>>) dst(%arg8 : memref<162x128xi32, #tpu.memory_space<vmem>>)
      tpu.yield
    }) : () -> ()
    %scan3A_26 = arith.constant 0 : i32
    %scan3A_27 = arith.constant 0 : i32
    %scan3A_28 = arith.constant 162 : i32
    %scan3A_29 = arith.addi %scan3A_27, %scan3A_28 : i32
    %scan3A_30 = arith.constant 1 : i32
    %scan3A_31 = scf.for %scan3A_54 = %scan3A_27 to %scan3A_29 step %scan3A_30 iter_args(%scan3A_55 = %scan3A_26) -> (i32)  : i32 {
      %get3A = arith.index_cast %scan3A_54 : i32 to index
      %get3A_56 = arith.constant 0 : index
      %get3A_57 = tpu.vector_load %arg7[%get3A, %get3A_56] {strides = array<i32>} : memref<162x128xi32, #tpu.memory_space<vmem>>, vector<1x16xi32>,
      %get3A_58 = vector.shape_cast %get3A_57 : vector<1x16xi32> to vector<16xi32>
      %add3A_59 = vector.broadcast %mul3A_0 : i32 to vector<16xi32>
      %add3A_60 = arith.addi %get3A_58, %add3A_59 : vector<16xi32>
      %swap3A = arith.constant 0 : index
      %swap3A_61 = tpu.vector_load %arg9[%swap3A] {strides = array<i32>} : memref<128xi32, #tpu.memory_space<vmem>>, vector<16xi32>,
      %swap3A_62 = vector.shape_cast %swap3A_61 : vector<16xi32> to vector<16xi32>
      %swap3A_63 = vector.shape_cast %add3A_60 : vector<16xi32> to vector<16xi32>
      tpu.vector_store %arg9[%swap3A], %swap3A_63 {strides = array<i32>} : memref<128xi32, #tpu.memory_space<vmem>>, vector<16xi32>,
      %get3A_64 = arith.index_cast %scan3A_54 : i32 to index
      %get3A_65 = arith.constant 0 : index
      %get3A_66 = tpu.vector_load %arg8[%get3A_64, %get3A_65] {strides = array<i32>} : memref<162x128xi32, #tpu.memory_space<vmem>>, vector<1x16xi32>,
      %get3A_67 = vector.shape_cast %get3A_66 : vector<1x16xi32> to vector<16xi32>
      %add3A_68 = vector.broadcast %mul3A_0 : i32 to vector<16xi32>
      %add3A_69 = arith.addi %get3A_67, %add3A_68 : vector<16xi32>
      %swap3A_70 = arith.constant 0 : index
      %swap3A_71 = tpu.vector_load %arg10[%swap3A_70] {strides = array<i32>} : memref<128xi32, #tpu.memory_space<vmem>>, vector<16xi32>,
      %swap3A_72 = vector.shape_cast %swap3A_71 : vector<16xi32> to vector<16xi32>
      %swap3A_73 = vector.shape_cast %add3A_69 : vector<16xi32> to vector<16xi32>
      tpu.vector_store %arg10[%swap3A_70], %swap3A_73 {strides = array<i32>} : memref<128xi32, #tpu.memory_space<vmem>>, vector<16xi32>,
      %get3A_74 = arith.index_cast %scan3A_54 : i32 to index
      %get3A_75 = arith.constant 16 : index
      %get3A_76 = tpu.vector_load %arg7[%get3A_74, %get3A_75] {strides = array<i32>} : memref<162x128xi32, #tpu.memory_space<vmem>>, vector<1x16xi32>,
      %get3A_77 = vector.shape_cast %get3A_76 : vector<1x16xi32> to vector<16xi32>
      %add3A_78 = vector.broadcast %mul3A_0 : i32 to vector<16xi32>
      %add3A_79 = arith.addi %get3A_77, %add3A_78 : vector<16xi32>
      %swap3A_80 = arith.constant 16 : index
      %swap3A_81 = tpu.vector_load %arg9[%swap3A_80] {strides = array<i32>} : memref<128xi32, #tpu.memory_space<vmem>>, vector<16xi32>,
      %swap3A_82 = vector.shape_cast %swap3A_81 : vector<16xi32> to vector<16xi32>
      %swap3A_83 = vector.shape_cast %add3A_79 : vector<16xi32> to vector<16xi32>
      tpu.vector_store %arg9[%swap3A_80], %swap3A_83 {strides = array<i32>} : memref<128xi32, #tpu.memory_space<vmem>>, vector<16xi32>,
      %get3A_84 = arith.index_cast %scan3A_54 : i32 to index
      %get3A_85 = arith.constant 16 : index
      %get3A_86 = tpu.vector_load %arg8[%get3A_84, %get3A_85] {strides = array<i32>} : memref<162x128xi32, #tpu.memory_space<vmem>>, vector<1x16xi32>,
      %get3A_87 = vector.shape_cast %get3A_86 : vector<1x16xi32> to vector<16xi32>
      %add3A_88 = vector.broadcast %mul3A_0 : i32 to vector<16xi32>
      %add3A_89 = arith.addi %get3A_87, %add3A_88 : vector<16xi32>
      %swap3A_90 = arith.constant 16 : index
      %swap3A_91 = tpu.vector_load %arg10[%swap3A_90] {strides = array<i32>} : memref<128xi32, #tpu.memory_space<vmem>>, vector<16xi32>,
      %swap3A_92 = vector.shape_cast %swap3A_91 : vector<16xi32> to vector<16xi32>
      %swap3A_93 = vector.shape_cast %add3A_89 : vector<16xi32> to vector<16xi32>
      tpu.vector_store %arg10[%swap3A_90], %swap3A_93 {strides = array<i32>} : memref<128xi32, #tpu.memory_space<vmem>>, vector<16xi32>,
      %get3A_94 = arith.index_cast %scan3A_54 : i32 to index
      %get3A_95 = arith.constant 32 : index
      %get3A_96 = tpu.vector_load %arg7[%get3A_94, %get3A_95] {strides = array<i32>} : memref<162x128xi32, #tpu.memory_space<vmem>>, vector<1x16xi32>,
      %get3A_97 = vector.shape_cast %get3A_96 : vector<1x16xi32> to vector<16xi32>
      %add3A_98 = vector.broadcast %mul3A_0 : i32 to vector<16xi32>
      %add3A_99 = arith.addi %get3A_97, %add3A_98 : vector<16xi32>
      %swap3A_100 = arith.constant 32 : index
      %swap3A_101 = tpu.vector_load %arg9[%swap3A_100] {strides = array<i32>} : memref<128xi32, #tpu.memory_space<vmem>>, vector<16xi32>,
      %swap3A_102 = vector.shape_cast %swap3A_101 : vector<16xi32> to vector<16xi32>
      %swap3A_103 = vector.shape_cast %add3A_99 : vector<16xi32> to vector<16xi32>
      tpu.vector_store %arg9[%swap3A_100], %swap3A_103 {strides = array<i32>} : memref<128xi32, #tpu.memory_space<vmem>>, vector<16xi32>,
      %get3A_104 = arith.index_cast %scan3A_54 : i32 to index
      %get3A_105 = arith.constant 32 : index
      %get3A_106 = tpu.vector_load %arg8[%get3A_104, %get3A_105] {strides = array<i32>} : memref<162x128xi32, #tpu.memory_space<vmem>>, vector<1x16xi32>,
      %get3A_107 = vector.shape_cast %get3A_106 : vector<1x16xi32> to vector<16xi32>
      %add3A_108 = vector.broadcast %mul3A_0 : i32 to vector<16xi32>
      %add3A_109 = arith.addi %get3A_107, %add3A_108 : vector<16xi32>
      %swap3A_110 = arith.constant 32 : index
      %swap3A_111 = tpu.vector_load %arg10[%swap3A_110] {strides = array<i32>} : memref<128xi32, #tpu.memory_space<vmem>>, vector<16xi32>,
      %swap3A_112 = vector.shape_cast %swap3A_111 : vector<16xi32> to vector<16xi32>
      %swap3A_113 = vector.shape_cast %add3A_109 : vector<16xi32> to vector<16xi32>
      tpu.vector_store %arg10[%swap3A_110], %swap3A_113 {strides = array<i32>} : memref<128xi32, #tpu.memory_space<vmem>>, vector<16xi32>,
      %get3A_114 = arith.index_cast %scan3A_54 : i32 to index
      %get3A_115 = arith.constant 48 : index
      %get3A_116 = tpu.vector_load %arg7[%get3A_114, %get3A_115] {strides = array<i32>} : memref<162x128xi32, #tpu.memory_space<vmem>>, vector<1x16xi32>,
      %get3A_117 = vector.shape_cast %get3A_116 : vector<1x16xi32> to vector<16xi32>
      %add3A_118 = vector.broadcast %mul3A_0 : i32 to vector<16xi32>
      %add3A_119 = arith.addi %get3A_117, %add3A_118 : vector<16xi32>
      %swap3A_120 = arith.constant 48 : index
      %swap3A_121 = tpu.vector_load %arg9[%swap3A_120] {strides = array<i32>} : memref<128xi32, #tpu.memory_space<vmem>>, vector<16xi32>,
      %swap3A_122 = vector.shape_cast %swap3A_121 : vector<16xi32> to vector<16xi32>
      %swap3A_123 = vector.shape_cast %add3A_119 : vector<16xi32> to vector<16xi32>
      tpu.vector_store %arg9[%swap3A_120], %swap3A_123 {strides = array<i32>} : memref<128xi32, #tpu.memory_space<vmem>>, vector<16xi32>,
      %get3A_124 = arith.index_cast %scan3A_54 : i32 to index
      %get3A_125 = arith.constant 48 : index
      %get3A_126 = tpu.vector_load %arg8[%get3A_124, %get3A_125] {strides = array<i32>} : memref<162x128xi32, #tpu.memory_space<vmem>>, vector<1x16xi32>,
      %get3A_127 = vector.shape_cast %get3A_126 : vector<1x16xi32> to vector<16xi32>
      %add3A_128 = vector.broadcast %mul3A_0 : i32 to vector<16xi32>
      %add3A_129 = arith.addi %get3A_127, %add3A_128 : vector<16xi32>
      %swap3A_130 = arith.constant 48 : index
      %swap3A_131 = tpu.vector_load %arg10[%swap3A_130] {strides = array<i32>} : memref<128xi32, #tpu.memory_space<vmem>>, vector<16xi32>,
      %swap3A_132 = vector.shape_cast %swap3A_131 : vector<16xi32> to vector<16xi32>
      %swap3A_133 = vector.shape_cast %add3A_129 : vector<16xi32> to vector<16xi32>
      tpu.vector_store %arg10[%swap3A_130], %swap3A_133 {strides = array<i32>} : memref<128xi32, #tpu.memory_space<vmem>>, vector<16xi32>,
      %get3A_134 = arith.index_cast %scan3A_54 : i32 to index
      %get3A_135 = arith.constant 64 : index
      %get3A_136 = tpu.vector_load %arg7[%get3A_134, %get3A_135] {strides = array<i32>} : memref<162x128xi32, #tpu.memory_space<vmem>>, vector<1x16xi32>,
      %get3A_137 = vector.shape_cast %get3A_136 : vector<1x16xi32> to vector<16xi32>
      %add3A_138 = vector.broadcast %mul3A_0 : i32 to vector<16xi32>
      %add3A_139 = arith.addi %get3A_137, %add3A_138 : vector<16xi32>
      %swap3A_140 = arith.constant 64 : index
      %swap3A_141 = tpu.vector_load %arg9[%swap3A_140] {strides = array<i32>} : memref<128xi32, #tpu.memory_space<vmem>>, vector<16xi32>,
      %swap3A_142 = vector.shape_cast %swap3A_141 : vector<16xi32> to vector<16xi32>
      %swap3A_143 = vector.shape_cast %add3A_139 : vector<16xi32> to vector<16xi32>
      tpu.vector_store %arg9[%swap3A_140], %swap3A_143 {strides = array<i32>} : memref<128xi32, #tpu.memory_space<vmem>>, vector<16xi32>,
      %get3A_144 = arith.index_cast %scan3A_54 : i32 to index
      %get3A_145 = arith.constant 64 : index
      %get3A_146 = tpu.vector_load %arg8[%get3A_144, %get3A_145] {strides = array<i32>} : memref<162x128xi32, #tpu.memory_space<vmem>>, vector<1x16xi32>,
      %get3A_147 = vector.shape_cast %get3A_146 : vector<1x16xi32> to vector<16xi32>
      %add3A_148 = vector.broadcast %mul3A_0 : i32 to vector<16xi32>
      %add3A_149 = arith.addi %get3A_147, %add3A_148 : vector<16xi32>
      %swap3A_150 = arith.constant 64 : index
      %swap3A_151 = tpu.vector_load %arg10[%swap3A_150] {strides = array<i32>} : memref<128xi32, #tpu.memory_space<vmem>>, vector<16xi32>,
      %swap3A_152 = vector.shape_cast %swap3A_151 : vector<16xi32> to vector<16xi32>
      %swap3A_153 = vector.shape_cast %add3A_149 : vector<16xi32> to vector<16xi32>
      tpu.vector_store %arg10[%swap3A_150], %swap3A_153 {strides = array<i32>} : memref<128xi32, #tpu.memory_space<vmem>>, vector<16xi32>,
      %get3A_154 = arith.index_cast %scan3A_54 : i32 to index
      %get3A_155 = arith.constant 80 : index
      %get3A_156 = tpu.vector_load %arg7[%get3A_154, %get3A_155] {strides = array<i32>} : memref<162x128xi32, #tpu.memory_space<vmem>>, vector<1x16xi32>,
      %get3A_157 = vector.shape_cast %get3A_156 : vector<1x16xi32> to vector<16xi32>
      %add3A_158 = vector.broadcast %mul3A_0 : i32 to vector<16xi32>
      %add3A_159 = arith.addi %get3A_157, %add3A_158 : vector<16xi32>
      %swap3A_160 = arith.constant 80 : index
      %swap3A_161 = tpu.vector_load %arg9[%swap3A_160] {strides = array<i32>} : memref<128xi32, #tpu.memory_space<vmem>>, vector<16xi32>,
      %swap3A_162 = vector.shape_cast %swap3A_161 : vector<16xi32> to vector<16xi32>
      %swap3A_163 = vector.shape_cast %add3A_159 : vector<16xi32> to vector<16xi32>
      tpu.vector_store %arg9[%swap3A_160], %swap3A_163 {strides = array<i32>} : memref<128xi32, #tpu.memory_space<vmem>>, vector<16xi32>,
      %get3A_164 = arith.index_cast %scan3A_54 : i32 to index
      %get3A_165 = arith.constant 80 : index
      %get3A_166 = tpu.vector_load %arg8[%get3A_164, %get3A_165] {strides = array<i32>} : memref<162x128xi32, #tpu.memory_space<vmem>>, vector<1x16xi32>,
      %get3A_167 = vector.shape_cast %get3A_166 : vector<1x16xi32> to vector<16xi32>
      %add3A_168 = vector.broadcast %mul3A_0 : i32 to vector<16xi32>
      %add3A_169 = arith.addi %get3A_167, %add3A_168 : vector<16xi32>
      %swap3A_170 = arith.constant 80 : index
      %swap3A_171 = tpu.vector_load %arg10[%swap3A_170] {strides = array<i32>} : memref<128xi32, #tpu.memory_space<vmem>>, vector<16xi32>,
      %swap3A_172 = vector.shape_cast %swap3A_171 : vector<16xi32> to vector<16xi32>
      %swap3A_173 = vector.shape_cast %add3A_169 : vector<16xi32> to vector<16xi32>
      tpu.vector_store %arg10[%swap3A_170], %swap3A_173 {strides = array<i32>} : memref<128xi32, #tpu.memory_space<vmem>>, vector<16xi32>,
      %get3A_174 = arith.index_cast %scan3A_54 : i32 to index
      %get3A_175 = arith.constant 96 : index
      %get3A_176 = tpu.vector_load %arg7[%get3A_174, %get3A_175] {strides = array<i32>} : memref<162x128xi32, #tpu.memory_space<vmem>>, vector<1x16xi32>,
      %get3A_177 = vector.shape_cast %get3A_176 : vector<1x16xi32> to vector<16xi32>
      %add3A_178 = vector.broadcast %mul3A_0 : i32 to vector<16xi32>
      %add3A_179 = arith.addi %get3A_177, %add3A_178 : vector<16xi32>
      %swap3A_180 = arith.constant 96 : index
      %swap3A_181 = tpu.vector_load %arg9[%swap3A_180] {strides = array<i32>} : memref<128xi32, #tpu.memory_space<vmem>>, vector<16xi32>,
      %swap3A_182 = vector.shape_cast %swap3A_181 : vector<16xi32> to vector<16xi32>
      %swap3A_183 = vector.shape_cast %add3A_179 : vector<16xi32> to vector<16xi32>
      tpu.vector_store %arg9[%swap3A_180], %swap3A_183 {strides = array<i32>} : memref<128xi32, #tpu.memory_space<vmem>>, vector<16xi32>,
      %get3A_184 = arith.index_cast %scan3A_54 : i32 to index
      %get3A_185 = arith.constant 96 : index
      %get3A_186 = tpu.vector_load %arg8[%get3A_184, %get3A_185] {strides = array<i32>} : memref<162x128xi32, #tpu.memory_space<vmem>>, vector<1x16xi32>,
      %get3A_187 = vector.shape_cast %get3A_186 : vector<1x16xi32> to vector<16xi32>
      %add3A_188 = vector.broadcast %mul3A_0 : i32 to vector<16xi32>
      %add3A_189 = arith.addi %get3A_187, %add3A_188 : vector<16xi32>
      %swap3A_190 = arith.constant 96 : index
      %swap3A_191 = tpu.vector_load %arg10[%swap3A_190] {strides = array<i32>} : memref<128xi32, #tpu.memory_space<vmem>>, vector<16xi32>,
      %swap3A_192 = vector.shape_cast %swap3A_191 : vector<16xi32> to vector<16xi32>
      %swap3A_193 = vector.shape_cast %add3A_189 : vector<16xi32> to vector<16xi32>
      tpu.vector_store %arg10[%swap3A_190], %swap3A_193 {strides = array<i32>} : memref<128xi32, #tpu.memory_space<vmem>>, vector<16xi32>,
      %get3A_194 = arith.index_cast %scan3A_54 : i32 to index
      %get3A_195 = arith.constant 112 : index
      %get3A_196 = tpu.vector_load %arg7[%get3A_194, %get3A_195] {strides = array<i32>} : memref<162x128xi32, #tpu.memory_space<vmem>>, vector<1x16xi32>,
      %get3A_197 = vector.shape_cast %get3A_196 : vector<1x16xi32> to vector<16xi32>
      %add3A_198 = vector.broadcast %mul3A_0 : i32 to vector<16xi32>
      %add3A_199 = arith.addi %get3A_197, %add3A_198 : vector<16xi32>
      %swap3A_200 = arith.constant 112 : index
      %swap3A_201 = tpu.vector_load %arg9[%swap3A_200] {strides = array<i32>} : memref<128xi32, #tpu.memory_space<vmem>>, vector<16xi32>,
      %swap3A_202 = vector.shape_cast %swap3A_201 : vector<16xi32> to vector<16xi32>
      %swap3A_203 = vector.shape_cast %add3A_199 : vector<16xi32> to vector<16xi32>
      tpu.vector_store %arg9[%swap3A_200], %swap3A_203 {strides = array<i32>} : memref<128xi32, #tpu.memory_space<vmem>>, vector<16xi32>,
      %get3A_204 = arith.index_cast %scan3A_54 : i32 to index
      %get3A_205 = arith.constant 112 : index
      %get3A_206 = tpu.vector_load %arg8[%get3A_204, %get3A_205] {strides = array<i32>} : memref<162x128xi32, #tpu.memory_space<vmem>>, vector<1x16xi32>,
      %get3A_207 = vector.shape_cast %get3A_206 : vector<1x16xi32> to vector<16xi32>
      %add3A_208 = vector.broadcast %mul3A_0 : i32 to vector<16xi32>
      %add3A_209 = arith.addi %get3A_207, %add3A_208 : vector<16xi32>
      %swap3A_210 = arith.constant 112 : index
      %swap3A_211 = tpu.vector_load %arg10[%swap3A_210] {strides = array<i32>} : memref<128xi32, #tpu.memory_space<vmem>>, vector<16xi32>,
      %swap3A_212 = vector.shape_cast %swap3A_211 : vector<16xi32> to vector<16xi32>
      %swap3A_213 = vector.shape_cast %add3A_209 : vector<16xi32> to vector<16xi32>
      tpu.vector_store %arg10[%swap3A_210], %swap3A_213 {strides = array<i32>} : memref<128xi32, #tpu.memory_space<vmem>>, vector<16xi32>,
      %dma_start3A = arith.constant 0 : i32
      %dma_start3A_214 = arith.constant 0 : i32
      %dma_start3A_215 = tpu.memref_slice %arg2[%dma_start3A, %dma_start3A_214] : memref<20480x80xf32, #tpu.memory_space<hbm>> -> memref<20480x80xf32, #tpu.memory_space<hbm>>
      tpu.enqueue_indirect_dma source(%dma_start3A_215 : memref<20480x80xf32, #tpu.memory_space<hbm>>) target(%arg11 : memref<128x80xf32, #tpu.memory_space<vmem>>) offsets(%arg9 : memref<128xi32, #tpu.memory_space<vmem>>) semaphore(%arg15 : memref<!tpu.dma_semaphore, #tpu.memory_space<semaphore_mem>>)
      %dma_start3A_216 = arith.constant 0 : i32
      %dma_start3A_217 = arith.constant 0 : i32
      %dma_start3A_218 = tpu.memref_slice %arg3[%dma_start3A_216, %dma_start3A_217] : memref<20480x16xf32, #tpu.memory_space<hbm>> -> memref<20480x16xf32, #tpu.memory_space<hbm>>
      tpu.enqueue_indirect_dma source(%dma_start3A_218 : memref<20480x16xf32, #tpu.memory_space<hbm>>) target(%arg12 : memref<128x16xf32, #tpu.memory_space<vmem>>) offsets(%arg10 : memref<128xi32, #tpu.memory_space<vmem>>) semaphore(%arg16 : memref<!tpu.dma_semaphore, #tpu.memory_space<semaphore_mem>>)
      %dma_wait3A = arith.constant 0 : i32
      %dma_wait3A_219 = arith.constant 0 : i32
      %dma_wait3A_220 = tpu.memref_slice %arg2[%dma_wait3A, %dma_wait3A_219] : memref<20480x80xf32, #tpu.memory_space<hbm>> -> memref<20480x80xf32, #tpu.memory_space<hbm>>
      tpu.wait_indirect_dma semaphore(%arg15 : memref<!tpu.dma_semaphore, #tpu.memory_space<semaphore_mem>>) src(%dma_wait3A_220 : memref<20480x80xf32, #tpu.memory_space<hbm>>) dst(%arg11 : memref<128x80xf32, #tpu.memory_space<vmem>>)
      %dma_wait3A_221 = arith.constant 0 : i32
      %dma_wait3A_222 = arith.constant 0 : i32
      %dma_wait3A_223 = tpu.memref_slice %arg3[%dma_wait3A_221, %dma_wait3A_222] : memref<20480x16xf32, #tpu.memory_space<hbm>> -> memref<20480x16xf32, #tpu.memory_space<hbm>>
      tpu.wait_indirect_dma semaphore(%arg16 : memref<!tpu.dma_semaphore, #tpu.memory_space<semaphore_mem>>) src(%dma_wait3A_223 : memref<20480x16xf32, #tpu.memory_space<hbm>>) dst(%arg12 : memref<128x16xf32, #tpu.memory_space<vmem>>)
      %scan3A_224 = arith.constant 0 : i32
      %scan3A_225 = arith.constant 0 : i32
      %scan3A_226 = arith.constant 128 : i32
      %scan3A_227 = arith.addi %scan3A_225, %scan3A_226 : i32
      %scan3A_228 = arith.constant 1 : i32
      %scan3A_229 = scf.for %scan3A_232 = %scan3A_225 to %scan3A_227 step %scan3A_228 iter_args(%scan3A_233 = %scan3A_224) -> (i32)  : i32 {
        %get3A_234 = arith.index_cast %scan3A_232 : i32 to index
        %get3A_235 = arith.constant 64 : index
        %get3A_236 = tpu.vector_load %arg11[%get3A_234, %get3A_235] {strides = array<i32>} : memref<128x80xf32, #tpu.memory_space<vmem>>, vector<1x16xf32>,
        %get3A_237 = vector.shape_cast %get3A_236 : vector<1x16xf32> to vector<16xf32>
        %get3A_238 = arith.index_cast %scan3A_232 : i32 to index
        %get3A_239 = arith.constant 0 : index
        %get3A_240 = tpu.vector_load %arg12[%get3A_238, %get3A_239] {strides = array<i32>} : memref<128x16xf32, #tpu.memory_space<vmem>>, vector<1x16xf32>,
        %get3A_241 = vector.shape_cast %get3A_240 : vector<1x16xf32> to vector<16xf32>
        %add3A_242 = arith.addf %get3A_237, %get3A_241 : vector<16xf32>
        %ge3A = arith.constant 0.000000e+00 : f32
        %ge3A_243 = vector.broadcast %ge3A : f32 to vector<16xf32>
        %ge3A_244 = arith.cmpf oge, %add3A_242, %ge3A_243 : vector<16xf32>
        %mul3A_245 = arith.constant 2.000000e-01 : f32
        %mul3A_246 = vector.broadcast %mul3A_245 : f32 to vector<16xf32>
        %mul3A_247 = arith.mulf %mul3A_246, %add3A_242 : vector<16xf32>
        %select_n3A = arith.select %ge3A_244, %add3A_242, %mul3A_247 : vector<16xi1>, vector<16xf32>
        %exp3A = math.exp %select_n3A : vector<16xf32>
        %swap3A_248 = arith.index_cast %scan3A_232 : i32 to index
        %swap3A_249 = arith.constant 64 : index
        %swap3A_250 = tpu.vector_load %arg13[%swap3A_248, %swap3A_249] {strides = array<i32>} : memref<128x80xf32, #tpu.memory_space<vmem>>, vector<1x16xf32>,
        %swap3A_251 = vector.shape_cast %swap3A_250 : vector<1x16xf32> to vector<16xf32>
        %swap3A_252 = vector.shape_cast %exp3A : vector<16xf32> to vector<1x16xf32>
        tpu.vector_store %arg13[%swap3A_248, %swap3A_249], %swap3A_252 {strides = array<i32>} : memref<128x80xf32, #tpu.memory_space<vmem>>, vector<1x16xf32>,
        %broadcast_in_dim3A = arith.constant 0 : i32
        %broadcast_in_dim3A_253 = vector.broadcast %broadcast_in_dim3A : i32 to vector<16x1xi32>
        %gather3A = vector.shape_cast %broadcast_in_dim3A_253 : vector<16x1xi32> to vector<16xi32>
        %gather3A_254 = tpu.dynamic_gather %exp3A[%gather3A] in [0] : vector<16xf32>, vector<16xi32> -> vector<16xf32>
        %get3A_255 = arith.index_cast %scan3A_232 : i32 to index
        %get3A_256 = arith.constant 0 : index
        %get3A_257 = tpu.vector_load %arg11[%get3A_255, %get3A_256] {strides = array<i32>} : memref<128x80xf32, #tpu.memory_space<vmem>>, vector<1x16xf32>,
        %get3A_258 = vector.shape_cast %get3A_257 : vector<1x16xf32> to vector<16xf32>
        %mul3A_259 = arith.mulf %get3A_258, %gather3A_254 : vector<16xf32>
        %swap3A_260 = arith.index_cast %scan3A_232 : i32 to index
        %swap3A_261 = arith.constant 0 : index
        %swap3A_262 = tpu.vector_load %arg13[%swap3A_260, %swap3A_261] {strides = array<i32>} : memref<128x80xf32, #tpu.memory_space<vmem>>, vector<1x16xf32>,
        %swap3A_263 = vector.shape_cast %swap3A_262 : vector<1x16xf32> to vector<16xf32>
        %swap3A_264 = vector.shape_cast %mul3A_259 : vector<16xf32> to vector<1x16xf32>
        tpu.vector_store %arg13[%swap3A_260, %swap3A_261], %swap3A_264 {strides = array<i32>} : memref<128x80xf32, #tpu.memory_space<vmem>>, vector<1x16xf32>,
        %broadcast_in_dim3A_265 = arith.constant 1 : i32
        %broadcast_in_dim3A_266 = vector.broadcast %broadcast_in_dim3A_265 : i32 to vector<16x1xi32>
        %gather3A_267 = vector.shape_cast %broadcast_in_dim3A_266 : vector<16x1xi32> to vector<16xi32>
        %gather3A_268 = tpu.dynamic_gather %exp3A[%gather3A_267] in [0] : vector<16xf32>, vector<16xi32> -> vector<16xf32>
        %get3A_269 = arith.index_cast %scan3A_232 : i32 to index
        %get3A_270 = arith.constant 16 : index
        %get3A_271 = tpu.vector_load %arg11[%get3A_269, %get3A_270] {strides = array<i32>} : memref<128x80xf32, #tpu.memory_space<vmem>>, vector<1x16xf32>,
        %get3A_272 = vector.shape_cast %get3A_271 : vector<1x16xf32> to vector<16xf32>
        %mul3A_273 = arith.mulf %get3A_272, %gather3A_268 : vector<16xf32>
        %swap3A_274 = arith.index_cast %scan3A_232 : i32 to index
        %swap3A_275 = arith.constant 16 : index
        %swap3A_276 = tpu.vector_load %arg13[%swap3A_274, %swap3A_275] {strides = array<i32>} : memref<128x80xf32, #tpu.memory_space<vmem>>, vector<1x16xf32>,
        %swap3A_277 = vector.shape_cast %swap3A_276 : vector<1x16xf32> to vector<16xf32>
        %swap3A_278 = vector.shape_cast %mul3A_273 : vector<16xf32> to vector<1x16xf32>
        tpu.vector_store %arg13[%swap3A_274, %swap3A_275], %swap3A_278 {strides = array<i32>} : memref<128x80xf32, #tpu.memory_space<vmem>>, vector<1x16xf32>,
        %broadcast_in_dim3A_279 = arith.constant 2 : i32
        %broadcast_in_dim3A_280 = vector.broadcast %broadcast_in_dim3A_279 : i32 to vector<16x1xi32>
        %gather3A_281 = vector.shape_cast %broadcast_in_dim3A_280 : vector<16x1xi32> to vector<16xi32>
        %gather3A_282 = tpu.dynamic_gather %exp3A[%gather3A_281] in [0] : vector<16xf32>, vector<16xi32> -> vector<16xf32>
        %get3A_283 = arith.index_cast %scan3A_232 : i32 to index
        %get3A_284 = arith.constant 32 : index
        %get3A_285 = tpu.vector_load %arg11[%get3A_283, %get3A_284] {strides = array<i32>} : memref<128x80xf32, #tpu.memory_space<vmem>>, vector<1x16xf32>,
        %get3A_286 = vector.shape_cast %get3A_285 : vector<1x16xf32> to vector<16xf32>
        %mul3A_287 = arith.mulf %get3A_286, %gather3A_282 : vector<16xf32>
        %swap3A_288 = arith.index_cast %scan3A_232 : i32 to index
        %swap3A_289 = arith.constant 32 : index
        %swap3A_290 = tpu.vector_load %arg13[%swap3A_288, %swap3A_289] {strides = array<i32>} : memref<128x80xf32, #tpu.memory_space<vmem>>, vector<1x16xf32>,
        %swap3A_291 = vector.shape_cast %swap3A_290 : vector<1x16xf32> to vector<16xf32>
        %swap3A_292 = vector.shape_cast %mul3A_287 : vector<16xf32> to vector<1x16xf32>
        tpu.vector_store %arg13[%swap3A_288, %swap3A_289], %swap3A_292 {strides = array<i32>} : memref<128x80xf32, #tpu.memory_space<vmem>>, vector<1x16xf32>,
        %broadcast_in_dim3A_293 = arith.constant 3 : i32
        %broadcast_in_dim3A_294 = vector.broadcast %broadcast_in_dim3A_293 : i32 to vector<16x1xi32>
        %gather3A_295 = vector.shape_cast %broadcast_in_dim3A_294 : vector<16x1xi32> to vector<16xi32>
        %gather3A_296 = tpu.dynamic_gather %exp3A[%gather3A_295] in [0] : vector<16xf32>, vector<16xi32> -> vector<16xf32>
        %get3A_297 = arith.index_cast %scan3A_232 : i32 to index
        %get3A_298 = arith.constant 48 : index
        %get3A_299 = tpu.vector_load %arg11[%get3A_297, %get3A_298] {strides = array<i32>} : memref<128x80xf32, #tpu.memory_space<vmem>>, vector<1x16xf32>,
        %get3A_300 = vector.shape_cast %get3A_299 : vector<1x16xf32> to vector<16xf32>
        %mul3A_301 = arith.mulf %get3A_300, %gather3A_296 : vector<16xf32>
        %swap3A_302 = arith.index_cast %scan3A_232 : i32 to index
        %swap3A_303 = arith.constant 48 : index
        %swap3A_304 = tpu.vector_load %arg13[%swap3A_302, %swap3A_303] {strides = array<i32>} : memref<128x80xf32, #tpu.memory_space<vmem>>, vector<1x16xf32>,
        %swap3A_305 = vector.shape_cast %swap3A_304 : vector<1x16xf32> to vector<16xf32>
        %swap3A_306 = vector.shape_cast %mul3A_301 : vector<16xf32> to vector<1x16xf32>
        tpu.vector_store %arg13[%swap3A_302, %swap3A_303], %swap3A_306 {strides = array<i32>} : memref<128x80xf32, #tpu.memory_space<vmem>>, vector<1x16xf32>,
        %scan3A_307 = arith.constant 0 : i32
        scf.yield %scan3A_307 : i32
      }
      %scan3A_230 = arith.constant 128 : i32
      "tpu.region"() ({
        %run_scoped3A = tpu.sem_alloc : memref<!tpu.dma_semaphore, #tpu.memory_space<semaphore_mem>>
        %dma_start3A_232 = arith.constant 0 : i32
        %dma_start3A_233 = tpu.memref_slice %arg8[%scan3A_54, %dma_start3A_232] : memref<162x128xi32, #tpu.memory_space<vmem>> -> memref<1x128xi32, #tpu.memory_space<vmem>>
        %dma_start3A_234 = tpu.memref_squeeze %dma_start3A_233 : memref<1x128xi32, #tpu.memory_space<vmem>> -> memref<128xi32, #tpu.memory_space<vmem>>
        %dma_start3A_235 = arith.constant 0 : i32
        %dma_start3A_236 = arith.constant 0 : i32
        %dma_start3A_237 = tpu.memref_slice %arg14[%dma_start3A_235, %dma_start3A_236] : memref<10240x80xf32, #tpu.memory_space<vmem_shared>> -> memref<10240x80xf32, #tpu.memory_space<vmem_shared>>
        tpu.enqueue_indirect_dma source(%arg13 : memref<128x80xf32, #tpu.memory_space<vmem>>) target(%dma_start3A_237 : memref<10240x80xf32, #tpu.memory_space<vmem_shared>>) offsets(%dma_start3A_234 : memref<128xi32, #tpu.memory_space<vmem>>) semaphore(%run_scoped3A : memref<!tpu.dma_semaphore, #tpu.memory_space<semaphore_mem>>) {add = true}
        %dma_wait3A_238 = arith.constant 0 : i32
        %dma_wait3A_239 = tpu.memref_slice %arg8[%scan3A_54, %dma_wait3A_238] : memref<162x128xi32, #tpu.memory_space<vmem>> -> memref<1x128xi32, #tpu.memory_space<vmem>>
        %dma_wait3A_240 = tpu.memref_squeeze %dma_wait3A_239 : memref<1x128xi32, #tpu.memory_space<vmem>> -> memref<128xi32, #tpu.memory_space<vmem>>
        %dma_wait3A_241 = arith.constant 0 : i32
        %dma_wait3A_242 = arith.constant 0 : i32
        %dma_wait3A_243 = tpu.memref_slice %arg14[%dma_wait3A_241, %dma_wait3A_242] : memref<10240x80xf32, #tpu.memory_space<vmem_shared>> -> memref<10240x80xf32, #tpu.memory_space<vmem_shared>>
        tpu.wait_indirect_dma semaphore(%run_scoped3A : memref<!tpu.dma_semaphore, #tpu.memory_space<semaphore_mem>>) src(%arg13 : memref<128x80xf32, #tpu.memory_space<vmem>>) dst(%dma_wait3A_243 : memref<10240x80xf32, #tpu.memory_space<vmem_shared>>)
        tpu.yield
      }) : () -> ()
      %scan3A_231 = arith.constant 0 : i32
      scf.yield %scan3A_231 : i32
    }
    %scan3A_32 = arith.constant 162 : i32
    %barrier3A_33 = arith.constant 0 : index
    tpu.barrier barrier_id(%barrier3A_33)
    %mul3A_34 = arith.constant 640 : i32
    %mul3A_35 = arith.muli %arg1, %mul3A_34 : i32
    %add3A_36 = arith.constant 0 : i32
    %add3A_37 = arith.addi %mul3A_35, %add3A_36 : i32
    "tpu.region"() ({
      %run_scoped3A = tpu.sem_alloc : memref<!tpu.dma_semaphore, #tpu.memory_space<semaphore_mem>>
      %dma_start3A = arith.constant 0 : i32
      %dma_start3A_54 = tpu.memref_slice %arg6[%arg0, %add3A_37, %dma_start3A] : memref<2x10240x80xf32, #tpu.memory_space<hbm>> -> memref<1x128x80xf32, #tpu.memory_space<hbm>>
      %dma_start3A_55 = tpu.memref_squeeze %dma_start3A_54 : memref<1x128x80xf32, #tpu.memory_space<hbm>> -> memref<128x80xf32, #tpu.memory_space<hbm>>
      %dma_start3A_56 = arith.constant 0 : i32
      %dma_start3A_57 = tpu.memref_slice %arg14[%add3A_37, %dma_start3A_56] : memref<10240x80xf32, #tpu.memory_space<vmem_shared>> -> memref<128x80xf32, #tpu.memory_space<vmem_shared>>
      tpu.enqueue_dma source(%dma_start3A_57 : memref<128x80xf32, #tpu.memory_space<vmem_shared>>) target(%dma_start3A_55 : memref<128x80xf32, #tpu.memory_space<hbm>>) target_semaphore(%run_scoped3A : memref<!tpu.dma_semaphore, #tpu.memory_space<semaphore_mem>>)
      %dma_wait3A = arith.constant 0 : i32
      %dma_wait3A_58 = tpu.memref_slice %arg6[%arg0, %add3A_37, %dma_wait3A] : memref<2x10240x80xf32, #tpu.memory_space<hbm>> -> memref<1x128x80xf32, #tpu.memory_space<hbm>>
      %dma_wait3A_59 = tpu.memref_squeeze %dma_wait3A_58 : memref<1x128x80xf32, #tpu.memory_space<hbm>> -> memref<128x80xf32, #tpu.memory_space<hbm>>
      %dma_wait3A_60 = arith.constant 0 : i32
      %dma_wait3A_61 = tpu.memref_slice %arg14[%add3A_37, %dma_wait3A_60] : memref<10240x80xf32, #tpu.memory_space<vmem_shared>> -> memref<128x80xf32, #tpu.memory_space<vmem_shared>>
      tpu.wait_dma2 semaphore(%run_scoped3A : memref<!tpu.dma_semaphore, #tpu.memory_space<semaphore_mem>>) src(%dma_wait3A_61 : memref<128x80xf32, #tpu.memory_space<vmem_shared>>) dst(%dma_wait3A_59 : memref<128x80xf32, #tpu.memory_space<hbm>>)
      tpu.yield
    }) : () -> ()
    %mul3A_38 = arith.constant 640 : i32
    %mul3A_39 = arith.muli %arg1, %mul3A_38 : i32
    %add3A_40 = arith.constant 128 : i32
    %add3A_41 = arith.addi %mul3A_39, %add3A_40 : i32
    "tpu.region"() ({
      %run_scoped3A = tpu.sem_alloc : memref<!tpu.dma_semaphore, #tpu.memory_space<semaphore_mem>>
      %dma_start3A = arith.constant 0 : i32
      %dma_start3A_54 = tpu.memref_slice %arg6[%arg0, %add3A_41, %dma_start3A] : memref<2x10240x80xf32, #tpu.memory_space<hbm>> -> memref<1x128x80xf32, #tpu.memory_space<hbm>>
      %dma_start3A_55 = tpu.memref_squeeze %dma_start3A_54 : memref<1x128x80xf32, #tpu.memory_space<hbm>> -> memref<128x80xf32, #tpu.memory_space<hbm>>
      %dma_start3A_56 = arith.constant 0 : i32
      %dma_start3A_57 = tpu.memref_slice %arg14[%add3A_41, %dma_start3A_56] : memref<10240x80xf32, #tpu.memory_space<vmem_shared>> -> memref<128x80xf32, #tpu.memory_space<vmem_shared>>
      tpu.enqueue_dma source(%dma_start3A_57 : memref<128x80xf32, #tpu.memory_space<vmem_shared>>) target(%dma_start3A_55 : memref<128x80xf32, #tpu.memory_space<hbm>>) target_semaphore(%run_scoped3A : memref<!tpu.dma_semaphore, #tpu.memory_space<semaphore_mem>>)
      %dma_wait3A = arith.constant 0 : i32
      %dma_wait3A_58 = tpu.memref_slice %arg6[%arg0, %add3A_41, %dma_wait3A] : memref<2x10240x80xf32, #tpu.memory_space<hbm>> -> memref<1x128x80xf32, #tpu.memory_space<hbm>>
      %dma_wait3A_59 = tpu.memref_squeeze %dma_wait3A_58 : memref<1x128x80xf32, #tpu.memory_space<hbm>> -> memref<128x80xf32, #tpu.memory_space<hbm>>
      %dma_wait3A_60 = arith.constant 0 : i32
      %dma_wait3A_61 = tpu.memref_slice %arg14[%add3A_41, %dma_wait3A_60] : memref<10240x80xf32, #tpu.memory_space<vmem_shared>> -> memref<128x80xf32, #tpu.memory_space<vmem_shared>>
      tpu.wait_dma2 semaphore(%run_scoped3A : memref<!tpu.dma_semaphore, #tpu.memory_space<semaphore_mem>>) src(%dma_wait3A_61 : memref<128x80xf32, #tpu.memory_space<vmem_shared>>) dst(%dma_wait3A_59 : memref<128x80xf32, #tpu.memory_space<hbm>>)
      tpu.yield
    }) : () -> ()
    %mul3A_42 = arith.constant 640 : i32
    %mul3A_43 = arith.muli %arg1, %mul3A_42 : i32
    %add3A_44 = arith.constant 256 : i32
    %add3A_45 = arith.addi %mul3A_43, %add3A_44 : i32
    "tpu.region"() ({
      %run_scoped3A = tpu.sem_alloc : memref<!tpu.dma_semaphore, #tpu.memory_space<semaphore_mem>>
      %dma_start3A = arith.constant 0 : i32
      %dma_start3A_54 = tpu.memref_slice %arg6[%arg0, %add3A_45, %dma_start3A] : memref<2x10240x80xf32, #tpu.memory_space<hbm>> -> memref<1x128x80xf32, #tpu.memory_space<hbm>>
      %dma_start3A_55 = tpu.memref_squeeze %dma_start3A_54 : memref<1x128x80xf32, #tpu.memory_space<hbm>> -> memref<128x80xf32, #tpu.memory_space<hbm>>
      %dma_start3A_56 = arith.constant 0 : i32
      %dma_start3A_57 = tpu.memref_slice %arg14[%add3A_45, %dma_start3A_56] : memref<10240x80xf32, #tpu.memory_space<vmem_shared>> -> memref<128x80xf32, #tpu.memory_space<vmem_shared>>
      tpu.enqueue_dma source(%dma_start3A_57 : memref<128x80xf32, #tpu.memory_space<vmem_shared>>) target(%dma_start3A_55 : memref<128x80xf32, #tpu.memory_space<hbm>>) target_semaphore(%run_scoped3A : memref<!tpu.dma_semaphore, #tpu.memory_space<semaphore_mem>>)
      %dma_wait3A = arith.constant 0 : i32
      %dma_wait3A_58 = tpu.memref_slice %arg6[%arg0, %add3A_45, %dma_wait3A] : memref<2x10240x80xf32, #tpu.memory_space<hbm>> -> memref<1x128x80xf32, #tpu.memory_space<hbm>>
      %dma_wait3A_59 = tpu.memref_squeeze %dma_wait3A_58 : memref<1x128x80xf32, #tpu.memory_space<hbm>> -> memref<128x80xf32, #tpu.memory_space<hbm>>
      %dma_wait3A_60 = arith.constant 0 : i32
      %dma_wait3A_61 = tpu.memref_slice %arg14[%add3A_45, %dma_wait3A_60] : memref<10240x80xf32, #tpu.memory_space<vmem_shared>> -> memref<128x80xf32, #tpu.memory_space<vmem_shared>>
      tpu.wait_dma2 semaphore(%run_scoped3A : memref<!tpu.dma_semaphore, #tpu.memory_space<semaphore_mem>>) src(%dma_wait3A_61 : memref<128x80xf32, #tpu.memory_space<vmem_shared>>) dst(%dma_wait3A_59 : memref<128x80xf32, #tpu.memory_space<hbm>>)
      tpu.yield
    }) : () -> ()
    %mul3A_46 = arith.constant 640 : i32
    %mul3A_47 = arith.muli %arg1, %mul3A_46 : i32
    %add3A_48 = arith.constant 384 : i32
    %add3A_49 = arith.addi %mul3A_47, %add3A_48 : i32
    "tpu.region"() ({
      %run_scoped3A = tpu.sem_alloc : memref<!tpu.dma_semaphore, #tpu.memory_space<semaphore_mem>>
      %dma_start3A = arith.constant 0 : i32
      %dma_start3A_54 = tpu.memref_slice %arg6[%arg0, %add3A_49, %dma_start3A] : memref<2x10240x80xf32, #tpu.memory_space<hbm>> -> memref<1x128x80xf32, #tpu.memory_space<hbm>>
      %dma_start3A_55 = tpu.memref_squeeze %dma_start3A_54 : memref<1x128x80xf32, #tpu.memory_space<hbm>> -> memref<128x80xf32, #tpu.memory_space<hbm>>
      %dma_start3A_56 = arith.constant 0 : i32
      %dma_start3A_57 = tpu.memref_slice %arg14[%add3A_49, %dma_start3A_56] : memref<10240x80xf32, #tpu.memory_space<vmem_shared>> -> memref<128x80xf32, #tpu.memory_space<vmem_shared>>
      tpu.enqueue_dma source(%dma_start3A_57 : memref<128x80xf32, #tpu.memory_space<vmem_shared>>) target(%dma_start3A_55 : memref<128x80xf32, #tpu.memory_space<hbm>>) target_semaphore(%run_scoped3A : memref<!tpu.dma_semaphore, #tpu.memory_space<semaphore_mem>>)
      %dma_wait3A = arith.constant 0 : i32
      %dma_wait3A_58 = tpu.memref_slice %arg6[%arg0, %add3A_49, %dma_wait3A] : memref<2x10240x80xf32, #tpu.memory_space<hbm>> -> memref<1x128x80xf32, #tpu.memory_space<hbm>>
      %dma_wait3A_59 = tpu.memref_squeeze %dma_wait3A_58 : memref<1x128x80xf32, #tpu.memory_space<hbm>> -> memref<128x80xf32, #tpu.memory_space<hbm>>
      %dma_wait3A_60 = arith.constant 0 : i32
      %dma_wait3A_61 = tpu.memref_slice %arg14[%add3A_49, %dma_wait3A_60] : memref<10240x80xf32, #tpu.memory_space<vmem_shared>> -> memref<128x80xf32, #tpu.memory_space<vmem_shared>>
      tpu.wait_dma2 semaphore(%run_scoped3A : memref<!tpu.dma_semaphore, #tpu.memory_space<semaphore_mem>>) src(%dma_wait3A_61 : memref<128x80xf32, #tpu.memory_space<vmem_shared>>) dst(%dma_wait3A_59 : memref<128x80xf32, #tpu.memory_space<hbm>>)
      tpu.yield
    }) : () -> ()
    %mul3A_50 = arith.constant 640 : i32
    %mul3A_51 = arith.muli %arg1, %mul3A_50 : i32
    %add3A_52 = arith.constant 512 : i32
    %add3A_53 = arith.addi %mul3A_51, %add3A_52 : i32
    "tpu.region"() ({
      %run_scoped3A = tpu.sem_alloc : memref<!tpu.dma_semaphore, #tpu.memory_space<semaphore_mem>>
      %dma_start3A = arith.constant 0 : i32
      %dma_start3A_54 = tpu.memref_slice %arg6[%arg0, %add3A_53, %dma_start3A] : memref<2x10240x80xf32, #tpu.memory_space<hbm>> -> memref<1x128x80xf32, #tpu.memory_space<hbm>>
      %dma_start3A_55 = tpu.memref_squeeze %dma_start3A_54 : memref<1x128x80xf32, #tpu.memory_space<hbm>> -> memref<128x80xf32, #tpu.memory_space<hbm>>
      %dma_start3A_56 = arith.constant 0 : i32
      %dma_start3A_57 = tpu.memref_slice %arg14[%add3A_53, %dma_start3A_56] : memref<10240x80xf32, #tpu.memory_space<vmem_shared>> -> memref<128x80xf32, #tpu.memory_space<vmem_shared>>
      tpu.enqueue_dma source(%dma_start3A_57 : memref<128x80xf32, #tpu.memory_space<vmem_shared>>) target(%dma_start3A_55 : memref<128x80xf32, #tpu.memory_space<hbm>>) target_semaphore(%run_scoped3A : memref<!tpu.dma_semaphore, #tpu.memory_space<semaphore_mem>>)
      %dma_wait3A = arith.constant 0 : i32
      %dma_wait3A_58 = tpu.memref_slice %arg6[%arg0, %add3A_53, %dma_wait3A] : memref<2x10240x80xf32, #tpu.memory_space<hbm>> -> memref<1x128x80xf32, #tpu.memory_space<hbm>>
      %dma_wait3A_59 = tpu.memref_squeeze %dma_wait3A_58 : memref<1x128x80xf32, #tpu.memory_space<hbm>> -> memref<128x80xf32, #tpu.memory_space<hbm>>
      %dma_wait3A_60 = arith.constant 0 : i32
      %dma_wait3A_61 = tpu.memref_slice %arg14[%add3A_53, %dma_wait3A_60] : memref<10240x80xf32, #tpu.memory_space<vmem_shared>> -> memref<128x80xf32, #tpu.memory_space<vmem_shared>>
      tpu.wait_dma2 semaphore(%run_scoped3A : memref<!tpu.dma_semaphore, #tpu.memory_space<semaphore_mem>>) src(%dma_wait3A_61 : memref<128x80xf32, #tpu.memory_space<vmem_shared>>) dst(%dma_wait3A_59 : memref<128x80xf32, #tpu.memory_space<hbm>>)
      tpu.yield
    }) : () -> ()
    return
  }
}

module attributes {stable_mosaic.version = 14 : i64} {
  func.func @_mm_body(%arg0: i32, %arg1: i32, %arg2: memref<512x128xf32, #tpu.memory_space<vmem>>, %arg3: memref<1x128x80xf32, #tpu.memory_space<vmem>>, %arg4: memref<1x128x16xf32, #tpu.memory_space<vmem>>, %arg5: memref<512x80xf32, #tpu.memory_space<vmem>>, %arg6: memref<512x16xf32, #tpu.memory_space<vmem>>) attributes {dimension_semantics = [#tpu.dimension_semantics<arbitrary>, #tpu.dimension_semantics<arbitrary>], iteration_bounds = array<i64: 2, 20>, scalar_prefetch = 0 : i64, scratch_operands = 0 : i64, tpu.core_type = #tpu.core_type<tc>, window_params = [{transform_indices = @transform_0, window_bounds = array<i64: 512, 128>}, {transform_indices = @transform_1, window_bounds = array<i64: 1, 128, 80>}, {transform_indices = @transform_2, window_bounds = array<i64: 1, 128, 16>}, {transform_indices = @transform_3, window_bounds = array<i64: 512, 80>}, {transform_indices = @transform_4, window_bounds = array<i64: 512, 16>}]} {
    %get3A = arith.constant 0 : index
    %get3A_0 = arith.constant 0 : index
    %get3A_1 = vector.load %arg2[%get3A, %get3A_0] : memref<512x128xf32, #tpu.memory_space<vmem>>, vector<512x128xf32>
    %get3A_2 = arith.constant 0 : index
    %get3A_3 = arith.constant 0 : index
    %get3A_4 = arith.constant 0 : index
    %get3A_5 = vector.load %arg3[%get3A_2, %get3A_3, %get3A_4] : memref<1x128x80xf32, #tpu.memory_space<vmem>>, vector<1x128x80xf32>
    %get3A_6 = vector.shape_cast %get3A_5 : vector<1x128x80xf32> to vector<128x80xf32>
    %dot_general3A = arith.constant dense<0.000000e+00> : vector<512x80xf32>
    %dot_general3A_7 = tpu.matmul %get3A_1, %get3A_6, %dot_general3A {dimension_numbers = #tpu.dot_dimension_numbers<[1], [0], [0], [1], [0, 0, 1, 1], [], []>, transpose_lhs_hint = false} : vector<512x128xf32>, vector<128x80xf32>, vector<512x80xf32> -> vector<512x80xf32>
    %swap3A = arith.constant 0 : index
    %swap3A_8 = arith.constant 0 : index
    %swap3A_9 = vector.load %arg5[%swap3A, %swap3A_8] : memref<512x80xf32, #tpu.memory_space<vmem>>, vector<512x80xf32>
    tpu.vector_store %arg5[%swap3A, %swap3A_8], %dot_general3A_7 {strides = array<i32>} : memref<512x80xf32, #tpu.memory_space<vmem>>, vector<512x80xf32>,
    %get3A_10 = arith.constant 0 : index
    %get3A_11 = arith.constant 0 : index
    %get3A_12 = arith.constant 0 : index
    %get3A_13 = vector.load %arg4[%get3A_10, %get3A_11, %get3A_12] : memref<1x128x16xf32, #tpu.memory_space<vmem>>, vector<1x128x16xf32>
    %get3A_14 = vector.shape_cast %get3A_13 : vector<1x128x16xf32> to vector<128x16xf32>
    %dot_general3A_15 = arith.constant dense<0.000000e+00> : vector<512x16xf32>
    %dot_general3A_16 = tpu.matmul %get3A_1, %get3A_14, %dot_general3A_15 {dimension_numbers = #tpu.dot_dimension_numbers<[1], [0], [0], [1], [0, 0, 1, 1], [], []>, transpose_lhs_hint = false} : vector<512x128xf32>, vector<128x16xf32>, vector<512x16xf32> -> vector<512x16xf32>
    %swap3A_17 = arith.constant 0 : index
    %swap3A_18 = arith.constant 0 : index
    %swap3A_19 = vector.load %arg6[%swap3A_17, %swap3A_18] : memref<512x16xf32, #tpu.memory_space<vmem>>, vector<512x16xf32>
    tpu.vector_store %arg6[%swap3A_17, %swap3A_18], %dot_general3A_16 {strides = array<i32>} : memref<512x16xf32, #tpu.memory_space<vmem>>, vector<512x16xf32>,
    return
  }
  func.func @transform_0(%arg0: i32, %arg1: i32) -> (i32, i32) {
    %c0_i32 = arith.constant 0 : i32
    %c0_i32_0 = arith.constant 0 : i32
    return %arg1, %c0_i32 : i32, i32
  }
  func.func @transform_1(%arg0: i32, %arg1: i32) -> (i32, i32, i32) {
    %c0_i32 = arith.constant 0 : i32
    %c0_i32_0 = arith.constant 0 : i32
    %c0_i32_1 = arith.constant 0 : i32
    return %arg0, %c0_i32, %c0_i32_0 : i32, i32, i32
  }
  func.func @transform_2(%arg0: i32, %arg1: i32) -> (i32, i32, i32) {
    %c0_i32 = arith.constant 0 : i32
    %c0_i32_0 = arith.constant 0 : i32
    %c0_i32_1 = arith.constant 0 : i32
    return %arg0, %c0_i32, %c0_i32_0 : i32, i32, i32
  }
  func.func @transform_3(%arg0: i32, %arg1: i32) -> (i32, i32) {
    %mul3A = arith.constant 20 : i32
    %mul3A_0 = arith.muli %arg0, %mul3A : i32
    %add3A = arith.addi %mul3A_0, %arg1 : i32
    %c0_i32 = arith.constant 0 : i32
    %c0_i32_1 = arith.constant 0 : i32
    return %add3A, %c0_i32 : i32, i32
  }
  func.func @transform_4(%arg0: i32, %arg1: i32) -> (i32, i32) {
    %mul3A = arith.constant 20 : i32
    %mul3A_0 = arith.muli %arg0, %mul3A : i32
    %add3A = arith.addi %mul3A_0, %arg1 : i32
    %c0_i32 = arith.constant 0 : i32
    %c0_i32_1 = arith.constant 0 : i32
    return %add3A, %c0_i32 : i32, i32
  }
}

module attributes {stable_mosaic.version = 14 : i64} {
  func.func @_mid_body(%arg0: i32, %arg1: i32, %arg2: memref<1x512x80xf32, #tpu.memory_space<vmem>>, %arg3: memref<1x512x80xf32, #tpu.memory_space<vmem>>, %arg4: memref<1x128xf32, #tpu.memory_space<vmem>>, %arg5: memref<8x128xf32, #tpu.memory_space<vmem>>, %arg6: memref<1x128x80xf32, #tpu.memory_space<vmem>>, %arg7: memref<1x128x16xf32, #tpu.memory_space<vmem>>, %arg8: memref<512x80xf32, #tpu.memory_space<vmem>>, %arg9: memref<512x16xf32, #tpu.memory_space<vmem>>) attributes {dimension_semantics = [#tpu.dimension_semantics<arbitrary>, #tpu.dimension_semantics<arbitrary>], iteration_bounds = array<i64: 2, 20>, scalar_prefetch = 0 : i64, scratch_operands = 0 : i64, tpu.core_type = #tpu.core_type<tc>, window_params = [{transform_indices = @transform_0, window_bounds = array<i64: 1, 512, 80>}, {transform_indices = @transform_1, window_bounds = array<i64: 1, 512, 80>}, {pipeline_mode = #tpu.pipeline_mode<synchronous>, transform_indices = @transform_2, window_bounds = array<i64: 1, 128>}, {pipeline_mode = #tpu.pipeline_mode<synchronous>, transform_indices = @transform_3, window_bounds = array<i64: 8, 128>}, {transform_indices = @transform_4, window_bounds = array<i64: 1, 128, 80>}, {transform_indices = @transform_5, window_bounds = array<i64: 1, 128, 16>}, {transform_indices = @transform_6, window_bounds = array<i64: 512, 80>}, {transform_indices = @transform_7, window_bounds = array<i64: 512, 16>}]} {
    %get3A = arith.constant 0 : index
    %get3A_0 = arith.constant 0 : index
    %get3A_1 = arith.constant 0 : index
    %get3A_2 = vector.load %arg2[%get3A, %get3A_0, %get3A_1] : memref<1x512x80xf32, #tpu.memory_space<vmem>>, vector<1x512x80xf32>
    %get3A_3 = vector.shape_cast %get3A_2 : vector<1x512x80xf32> to vector<512x80xf32>
    %get3A_4 = arith.constant 0 : index
    %get3A_5 = arith.constant 0 : index
    %get3A_6 = arith.constant 0 : index
    %get3A_7 = vector.load %arg3[%get3A_4, %get3A_5, %get3A_6] : memref<1x512x80xf32, #tpu.memory_space<vmem>>, vector<1x512x80xf32>
    %get3A_8 = vector.shape_cast %get3A_7 : vector<1x512x80xf32> to vector<512x80xf32>
    %slice3A = vector.extract_strided_slice %get3A_3 {offsets = [0, 0], sizes = [512, 64], strides = [1, 1]} : vector<512x80xf32> to vector<512x64xf32>
    %slice3A_9 = vector.extract_strided_slice %get3A_8 {offsets = [0, 0], sizes = [512, 64], strides = [1, 1]} : vector<512x80xf32> to vector<512x64xf32>
    %concatenate3A = tpu.concatenate %slice3A, %slice3A_9 in 1 : vector<512x64xf32>, vector<512x64xf32> -> vector<512x128xf32>
    %slice3A_10 = vector.extract_strided_slice %get3A_3 {offsets = [0, 64], sizes = [512, 4], strides = [1, 1]} : vector<512x80xf32> to vector<512x4xf32>
    %slice3A_11 = vector.extract_strided_slice %get3A_8 {offsets = [0, 64], sizes = [512, 4], strides = [1, 1]} : vector<512x80xf32> to vector<512x4xf32>
    %concatenate3A_12 = tpu.concatenate %slice3A_10, %slice3A_11 in 1 : vector<512x4xf32>, vector<512x4xf32> -> vector<512x8xf32>
    %get3A_13 = arith.constant 0 : index
    %get3A_14 = arith.constant 0 : index
    %get3A_15 = vector.load %arg5[%get3A_13, %get3A_14] : memref<8x128xf32, #tpu.memory_space<vmem>>, vector<8x128xf32>
    %dot_general3A = arith.constant dense<0.000000e+00> : vector<512x128xf32>
    %dot_general3A_16 = tpu.matmul %concatenate3A_12, %get3A_15, %dot_general3A {dimension_numbers = #tpu.dot_dimension_numbers<[1], [0], [0], [1], [0, 0, 1, 1], [], []>, transpose_lhs_hint = false} : vector<512x8xf32>, vector<8x128xf32>, vector<512x128xf32> -> vector<512x128xf32>
    %add3A = arith.constant 1.000000e-16 : f32
    %add3A_17 = vector.broadcast %add3A : f32 to vector<512x128xf32>
    %add3A_18 = arith.addf %dot_general3A_16, %add3A_17 : vector<512x128xf32>
    %div3A = arith.divf %concatenate3A, %add3A_18 : vector<512x128xf32>
    %get3A_19 = arith.constant 0 : index
    %get3A_20 = arith.constant 0 : index
    %get3A_21 = vector.load %arg4[%get3A_19, %get3A_20] : memref<1x128xf32, #tpu.memory_space<vmem>>, vector<1x128xf32>
    %add3A_22 = vector.broadcast %get3A_21 : vector<1x128xf32> to vector<512x128xf32>
    %add3A_23 = arith.addf %div3A, %add3A_22 : vector<512x128xf32>
    %gt3A = arith.constant 0.000000e+00 : f32
    %gt3A_24 = vector.broadcast %gt3A : f32 to vector<512x128xf32>
    %gt3A_25 = arith.cmpf ogt, %add3A_23, %gt3A_24 : vector<512x128xf32>
    %min3A = arith.constant 0.000000e+00 : f32
    %min3A_26 = vector.broadcast %min3A : f32 to vector<512x128xf32>
    %min3A_27 = arith.minimumf %add3A_23, %min3A_26 : vector<512x128xf32>
    %exp3A = math.exp %min3A_27 : vector<512x128xf32>
    %sub3A = arith.constant 1.000000e+00 : f32
    %sub3A_28 = vector.broadcast %sub3A : f32 to vector<512x128xf32>
    %sub3A_29 = arith.subf %exp3A, %sub3A_28 : vector<512x128xf32>
    %select_n3A = arith.select %gt3A_25, %add3A_23, %sub3A_29 : vector<512x128xi1>, vector<512x128xf32>
    %get3A_30 = arith.constant 0 : index
    %get3A_31 = arith.constant 0 : index
    %get3A_32 = arith.constant 0 : index
    %get3A_33 = vector.load %arg6[%get3A_30, %get3A_31, %get3A_32] : memref<1x128x80xf32, #tpu.memory_space<vmem>>, vector<1x128x80xf32>
    %get3A_34 = vector.shape_cast %get3A_33 : vector<1x128x80xf32> to vector<128x80xf32>
    %dot_general3A_35 = arith.constant dense<0.000000e+00> : vector<512x80xf32>
    %dot_general3A_36 = tpu.matmul %select_n3A, %get3A_34, %dot_general3A_35 {dimension_numbers = #tpu.dot_dimension_numbers<[1], [0], [0], [1], [0, 0, 1, 1], [], []>, transpose_lhs_hint = false} : vector<512x128xf32>, vector<128x80xf32>, vector<512x80xf32> -> vector<512x80xf32>
    %swap3A = arith.constant 0 : index
    %swap3A_37 = arith.constant 0 : index
    %swap3A_38 = vector.load %arg8[%swap3A, %swap3A_37] : memref<512x80xf32, #tpu.memory_space<vmem>>, vector<512x80xf32>
    tpu.vector_store %arg8[%swap3A, %swap3A_37], %dot_general3A_36 {strides = array<i32>} : memref<512x80xf32, #tpu.memory_space<vmem>>, vector<512x80xf32>,
    %get3A_39 = arith.constant 0 : index
    %get3A_40 = arith.constant 0 : index
    %get3A_41 = arith.constant 0 : index
    %get3A_42 = vector.load %arg7[%get3A_39, %get3A_40, %get3A_41] : memref<1x128x16xf32, #tpu.memory_space<vmem>>, vector<1x128x16xf32>
    %get3A_43 = vector.shape_cast %get3A_42 : vector<1x128x16xf32> to vector<128x16xf32>
    %dot_general3A_44 = arith.constant dense<0.000000e+00> : vector<512x16xf32>
    %dot_general3A_45 = tpu.matmul %select_n3A, %get3A_43, %dot_general3A_44 {dimension_numbers = #tpu.dot_dimension_numbers<[1], [0], [0], [1], [0, 0, 1, 1], [], []>, transpose_lhs_hint = false} : vector<512x128xf32>, vector<128x16xf32>, vector<512x16xf32> -> vector<512x16xf32>
    %swap3A_46 = arith.constant 0 : index
    %swap3A_47 = arith.constant 0 : index
    %swap3A_48 = vector.load %arg9[%swap3A_46, %swap3A_47] : memref<512x16xf32, #tpu.memory_space<vmem>>, vector<512x16xf32>
    tpu.vector_store %arg9[%swap3A_46, %swap3A_47], %dot_general3A_45 {strides = array<i32>} : memref<512x16xf32, #tpu.memory_space<vmem>>, vector<512x16xf32>,
    return
  }
  func.func @transform_0(%arg0: i32, %arg1: i32) -> (i32, i32, i32) {
    %c0_i32 = arith.constant 0 : i32
    %c0_i32_0 = arith.constant 0 : i32
    %c0_i32_1 = arith.constant 0 : i32
    return %c0_i32, %arg1, %c0_i32_0 : i32, i32, i32
  }
  func.func @transform_1(%arg0: i32, %arg1: i32) -> (i32, i32, i32) {
    %c1_i32 = arith.constant 1 : i32
    %c0_i32 = arith.constant 0 : i32
    %c0_i32_0 = arith.constant 0 : i32
    return %c1_i32, %arg1, %c0_i32 : i32, i32, i32
  }
  func.func @transform_2(%arg0: i32, %arg1: i32) -> (i32, i32) {
    %c0_i32 = arith.constant 0 : i32
    %c0_i32_0 = arith.constant 0 : i32
    %c0_i32_1 = arith.constant 0 : i32
    return %c0_i32, %c0_i32_0 : i32, i32
  }
  func.func @transform_3(%arg0: i32, %arg1: i32) -> (i32, i32) {
    %c0_i32 = arith.constant 0 : i32
    %c0_i32_0 = arith.constant 0 : i32
    %c0_i32_1 = arith.constant 0 : i32
    return %c0_i32, %c0_i32_0 : i32, i32
  }
  func.func @transform_4(%arg0: i32, %arg1: i32) -> (i32, i32, i32) {
    %c0_i32 = arith.constant 0 : i32
    %c0_i32_0 = arith.constant 0 : i32
    %c0_i32_1 = arith.constant 0 : i32
    return %arg0, %c0_i32, %c0_i32_0 : i32, i32, i32
  }
  func.func @transform_5(%arg0: i32, %arg1: i32) -> (i32, i32, i32) {
    %c0_i32 = arith.constant 0 : i32
    %c0_i32_0 = arith.constant 0 : i32
    %c0_i32_1 = arith.constant 0 : i32
    return %arg0, %c0_i32, %c0_i32_0 : i32, i32, i32
  }
  func.func @transform_6(%arg0: i32, %arg1: i32) -> (i32, i32) {
    %mul3A = arith.constant 20 : i32
    %mul3A_0 = arith.muli %arg0, %mul3A : i32
    %add3A = arith.addi %mul3A_0, %arg1 : i32
    %c0_i32 = arith.constant 0 : i32
    %c0_i32_1 = arith.constant 0 : i32
    return %add3A, %c0_i32 : i32, i32
  }
  func.func @transform_7(%arg0: i32, %arg1: i32) -> (i32, i32) {
    %mul3A = arith.constant 20 : i32
    %mul3A_0 = arith.muli %arg0, %mul3A : i32
    %add3A = arith.addi %mul3A_0, %arg1 : i32
    %c0_i32 = arith.constant 0 : i32
    %c0_i32_1 = arith.constant 0 : i32
    return %add3A, %c0_i32 : i32, i32
  }
}

module attributes {stable_mosaic.version = 14 : i64} {
  func.func @_fin_body(%arg0: i32, %arg1: memref<1x512x80xf32, #tpu.memory_space<vmem>>, %arg2: memref<1x40xf32, #tpu.memory_space<vmem>>, %arg3: memref<512x40xf32, #tpu.memory_space<vmem>>) attributes {dimension_semantics = [#tpu.dimension_semantics<arbitrary>], iteration_bounds = array<i64: 20>, scalar_prefetch = 0 : i64, scratch_operands = 0 : i64, tpu.core_type = #tpu.core_type<tc>, window_params = [{transform_indices = @transform_0, window_bounds = array<i64: 1, 512, 80>}, {pipeline_mode = #tpu.pipeline_mode<synchronous>, transform_indices = @transform_1, window_bounds = array<i64: 1, 40>}, {transform_indices = @transform_2, window_bounds = array<i64: 512, 40>}]} {
    %get3A = arith.constant 0 : index
    %get3A_0 = arith.constant 0 : index
    %get3A_1 = arith.constant 0 : index
    %get3A_2 = vector.load %arg1[%get3A, %get3A_0, %get3A_1] : memref<1x512x80xf32, #tpu.memory_space<vmem>>, vector<1x512x80xf32>
    %get3A_3 = vector.shape_cast %get3A_2 : vector<1x512x80xf32> to vector<512x80xf32>
    %slice3A = vector.extract_strided_slice %get3A_3 {offsets = [0, 0], sizes = [512, 40], strides = [1, 1]} : vector<512x80xf32> to vector<512x40xf32>
    %slice3A_4 = vector.extract_strided_slice %get3A_3 {offsets = [0, 64], sizes = [512, 1], strides = [1, 1]} : vector<512x80xf32> to vector<512x1xf32>
    %add3A = arith.constant 1.000000e-16 : f32
    %add3A_5 = vector.broadcast %add3A : f32 to vector<512x1xf32>
    %add3A_6 = arith.addf %slice3A_4, %add3A_5 : vector<512x1xf32>
    %div3A = vector.broadcast %add3A_6 : vector<512x1xf32> to vector<512x40xf32>
    %div3A_7 = arith.divf %slice3A, %div3A : vector<512x40xf32>
    %get3A_8 = arith.constant 0 : index
    %get3A_9 = arith.constant 0 : index
    %get3A_10 = vector.load %arg2[%get3A_8, %get3A_9] : memref<1x40xf32, #tpu.memory_space<vmem>>, vector<1x40xf32>
    %add3A_11 = vector.broadcast %get3A_10 : vector<1x40xf32> to vector<512x40xf32>
    %add3A_12 = arith.addf %div3A_7, %add3A_11 : vector<512x40xf32>
    %reduce_max3A = arith.constant dense<0xFF800000> : vector<512xf32>
    %reduce_max3A_13 = vector.multi_reduction <maximumf>, %add3A_12, %reduce_max3A [1] : vector<512x40xf32> to vector<512xf32>
    %broadcast_in_dim3A = vector.shape_cast %reduce_max3A_13 : vector<512xf32> to vector<512x1xf32>
    %sub3A = vector.broadcast %broadcast_in_dim3A : vector<512x1xf32> to vector<512x40xf32>
    %sub3A_14 = arith.subf %add3A_12, %sub3A : vector<512x40xf32>
    %exp3A = math.exp %sub3A_14 : vector<512x40xf32>
    %reduce_sum3A = arith.constant dense<0.000000e+00> : vector<512xf32>
    %reduce_sum3A_15 = vector.multi_reduction <add>, %exp3A, %reduce_sum3A [1] : vector<512x40xf32> to vector<512xf32>
    %broadcast_in_dim3A_16 = vector.shape_cast %reduce_sum3A_15 : vector<512xf32> to vector<512x1xf32>
    %log3A = math.log %broadcast_in_dim3A_16 : vector<512x1xf32>
    %sub3A_17 = vector.broadcast %broadcast_in_dim3A : vector<512x1xf32> to vector<512x40xf32>
    %sub3A_18 = arith.subf %add3A_12, %sub3A_17 : vector<512x40xf32>
    %sub3A_19 = vector.broadcast %log3A : vector<512x1xf32> to vector<512x40xf32>
    %sub3A_20 = arith.subf %sub3A_18, %sub3A_19 : vector<512x40xf32>
    %swap3A = arith.constant 0 : index
    %swap3A_21 = arith.constant 0 : index
    %swap3A_22 = vector.load %arg3[%swap3A, %swap3A_21] : memref<512x40xf32, #tpu.memory_space<vmem>>, vector<512x40xf32>
    tpu.vector_store %arg3[%swap3A, %swap3A_21], %sub3A_20 {strides = array<i32>} : memref<512x40xf32, #tpu.memory_space<vmem>>, vector<512x40xf32>,
    return
  }
  func.func @transform_0(%arg0: i32) -> (i32, i32, i32) {
    %c0_i32 = arith.constant 0 : i32
    %c0_i32_0 = arith.constant 0 : i32
    %c0_i32_1 = arith.constant 0 : i32
    return %c0_i32, %arg0, %c0_i32_0 : i32, i32, i32
  }
  func.func @transform_1(%arg0: i32) -> (i32, i32) {
    %c0_i32 = arith.constant 0 : i32
    %c0_i32_0 = arith.constant 0 : i32
    %c0_i32_1 = arith.constant 0 : i32
    return %c0_i32, %c0_i32_0 : i32, i32
  }
  func.func @transform_2(%arg0: i32) -> (i32, i32) {
    %c0_i32 = arith.constant 0 : i32
    %c0_i32_0 = arith.constant 0 : i32
    return %arg0, %c0_i32 : i32, i32
  }
}

</mosaic_0001>

<sc_bundles>
// kernel: kernel.12.cloned.1.call-start
scs
__scs_entry_jumppad:
0x0: {  	(pc) =	sbr.rel $0x88, $3  }
0x1: {  	(tag) =	ssettag $0x0;
	lr =	simm.s32 $0x1  }
0x2: {  	[smem:$0x3F93] =	sst lr;
	_ =	strace $0xD0000000  }
0x3: {  	_ = 	snop  }
0x4: {  	_ = 	snop  }
0x5: {  	_ = 	snop  }
0x6: {  	_ = 	snop  }
0x7: {  	_ = 	snop  }
__scs_overlays_trampoline_lowered:
0x8: {  	[smem:$0x3FA2] =	sst s0  }
0x9: {  	[smem:$0x3FA3] =	sst s1  }
0xa: {  	[smem:$0x3FA4] =	sst s2  }
0xb: {  	[smem:$0x3FA5] =	sst s3  }
0xc: {  	[smem:$0x3FA6] =	sst s4  }
0xd: {  	[smem:$0x3FA7] =	sst s5  }
0xe: {  	[smem:$0x3FA8] =	sst s6  }
0xf: {  	[smem:$0x3FA9] =	sst s7  }
0x10: {  	[smem:$0x3FAA] =	sst s8  }
0x11: {  	[smem:$0x3FAB] =	sst s9;
	s0 =	simm.s32 @!p0 $0x0  }
0x12: {  	s1 =	sld [smem:$0x3F91];
	s0 =	simm.s32 @p0 $0x1  }
0x13: {  	[smem:$0x3FAC] =	sst s0;
	s0 =	simm.s32 @!p1 $0x0  }
0x14: {  	s2 =	sld [smem:$0x3F90];
	s0 =	simm.s32 @p1 $0x1  }
0x15: {  	[smem:$0x3FAD] =	sst s0;
	s0 =	simm.s32 @!p2 $0x0  }
0x16: {  	s3 =	sld [smem:$0x3FDB];
	s0 =	simm.s32 @p2 $0x1  }
0x17: {  	s4 =	simm.s32 $0x1BF5;
	[smem:$0x3FAF] =	sst s0  }
0x18: {  	s0 =	sld [smem:$0x3F92];
	_ =	swait.ge [sflag:s4], $0x0  }
0x19: {  	s7 =	sld [smem:$0x3F93]  }
0x1a: {  	s8 =	sadd.s32 $0xFFFFE003, lr  }
0x1b: {  	s9 =	sadd.s32 $0xFFFFFEF7, lr;
	s5 =	simm.s32 $0xFFFFFFFF;
	p2 =	slt.u32 s8, $0xFFFFF086  }
0x1c: {  	p1 =	slt.u32 s9, $0xF7A;
	s5 =	simm.s32 @!p2 $0x0  }
0x1d: {  	s5 =	simm.s32 @p1 $0x1;
	p0 =	seq.s32 s7, s2  }
0x1e: {  	s7 =	smul.u32 @!p0 $0xF7A, s2;
	p2 =	seq.s32 @!p0 s5, $0x0  }
0x1f: {  	s9 =	smul.u32 $0xF7A, s1;
	s8 =	simm.s32 @!p0 $0x1BF5;
	p2 =	por !p2, p0  }
0x20: {  	[sflag:s8] =	ssyncset.s32 @!p0 $0xFFFFF086;
	s6 =	sadd.s32 @!p0 s3, s7;
	s7 =	simm.s32 @!p0 $0x108  }
0x21: {  	s3 =	sadd.s32 s3, s9;
	s6 =	sadd.s32 @!p0 $0x88, s6;
	s7 =	simm.s32 @p2 $0x1082  }
0x22: {  	[simem:s7], [sflag:s8] =	dma.local @!p0 [hbm:s6], $0xF7A  }
0x23: {  	s9 =	sor.u32 $0xD0000000, s2;
	s6 =	simm.s32 $0x108;
	_ =	swait.ge @!p0 [sflag:s8], $0x0  }
0x24: {  	s3 =	sadd.s32 $0x88, s3;
	s6 =	simm.s32 @!p1 $0x1082;
	[sflag:s4] =	ssyncset.s32 $0xFFFFF086  }
0x25: {  	[simem:s6], [sflag:s4] =	dma.local [hbm:s3], $0xF7A  }
0x26: {  	[smem:$0x3F93] =	sst s1;
	(tag) =	ssettag s2;
	_ =	strace s9  }
0x27: {  	s1 =	sld [smem:$0x3FA3]  }
0x28: {  	s2 =	sld [smem:$0x3FA4]  }
0x29: {  	s4 =	sld [smem:$0x3FA6]  }
0x2a: {  	p0 =	seq.s32 s5, $0x0;
	s5 =	sld [smem:$0x3FA7]  }
0x2b: {  	s6 =	sld [smem:$0x3FA8]  }
0x2c: {  	s7 =	sld [smem:$0x3FA9]  }
0x2d: {  	s3 =	simm.s32 $0x108;
	s8 =	sld [smem:$0x3FAA]  }
0x2e: {  	s3 =	simm.s32 @!p0 $0x1082;
	s9 =	sld [smem:$0x3FAB]  }
0x2f: {  	lr =	sadd.s32 s0, s3;
	s0 =	sld [smem:$0x3FA2]  }
0x30: {  	s3 =	sld [smem:$0x3FA5]  }
0x31: {  	[smem:$0x3FAE] =	sst s10  }
0x32: {  	s10 =	sld [smem:$0x3FAC];
	_ =	sdelay $0x3  }
0x33: {  	p0 =	seq.s32 s10, $0x1;
	s10 =	sld [smem:$0x3FAE];
	_ =	sdelay $0x3  }
0x34: {  	[smem:$0x3FAE] =	sst s10  }
0x35: {  	s10 =	sld [smem:$0x3FAD];
	_ =	sdelay $0x3  }
0x36: {  	p1 =	seq.s32 s10, $0x1;
	s10 =	sld [smem:$0x3FAE];
	_ =	sdelay $0x3  }
0x37: {  	[smem:$0x3FAE] =	sst s10  }
0x38: {  	s10 =	sld [smem:$0x3FAF]  }
0x39: {  	_ = 	snop;
	(pc) =	sbr.ind lr, $3  }
0x3a: {  	_ = 	snop  }
0x3b: {  	_ = 	snop  }
0x3c: {  	p2 =	seq.s32 s10, $0x1;
	s10 =	sld [smem:$0x3FAE]  }
0x3d: {  	_ =	shalt  }
0x3e: {  	_ =	shalt  }
0x3f: {  	_ =	shalt  }
0x40: {  	_ =	shalt  }
0x41: {  	_ =	shalt  }
0x42: {  	_ =	shalt  }
0x43: {  	_ =	shalt  }
0x44: {  	_ =	shalt  }
0x45: {  	_ =	shalt  }
0x46: {  	_ =	shalt  }
0x47: {  	_ =	shalt  }
0x48: {  	_ =	shalt  }
0x49: {  	_ =	shalt  }
0x4a: {  	_ =	shalt  }
0x4b: {  	_ =	shalt  }
0x4c: {  	_ =	shalt  }
0x4d: {  	_ =	shalt  }
0x4e: {  	_ =	shalt  }
0x4f: {  	_ =	shalt  }
0x50: {  	_ =	shalt  }
0x51: {  	_ =	shalt  }
0x52: {  	_ =	shalt  }
0x53: {  	_ =	shalt  }
0x54: {  	_ =	shalt  }
0x55: {  	_ =	shalt  }
0x56: {  	_ =	shalt  }
0x57: {  	_ =	shalt  }
0x58: {  	_ =	shalt  }
0x59: {  	_ =	shalt  }
0x5a: {  	_ =	shalt  }
0x5b: {  	_ =	shalt  }
0x5c: {  	_ =	shalt  }
0x5d: {  	_ =	shalt  }
0x5e: {  	_ =	shalt  }
0x5f: {  	_ =	shalt  }
0x60: {  	_ =	shalt  }
0x61: {  	_ =	shalt  }
0x62: {  	_ =	shalt  }
0x63: {  	_ =	shalt  }
0x64: {  	_ =	shalt  }
0x65: {  	_ =	shalt  }
0x66: {  	_ =	shalt  }
0x67: {  	_ =	shalt  }
0x68: {  	_ =	shalt  }
0x69: {  	_ =	shalt  }
0x6a: {  	_ =	shalt  }
0x6b: {  	_ =	shalt  }
0x6c: {  	_ =	shalt  }
0x6d: {  	_ =	shalt  }
0x6e: {  	_ =	shalt  }
0x6f: {  	_ =	shalt  }
0x70: {  	_ =	shalt  }
0x71: {  	_ =	shalt  }
0x72: {  	_ =	shalt  }
0x73: {  	_ =	shalt  }
0x74: {  	_ =	shalt  }
0x75: {  	_ =	shalt  }
0x76: {  	_ =	shalt  }
0x77: {  	_ =	shalt  }
0x78: {  	_ =	shalt  }
0x79: {  	_ =	shalt  }
0x7a: {  	_ =	shalt  }
0x7b: {  	_ =	shalt  }
0x7c: {  	_ =	shalt  }
0x7d: {  	_ =	shalt  }
0x7e: {  	_ =	shalt  }
0x7f: {  	_ =	shalt  }
0x80: {  	_ =	shalt  }
0x81: {  	_ =	shalt  }
0x82: {  	_ =	shalt  }
0x83: {  	_ =	shalt  }
0x84: {  	_ =	shalt  }
0x85: {  	_ =	shalt  }
0x86: {  	_ =	shalt  }
0x87: {  	_ =	shalt  }
.Lfunc_end0:
.L_simem_size_0:
called_computation.1_lowered:
.L_overlay_start_0:
0x88: {  	s2 =	sld [smem:$0x3FD9]  }
0x89: {  	s3 =	sld [smem:$0x3FFE];
	_ =	sdelay $0x1  }
0x8a: {  	s1 =	srdreg.scid  }
0x8b: {  	s0 =	sand.u32 $0x1, s1  }
0x8c: {  	s17 =	sshll.u32 s0, $0xA;
	s2 =	sadd.s32 s3, s2  }
0x8d: {  	s2 =	sadd.s32 s2, s17  }
0x8e: {  	[smem:$0x3FBA] =	sst s2  }
0x8f: {  	_ = 	snop  }
0x90: {  	s2 =	sld [smem:$0x3FD0];
	(tm) =	ssettm $0x1  }
0x91: {  	s18 =	sld [smem:$0x3FFB];
	_ =	sdelay $0x3  }
0x92: {  	_ =	strace s18  }
0x93: {  	s3 =	sld [smem:$0x3FFC];
	_ =	sdelay $0x3  }
0x94: {  	_ =	strace s3  }
0x95: {  	s3 =	sld [smem:$0x3FFD];
	_ =	sdelay $0x3  }
0x96: {  	_ =	strace s3  }
0x97: {  	_ =	strace $0x8FFFFFFF  }
0x98: {  	s19 =	sld [smem:$0x3FDB];
	_ =	sdelay $0x1  }
0x99: {  	s4 =	simm.s32 $_scs_section_size  }
0x9a: {  	s5 =	simm.s32 $_size__tile_overlayer_lowered;
	s6 =	simm.s32 $_tile_overlayer_lowered  }
0x9b: {  	s22 =	simm.s32 $0x1BFF;
	s21 =	sshll.u32 s6, $0x1;
	s3 =	sadd.s32 s4, s19  }
0x9c: {  	s7 =	simm.s32 $0x0;
	s20 =	sshll.u32 s5, $0x1;
	s5 =	sadd.s32 s21, s3  }
0x9d: {  	[timem:s7], [sflag:s22] =	dma.local [hbm:s5], s20  }
0x9e: {  	_ =	swait.ge [sflag:s22], s20  }
0x9f: {  	s4 =	ssub.s32 $0x0, s20;
	[sflag:s22] =	ssyncset.done $0x0  }
0xa0: {  	[sflag:s22] =	ssyncadd.s32 s4;
	_ =	sdelay $0x1  }
0xa1: {  	s23 =	simm.s32 $0x1B8B  }
0xa2: {  	_ =	swait.ge [sflag:s23], $0x1  }
0xa3: {  	[sflag:s23] =	ssyncset.done $0x0  }
0xa4: {  	s25 =	simm.s32 $0x1B8E;
	s24 =	sld [smem:$0x3FFE];
	[sflag:s23] =	ssyncadd.s32 $0xFFFFFFFF  }
0xa5: {  	s26 =	simm.s32 $execute0_lowered;
	[smem:$0x3FD2] =	sst s25  }
0xa6: {  	s5 =	sshll.u32 s26, $0x1;
	_ =	strace $0x80000049;
	[dreg:$0x1] =	wrdreg $0xFFFFFFFF  }
0xa7: {  	s28 =	simm.s32 $_size_execute0_lowered;
	s3 =	sadd.s32 s3, s5;
	[dreg:$0x0] =	wrdreg $0x0  }
0xa8: {  	s5 =	sshll.u32 s28, $0x1;
	[dreg:$0x2] =	wrdreg s3  }
0xa9: {  	[dreg:$0x3] =	wrdreg s5  }
0xaa: {  	[dreg:$0x4] =	wrdreg $0xC0  }
0xab: {  	_ =	task [dreg:s7], $0x5FFFF  }
0xac: {  	[dreg:$0x1] =	wrdreg $0xFFFFFFFF  }
0xad: {  	[dreg:$0x0] =	wrdreg $0x60  }
0xae: {  	[dreg:$0x2] =	wrdreg s24  }
0xaf: {  	[dreg:$0x3] =	wrdreg s2  }
0xb0: {  	[dreg:$0x4] =	wrdreg $0xFB000  }
0xb1: {  	[dreg:$0x5] =	wrdreg $0x9  }
0xb2: {  	_ =	task.clear_ibuf [dreg:s7], $0x6FFFF;
	_ =	strace $0x90000049  }
0xb3: {  	s29 =	simm.s32 $0x9;
	_ =	strace $0x8000004B  }
0xb4: {  	_ =	swait.ge [sflag:s29], $0x1  }
0xb5: {  	[sflag:s29] =	ssyncadd.s32 $0xFFFFFFFF  }
0xb6: {  	_ =	strace $0x9000004B  }
0xb7: {  	_ =	sfence  }
0xb8: {  	s30 =	sld [smem:$0x0];
	_ =	sdelay $0x2  }
0xb9: {  	s31 =	sshll.u32 s1, $0xD;
	s1 =	sshrl.u32 s1, $0x2  }
0xba: {  	s3 =	sand.u32 $0x4000, s31;
	s1 =	sadd.s32 s1, s30  }
0xbb: {  	s0 =	sor.u32 s3, s0;
	s1 =	sshll.u32 s1, $0x11  }
0xbc: {  	s0 =	sor.u32 s1, s0  }
0xbd: {  	s0 =	sadd.s32 $0x8F2B, s0  }
0xbe: {  	[sflag:s0] =	ssyncadd.remote.s32 $0x1  }
0xbf: {  	_ =	sfence.sel $0xFFFF  }
0xc0: {  	[dreg:$0x0] =	wrdreg $0xFFFFFFFF;
	(pc) =	sbr.abs _section_cstart, $3  }
0xc1: {  	[dreg:$0x1] =	wrdreg $0xFFFFFFFF  }
0xc2: {  	_ =	task.clear_ibuf [dreg:s7], $0x2FFFF;
	_ =	strace $0x9FFFFFFF  }
0xc3: {  	(tm) =	ssettm $0x7FFFFFFF  }
tec
execute0_lowered:
.L_overlay_start_1:
0x0: {  	(tag) =	ssettag $0x1  }
0x1: {  	s0 =	rddreg [dreg:$0x0]  }
0x2: {  	s2 =	rddreg [dreg:$0x1]  }
0x3: {  	s1 =	rddreg [dreg:$0x2]  }
0x4: {  	s3 =	simm.s32 $0x0;
	s23 =	srdreg.scid;
	s8 =	stileid.u32  }
0x5: {  	s19 =	simm.s32 $0xD300;
	s20 =	simm.s32 $0x3;
	s22 =	simm.s32 $0x80  }
0x6: {  	s28 =	simm.s32 $0x2;
	s29 =	simm.s32 $0x0;
	s11 =	smul.u32 $0xA20, s8  }
0x7: {  	[smem:$0x7FF] =	sst s3;
	s3 =	sand.u32 $0x1, s23;
	s12 =	smul.u32 $0xC800, s8  }
0x8: {  	s4 =	sadd.s32 $0x17400, s0;
	s5 =	sadd.s32 $0x3200, s0;
	s23 =	smul.u32 $0x2800, s3  }
0x9: {  	_ =	strace $0x8000004A;
	s6 =	ssub.s32 $0x2, s3;
	s3 =	smul.u32 $0xC8000, s3  }
0xa: {  	s7 =	sshrl.u32 s6, $0x1;
	s13 =	sadd.s32 s11, s0;
	s0 =	sadd.s32 $0x49400, s0  }
0xb: {  	s14 =	sadd.s32 $0x2800, s12;
	s15 =	sadd.s32 $0x5000, s12;
	s16 =	sadd.s32 $0x7800, s12  }
0xc: {  	s17 =	sadd.s32 $0xA000, s12;
	s2 =	sadd.s32 s2, s11;
	s18 =	ssub.s32 s6, s7  }
0xd: {  	s6 =	sadd.s32 s12, s1;
	s7 =	sadd.s32 s14, s1;
	s8 =	sadd.s32 s15, s1  }
0xe: {  	s9 =	sadd.s32 s16, s1;
	s10 =	sadd.s32 s17, s1;
	s12 =	sadd.s32 s12, s3  }
0xf: {  	[dreg:$0x4] =	wrdreg s2;
	s14 =	sadd.s32 s3, s14;
	s26 =	sadd.s32 s3, s15  }
0x10: {  	s30 =	sadd.s32 s3, s16;
	s3 =	sadd.s32 s3, s17;
	v0 =	vmov s23;
	s23 =	simm.s32 $0xA200  }
0x11: {  	s24 =	sshrl.u32 s12, $0x3;
	s12 =	sadd.s32 $0xD200, s13;
	s25 =	sshrl.u32 s14, $0x3  }
0x12: {  	s2 =	sshrl.u32 s26, $0x3;
	s16 =	sshrl.u32 s30, $0x3;
	s31 =	sshrl.u32 s3, $0x3  }
0x13: {  	s18 =	smax.u32 s18, $0x1;
	s26 =	simm.s32 $0x1;
	s13 =	sadd.s32 s0, s24  }
0x14: {  	v1 =	vimm.f32 $0.0e+00;
	v2 =	vimm.s32 $0x0;
	s14 =	sadd.s32 s0, s25;
	s15 =	sadd.s32 s0, s2;
	s16 =	sadd.s32 s0, s16  }
0x15: {  	v3 =	vimm.s32 $0x1;
	v4 =	vimm.s32 $0x2;
	v5 =	vimm.s32 $0x3;
	s17 =	sadd.s32 s0, s31;
	s24 =	simm.s32 $0xA300;
	s25 =	simm.s32 $0xA280  }
.LBB2_1:
0x16: {  	s0 =	simm.s32 $0x0  }
0x17: {  	s0 =	smul.u32 $0xCCCD, s0;
	_ =	sdelay $0x1  }
0x18: {  	s2 =	sshrl.u32 s0, $0x12  }
0x19: {  	s3 =	simm.s32 $0x0;
	s0 =	simm.s32 $0x1;
	s30 =	smul.u32 $0x5, s2  }
.LBB2_2:
0x1a: {  	s31 =	smul.u32 $0xCCCD, s0  }
0x1b: {  	s21 =	smov.u32 s0;
	s2 =	smul.u32 $0x140, s2;
	p0 =	sne.s32 s0, $0x27F  }
.Ltmp0:
0x1c: {  	s3 =	ssub.s32 s3, s30;
	(pc) =	sbr.rel @p0 .LBB2_2-.Ltmp0, $4  }
0x1d: {  	s0 =	sadd.s32 $0x1, s0;
	s3 =	sand.u32 $0xFFFF, s3  }
0x1e: {  	s30 =	sshrl.u32 s2, $0x2;
	s11 =	sshll.u32 s3, $0x4;
	s3 =	smov.u32 s21  }
0x1f: {  	s2 =	sshrl.u32 s31, $0x12;
	s11 =	sadd.s32 s11, s30  }
0x20: {  	s30 =	smul.u32 $0x5, s2;
	[tilespmem:s11+$0xD300] =	vst v1  }
0x21: {  	_ = 	snop  }
0x22: {  	s2 =	smul.u32 $0x140, s2;
	s0 =	ssub.s32 s3, s30  }
0x23: {  	s0 =	sand.u32 $0xFFFF, s0  }
0x24: {  	s2 =	sshrl.u32 s2, $0x2;
	s0 =	sshll.u32 s0, $0x4  }
0x25: {  	s0 =	sadd.s32 s0, s2  }
0x26: {  	[tilespmem:s0+$0xD300] =	vst v1  }
0x27: {  	[spmem:s6] =	stream.linear.scatter [tilespmem:s19], [sflag:$0x3], $0x2800, $0x38;
	[tilespmem:$0x1C300] =	vst v63  }
0x28: {  	_ =	swait.ge [sflag:s20], $0x2800  }
0x29: {  	[sflag:s20] =	ssyncset.done $0x0  }
0x2a: {  	[sflag:s20] =	ssyncadd.s32 $0xFFFFD800  }
0x2b: {  	[spmem:s7] =	stream.linear.scatter [tilespmem:s19], [sflag:$0x3], $0x2800, $0x38;
	[tilespmem:$0x1C300] =	vst v63  }
0x2c: {  	_ =	swait.ge [sflag:s20], $0x2800  }
0x2d: {  	[sflag:s20] =	ssyncset.done $0x0  }
0x2e: {  	[sflag:s20] =	ssyncadd.s32 $0xFFFFD800  }
0x2f: {  	[spmem:s8] =	stream.linear.scatter [tilespmem:s19], [sflag:$0x3], $0x2800, $0x38;
	[tilespmem:$0x1C300] =	vst v63  }
0x30: {  	_ =	swait.ge [sflag:s20], $0x2800  }
0x31: {  	[sflag:s20] =	ssyncset.done $0x0  }
0x32: {  	[sflag:s20] =	ssyncadd.s32 $0xFFFFD800  }
0x33: {  	[spmem:s9] =	stream.linear.scatter [tilespmem:s19], [sflag:$0x3], $0x2800, $0x38;
	[tilespmem:$0x1C300] =	vst v63  }
0x34: {  	_ =	swait.ge [sflag:s20], $0x2800  }
0x35: {  	[sflag:s20] =	ssyncset.done $0x0  }
0x36: {  	[sflag:s20] =	ssyncadd.s32 $0xFFFFD800  }
0x37: {  	[spmem:s10] =	stream.linear.scatter [tilespmem:s19], [sflag:$0x3], $0x2800, $0x38;
	[tilespmem:$0x1C300] =	vst v63  }
0x38: {  	_ =	swait.ge [sflag:s20], $0x2800  }
0x39: {  	[sflag:s20] =	ssyncset.done $0x0  }
0x3a: {  	[sflag:s20] =	ssyncadd.s32 $0xFFFFD800  }
0x3b: {  	[bflag:$0x0] =	sbarrier.arrive $0xFFFF  }
0x3c: {  	s30 =	simm.s32 $0x0;
	s21 =	rddreg [dreg:$0x4]  }
0x3d: {  	[tilespmem:s30], [sflag:$0x3] =	stream.linear.gather [hbm4b:s21+s30], $0x5100, $0x38;
	[tilespmem:$0x1C300] =	vst v63  }
0x3e: {  	_ =	swait.ge [sflag:s20], $0x5100  }
0x3f: {  	[sflag:s20] =	ssyncset.done $0x0  }
0x40: {  	s31 =	simm.s32 $0x5100;
	[sflag:s20] =	ssyncadd.s32 $0xFFFFAF00  }
0x41: {  	[tilespmem:s31], [sflag:$0x3] =	stream.linear.gather [hbm4b:s12+s30], $0x5100, $0x38;
	[tilespmem:$0x1C300] =	vst v63  }
0x42: {  	_ =	swait.ge [sflag:s20], $0x5100  }
0x43: {  	[sflag:s20] =	ssyncset.done $0x0  }
0x44: {  	[sflag:s20] =	ssyncadd.s32 $0xFFFFAF00  }
.LBB2_4:
0x45: {  	s2 =	sshll.u32 s30, $0x7  }
0x46: {  	v6 =	vld [tilespmem:s2+$0x0];
	_ =	sdelay $0x4  }
0x47: {  	v6 =	vadd.s32 v0, v6  }
0x48: {  	[tilespmem:$0xA200] =	vst v6  }
0x49: {  	v6 =	vld [tilespmem:s2+$0x5100];
	_ =	sdelay $0x4  }
0x4a: {  	v6 =	vadd.s32 v0, v6  }
0x4b: {  	[tilespmem:$0xA280] =	vst v6  }
0x4c: {  	v6 =	vld [tilespmem:s2+$0x10];
	_ =	sdelay $0x4  }
0x4d: {  	v6 =	vadd.s32 v0, v6  }
0x4e: {  	[tilespmem:$0xA210] =	vst v6  }
0x4f: {  	v6 =	vld [tilespmem:s2+$0x5110];
	_ =	sdelay $0x4  }
0x50: {  	v6 =	vadd.s32 v0, v6  }
0x51: {  	[tilespmem:$0xA290] =	vst v6  }
0x52: {  	v6 =	vld [tilespmem:s2+$0x20];
	_ =	sdelay $0x4  }
0x53: {  	v6 =	vadd.s32 v0, v6  }
0x54: {  	[tilespmem:$0xA220] =	vst v6  }
0x55: {  	v6 =	vld [tilespmem:s2+$0x5120];
	_ =	sdelay $0x4  }
0x56: {  	v6 =	vadd.s32 v0, v6  }
0x57: {  	[tilespmem:$0xA2A0] =	vst v6  }
0x58: {  	v6 =	vld [tilespmem:s2+$0x30];
	_ =	sdelay $0x4  }
0x59: {  	v6 =	vadd.s32 v0, v6  }
0x5a: {  	[tilespmem:$0xA230] =	vst v6  }
0x5b: {  	v6 =	vld [tilespmem:s2+$0x5130];
	_ =	sdelay $0x4  }
0x5c: {  	v6 =	vadd.s32 v0, v6  }
0x5d: {  	[tilespmem:$0xA2B0] =	vst v6  }
0x5e: {  	v6 =	vld [tilespmem:s2+$0x40];
	_ =	sdelay $0x4  }
0x5f: {  	v6 =	vadd.s32 v0, v6  }
0x60: {  	[tilespmem:$0xA240] =	vst v6  }
0x61: {  	v6 =	vld [tilespmem:s2+$0x5140];
	_ =	sdelay $0x4  }
0x62: {  	v6 =	vadd.s32 v0, v6  }
0x63: {  	[tilespmem:$0xA2C0] =	vst v6  }
0x64: {  	v6 =	vld [tilespmem:s2+$0x50];
	_ =	sdelay $0x4  }
0x65: {  	v6 =	vadd.s32 v0, v6  }
0x66: {  	[tilespmem:$0xA250] =	vst v6  }
0x67: {  	v6 =	vld [tilespmem:s2+$0x5150];
	_ =	sdelay $0x4  }
0x68: {  	v6 =	vadd.s32 v0, v6  }
0x69: {  	[tilespmem:$0xA2D0] =	vst v6  }
0x6a: {  	v6 =	vld [tilespmem:s2+$0x60];
	_ =	sdelay $0x4  }
0x6b: {  	v6 =	vadd.s32 v0, v6  }
0x6c: {  	[tilespmem:$0xA260] =	vst v6  }
0x6d: {  	v6 =	vld [tilespmem:s2+$0x5160];
	_ =	sdelay $0x4  }
0x6e: {  	v6 =	vadd.s32 v0, v6  }
0x6f: {  	[tilespmem:$0xA2E0] =	vst v6  }
0x70: {  	v6 =	vld [tilespmem:s2+$0x70];
	_ =	sdelay $0x4  }
0x71: {  	v6 =	vadd.s32 v0, v6  }
0x72: {  	[tilespmem:$0xA270] =	vst v6  }
0x73: {  	v6 =	vld [tilespmem:s2+$0x5170];
	_ =	sdelay $0x4  }
0x74: {  	v6 =	vadd.s32 v0, v6  }
0x75: {  	[tilespmem:$0xA2F0] =	vst v6  }
0x76: {  	[tilespmem:s24], [sflag:$0x1] =	stream.indirect.gather [hbm4b:s4+s22], $0x50, s23, s22, $0xb8;
	[tilespmem:$0x1C300] =	vst v63  }
0x77: {  	s3 =	simm.s32 $0xCB00  }
0x78: {  	[tilespmem:s3], [sflag:$0x2] =	stream.indirect.gather [hbm4b:s5+s22], $0x10, s25, s22, $0xb8;
	[tilespmem:$0x1C300] =	vst v63  }
0x79: {  	_ =	swait.ge [sflag:s26], $0x2800  }
0x7a: {  	[sflag:s26] =	ssyncset.done $0x0  }
0x7b: {  	[sflag:s26] =	ssyncadd.s32 $0xFFFFD800  }
0x7c: {  	_ =	swait.ge [sflag:s28], $0x800  }
0x7d: {  	[sflag:s28] =	ssyncset.done $0x0  }
0x7e: {  	s0 =	simm.s32 $0x0;
	[sflag:s28] =	ssyncadd.s32 $0xFFFFF800  }
0x7f: {  	s31 =	sadd.s32 $0x5100, s2;
	s2 =	simm.s32 $0x140;
	v6 =	vld [tilespmem:s0+$0xA340]  }
.LBB2_5:
0x80: {  	p0 =	sne.s32 s2, $0x9EC0;
	v7 =	vld [tilespmem:s3+$0x0];
	_ =	sdelay $0x4  }
0x81: {  	v6 =	vadd.f32 v7, v6;
	_ =	sdelay $0x1  }
0x82: {  	v7 =	vmul.f32 $2.000000030e-01, v6  }
0x83: {  	vm0 =	vge.f32 v6, $0.0e+00  }
0x84: {  	v6 =	vsel vm0, v6, v7  }
0x85: {  	v6 =	vmul.f32 $1.442695020e+00, v6;
	_ =	sdelay $0x1  }
0x86: {  	(erf) = vpow2.f32 v6;
	_ =	sdelay $0x4  }
0x87: {  	v6 =	vld [tilespmem:s0+$0xA300]  }
0x88: {  	v7 =	vld [tilespmem:s0+$0xA310]  }
0x89: {  	v8 =	vld [tilespmem:s0+$0xA320]  }
0x8a: {  	v9 =	vld [tilespmem:s0+$0xA330]  }
0x8b: {  	v10 =	vpop (erf)  }
0x8c: {  	[tilespmem:s0+$0xD340] =	vst v10;
	v11 =	vperm.xlane v10, v2;
	v12 =	vperm.xlane v10, v3  }
0x8d: {  	v13 =	vperm.xlane v10, v4;
	v10 =	vperm.xlane v10, v5  }
0x8e: {  	v6 =	vmul.f32 v6, v11;
	v7 =	vmul.f32 v7, v12  }
.Ltmp1:
0x8f: {  	v8 =	vmul.f32 v8, v13;
	v9 =	vmul.f32 v9, v10;
	(pc) =	sbr.rel @p0 .LBB2_5-.Ltmp1, $4  }
0x90: {  	[tilespmem:s0+$0xD300] =	vst v6  }
0x91: {  	[tilespmem:s0+$0xD310] =	vst v7  }
0x92: {  	s11 =	sshra.s32 s2, $0x2;
	[tilespmem:s0+$0xD320] =	vst v8  }
0x93: {  	s2 =	sadd.s32 $0x140, s2;
	s3 =	sadd.s32 $0x10, s3;
	v6 =	vld [tilespmem:s11+$0xA340];
	[tilespmem:s0+$0xD330] =	vst v9;
	s0 =	smov.u32 s11  }
0x94: {  	v7 =	vld [tilespmem:s3+$0x0];
	_ =	sdelay $0x4  }
0x95: {  	v6 =	vadd.f32 v7, v6;
	_ =	sdelay $0x1  }
0x96: {  	v7 =	vmul.f32 $2.000000030e-01, v6  }
0x97: {  	vm0 =	vge.f32 v6, $0.0e+00  }
0x98: {  	v6 =	vsel vm0, v6, v7  }
0x99: {  	v6 =	vmul.f32 $1.442695020e+00, v6;
	_ =	sdelay $0x1  }
0x9a: {  	(erf) = vpow2.f32 v6;
	_ =	sdelay $0x6  }
0x9b: {  	v6 =	vld [tilespmem:s0+$0xA300]  }
0x9c: {  	v7 =	vld [tilespmem:s0+$0xA310]  }
0x9d: {  	v8 =	vld [tilespmem:s0+$0xA320];
	v9 =	vpop (erf)  }
0x9e: {  	v10 =	vld [tilespmem:s0+$0xA330];
	v11 =	vperm.xlane v9, v2  }
0x9f: {  	v12 =	vperm.xlane v9, v3  }
0xa0: {  	v13 =	vperm.xlane v9, v4;
	v6 =	vmul.f32 v6, v11  }
0xa1: {  	[tilespmem:s0+$0xD340] =	vst v9;
	v9 =	vperm.xlane v9, v5;
	v7 =	vmul.f32 v7, v12  }
0xa2: {  	v8 =	vmul.f32 v8, v13;
	[tilespmem:s0+$0xD300] =	vst v6  }
0xa3: {  	s30 =	sadd.s32 $0x1, s30;
	v6 =	vmul.f32 v10, v9;
	[tilespmem:s0+$0xD310] =	vst v7  }
0xa4: {  	p0 =	sne.s32 s30, $0xA2;
	[tilespmem:s0+$0xD320] =	vst v8  }
.Ltmp2:
0xa5: {  	[tilespmem:s0+$0xD330] =	vst v6;
	(pc) =	sbr.rel @p0 .LBB2_4-.Ltmp2, $4  }
0xa6: {  	[spmem:s1] =	stream.indirect.scatter.add.f32 [tilespmem:s19], [sflag:$0x3], $0x50, s31, s22, $0xb8;
	[tilespmem:$0x1C300] =	vst v63  }
0xa7: {  	_ =	swait.ge [sflag:s20], $0x2800  }
0xa8: {  	[sflag:s20] =	ssyncset.done $0x0  }
0xa9: {  	[sflag:s20] =	ssyncadd.s32 $0xFFFFD800  }
0xaa: {  	s0 =	stileid.u32  }
0xab: {  	s0 =	sshll.u32 s0, $0x6  }
0xac: {  	[bflag:$0x0] =	sbarrier.arrive $0xFFFF;
	s2 =	sshrl.u32 s6, $0x3;
	s0 =	sor.u32 $0x1C03, s0  }
0xad: {  	[hbm:s13], [sflag:s0] =	dma.local [spmem:s2], $0x500  }
0xae: {  	_ =	swait.ge [sflag:s20], $0x500  }
0xaf: {  	[sflag:s20] =	ssyncset.done $0x0  }
0xb0: {  	s11 =	sshrl.u32 s7, $0x3;
	[sflag:s20] =	ssyncadd.s32 $0xFFFFFB00  }
0xb1: {  	[hbm:s14], [sflag:s0] =	dma.local [spmem:s11], $0x500  }
0xb2: {  	_ =	swait.ge [sflag:s20], $0x500  }
0xb3: {  	[sflag:s20] =	ssyncset.done $0x0  }
0xb4: {  	s21 =	sshrl.u32 s8, $0x3;
	[sflag:s20] =	ssyncadd.s32 $0xFFFFFB00  }
0xb5: {  	[hbm:s15], [sflag:s0] =	dma.local [spmem:s21], $0x500  }
0xb6: {  	_ =	swait.ge [sflag:s20], $0x500  }
0xb7: {  	[sflag:s20] =	ssyncset.done $0x0  }
0xb8: {  	s30 =	sshrl.u32 s9, $0x3;
	[sflag:s20] =	ssyncadd.s32 $0xFFFFFB00  }
0xb9: {  	[hbm:s16], [sflag:s0] =	dma.local [spmem:s30], $0x500  }
0xba: {  	s29 =	sadd.s32 $0x1, s29;
	_ =	swait.ge [sflag:s20], $0x500  }
0xbb: {  	p0 =	sne.s32 s29, s18;
	[sflag:s20] =	ssyncset.done $0x0  }
.Ltmp3:
0xbc: {  	s31 =	sshrl.u32 s10, $0x3;
	[sflag:s20] =	ssyncadd.s32 $0xFFFFFB00;
	(pc) =	sbr.rel @p0 .LBB2_1-.Ltmp3, $4  }
0xbd: {  	[hbm:s17], [sflag:s0] =	dma.local [spmem:s31], $0x500  }
0xbe: {  	_ =	swait.ge [sflag:s20], $0x500  }
0xbf: {  	[sflag:s20] =	ssyncset.done $0x0  }
0xc0: {  	[sflag:s20] =	ssyncadd.s32 $0xFFFFFB00  }
0xc1: {  	_ =	sfence.sel $0x180000  }
0xc2: {  	[bflag:$0x0] =	sbarrier.arrive $0xFFFF  }
0xc3: {  	_ =	strace $0x9000004A  }
0xc4: {  	s0 =	stileid.u32;
	[bflag:$0x2] =	sbarrier.arrive $0xFFFF  }
0xc5: {  	p0 =	sne.s32 s0, $0x0;
	s0 =	rddreg [dreg:$0x3]  }
0xc6: {  	s0 =	sadd.s32 @!p0 $0x100000, s0  }
0xc7: {  	[sflag:s0] =	ssyncadd.tile.s32 @!p0 $0x1;
	_ =	shalt  }
.Lfunc_end2:
_tile_overlayer_lowered:
.L_overlay_start_2:
0xc8: {  	(tag) =	ssettag $0x2  }
0xc9: {  	s0 =	rddreg [dreg:$0x0];
	s2 =	stileid.u32  }
0xca: {  	s1 =	rddreg [dreg:$0x1];
	p0 =	sne.s32 s2, $0x0  }
0xcb: {  	s3 =	rddreg [dreg:$0x2];
	[bflag:$0x3] =	sbarrier.arrive $0xFFFF;
	s2 =	simm.s32 @!p0 $0x1C03  }
0xcc: {  	[timem:s3], [sflag:s2] =	dma.local @!p0 [hbm:s0], s1  }
0xcd: {  	s0 =	simm.s32 @!p0 $0x3  }
0xce: {  	_ =	swait.ge @!p0 [sflag:s0], s1  }
0xcf: {  	s1 =	ssub.s32 @!p0 $0x0, s1;
	[sflag:s0] =	ssyncset.done @!p0 $0x0  }
0xd0: {  	[sflag:s0] =	ssyncadd.s32 @!p0 s1  }
0xd1: {  	[bflag:$0x3] =	sbarrier.arrive $0xFFFF  }
0xd2: {  	_ =	shalt  }

// kernel: kernel.15.cloned.1.call-start
scs
__scs_entry_jumppad:
0x0: {  	(pc) =	sbr.rel $0x88, $3  }
0x1: {  	(tag) =	ssettag $0x0;
	lr =	simm.s32 $0x1  }
0x2: {  	[smem:$0x3F93] =	sst lr;
	_ =	strace $0xD0000000  }
0x3: {  	_ = 	snop  }
0x4: {  	_ = 	snop  }
0x5: {  	_ = 	snop  }
0x6: {  	_ = 	snop  }
0x7: {  	_ = 	snop  }
__scs_overlays_trampoline_lowered:
0x8: {  	[smem:$0x3FA2] =	sst s0  }
0x9: {  	[smem:$0x3FA3] =	sst s1  }
0xa: {  	[smem:$0x3FA4] =	sst s2  }
0xb: {  	[smem:$0x3FA5] =	sst s3  }
0xc: {  	[smem:$0x3FA6] =	sst s4  }
0xd: {  	[smem:$0x3FA7] =	sst s5  }
0xe: {  	[smem:$0x3FA8] =	sst s6  }
0xf: {  	[smem:$0x3FA9] =	sst s7  }
0x10: {  	[smem:$0x3FAA] =	sst s8  }
0x11: {  	[smem:$0x3FAB] =	sst s9;
	s0 =	simm.s32 @!p0 $0x0  }
0x12: {  	s1 =	sld [smem:$0x3F91];
	s0 =	simm.s32 @p0 $0x1  }
0x13: {  	[smem:$0x3FAC] =	sst s0;
	s0 =	simm.s32 @!p1 $0x0  }
0x14: {  	s2 =	sld [smem:$0x3F90];
	s0 =	simm.s32 @p1 $0x1  }
0x15: {  	[smem:$0x3FAD] =	sst s0;
	s0 =	simm.s32 @!p2 $0x0  }
0x16: {  	s3 =	sld [smem:$0x3FDB];
	s0 =	simm.s32 @p2 $0x1  }
0x17: {  	s4 =	simm.s32 $0x1BF5;
	[smem:$0x3FAF] =	sst s0  }
0x18: {  	s0 =	sld [smem:$0x3F92];
	_ =	swait.ge [sflag:s4], $0x0  }
0x19: {  	s7 =	sld [smem:$0x3F93]  }
0x1a: {  	s8 =	sadd.s32 $0xFFFFE003, lr  }
0x1b: {  	s9 =	sadd.s32 $0xFFFFFEF7, lr;
	s5 =	simm.s32 $0xFFFFFFFF;
	p2 =	slt.u32 s8, $0xFFFFF086  }
0x1c: {  	p1 =	slt.u32 s9, $0xF7A;
	s5 =	simm.s32 @!p2 $0x0  }
0x1d: {  	s5 =	simm.s32 @p1 $0x1;
	p0 =	seq.s32 s7, s2  }
0x1e: {  	s7 =	smul.u32 @!p0 $0xF7A, s2;
	p2 =	seq.s32 @!p0 s5, $0x0  }
0x1f: {  	s9 =	smul.u32 $0xF7A, s1;
	s8 =	simm.s32 @!p0 $0x1BF5;
	p2 =	por !p2, p0  }
0x20: {  	[sflag:s8] =	ssyncset.s32 @!p0 $0xFFFFF086;
	s6 =	sadd.s32 @!p0 s3, s7;
	s7 =	simm.s32 @!p0 $0x108  }
0x21: {  	s3 =	sadd.s32 s3, s9;
	s6 =	sadd.s32 @!p0 $0x88, s6;
	s7 =	simm.s32 @p2 $0x1082  }
0x22: {  	[simem:s7], [sflag:s8] =	dma.local @!p0 [hbm:s6], $0xF7A  }
0x23: {  	s9 =	sor.u32 $0xD0000000, s2;
	s6 =	simm.s32 $0x108;
	_ =	swait.ge @!p0 [sflag:s8], $0x0  }
0x24: {  	s3 =	sadd.s32 $0x88, s3;
	s6 =	simm.s32 @!p1 $0x1082;
	[sflag:s4] =	ssyncset.s32 $0xFFFFF086  }
0x25: {  	[simem:s6], [sflag:s4] =	dma.local [hbm:s3], $0xF7A  }
0x26: {  	[smem:$0x3F93] =	sst s1;
	(tag) =	ssettag s2;
	_ =	strace s9  }
0x27: {  	s1 =	sld [smem:$0x3FA3]  }
0x28: {  	s2 =	sld [smem:$0x3FA4]  }
0x29: {  	s4 =	sld [smem:$0x3FA6]  }
0x2a: {  	p0 =	seq.s32 s5, $0x0;
	s5 =	sld [smem:$0x3FA7]  }
0x2b: {  	s6 =	sld [smem:$0x3FA8]  }
0x2c: {  	s7 =	sld [smem:$0x3FA9]  }
0x2d: {  	s3 =	simm.s32 $0x108;
	s8 =	sld [smem:$0x3FAA]  }
0x2e: {  	s3 =	simm.s32 @!p0 $0x1082;
	s9 =	sld [smem:$0x3FAB]  }
0x2f: {  	lr =	sadd.s32 s0, s3;
	s0 =	sld [smem:$0x3FA2]  }
0x30: {  	s3 =	sld [smem:$0x3FA5]  }
0x31: {  	[smem:$0x3FAE] =	sst s10  }
0x32: {  	s10 =	sld [smem:$0x3FAC];
	_ =	sdelay $0x3  }
0x33: {  	p0 =	seq.s32 s10, $0x1;
	s10 =	sld [smem:$0x3FAE];
	_ =	sdelay $0x3  }
0x34: {  	[smem:$0x3FAE] =	sst s10  }
0x35: {  	s10 =	sld [smem:$0x3FAD];
	_ =	sdelay $0x3  }
0x36: {  	p1 =	seq.s32 s10, $0x1;
	s10 =	sld [smem:$0x3FAE];
	_ =	sdelay $0x3  }
0x37: {  	[smem:$0x3FAE] =	sst s10  }
0x38: {  	s10 =	sld [smem:$0x3FAF]  }
0x39: {  	_ = 	snop;
	(pc) =	sbr.ind lr, $3  }
0x3a: {  	_ = 	snop  }
0x3b: {  	_ = 	snop  }
0x3c: {  	p2 =	seq.s32 s10, $0x1;
	s10 =	sld [smem:$0x3FAE]  }
0x3d: {  	_ =	shalt  }
0x3e: {  	_ =	shalt  }
0x3f: {  	_ =	shalt  }
0x40: {  	_ =	shalt  }
0x41: {  	_ =	shalt  }
0x42: {  	_ =	shalt  }
0x43: {  	_ =	shalt  }
0x44: {  	_ =	shalt  }
0x45: {  	_ =	shalt  }
0x46: {  	_ =	shalt  }
0x47: {  	_ =	shalt  }
0x48: {  	_ =	shalt  }
0x49: {  	_ =	shalt  }
0x4a: {  	_ =	shalt  }
0x4b: {  	_ =	shalt  }
0x4c: {  	_ =	shalt  }
0x4d: {  	_ =	shalt  }
0x4e: {  	_ =	shalt  }
0x4f: {  	_ =	shalt  }
0x50: {  	_ =	shalt  }
0x51: {  	_ =	shalt  }
0x52: {  	_ =	shalt  }
0x53: {  	_ =	shalt  }
0x54: {  	_ =	shalt  }
0x55: {  	_ =	shalt  }
0x56: {  	_ =	shalt  }
0x57: {  	_ =	shalt  }
0x58: {  	_ =	shalt  }
0x59: {  	_ =	shalt  }
0x5a: {  	_ =	shalt  }
0x5b: {  	_ =	shalt  }
0x5c: {  	_ =	shalt  }
0x5d: {  	_ =	shalt  }
0x5e: {  	_ =	shalt  }
0x5f: {  	_ =	shalt  }
0x60: {  	_ =	shalt  }
0x61: {  	_ =	shalt  }
0x62: {  	_ =	shalt  }
0x63: {  	_ =	shalt  }
0x64: {  	_ =	shalt  }
0x65: {  	_ =	shalt  }
0x66: {  	_ =	shalt  }
0x67: {  	_ =	shalt  }
0x68: {  	_ =	shalt  }
0x69: {  	_ =	shalt  }
0x6a: {  	_ =	shalt  }
0x6b: {  	_ =	shalt  }
0x6c: {  	_ =	shalt  }
0x6d: {  	_ =	shalt  }
0x6e: {  	_ =	shalt  }
0x6f: {  	_ =	shalt  }
0x70: {  	_ =	shalt  }
0x71: {  	_ =	shalt  }
0x72: {  	_ =	shalt  }
0x73: {  	_ =	shalt  }
0x74: {  	_ =	shalt  }
0x75: {  	_ =	shalt  }
0x76: {  	_ =	shalt  }
0x77: {  	_ =	shalt  }
0x78: {  	_ =	shalt  }
0x79: {  	_ =	shalt  }
0x7a: {  	_ =	shalt  }
0x7b: {  	_ =	shalt  }
0x7c: {  	_ =	shalt  }
0x7d: {  	_ =	shalt  }
0x7e: {  	_ =	shalt  }
0x7f: {  	_ =	shalt  }
0x80: {  	_ =	shalt  }
0x81: {  	_ =	shalt  }
0x82: {  	_ =	shalt  }
0x83: {  	_ =	shalt  }
0x84: {  	_ =	shalt  }
0x85: {  	_ =	shalt  }
0x86: {  	_ =	shalt  }
0x87: {  	_ =	shalt  }
.Lfunc_end0:
.L_simem_size_0:
called_computation.2_lowered:
.L_overlay_start_0:
0x88: {  	s2 =	sld [smem:$0x3FD9]  }
0x89: {  	s3 =	sld [smem:$0x3FFE];
	_ =	sdelay $0x1  }
0x8a: {  	s1 =	srdreg.scid  }
0x8b: {  	s0 =	sand.u32 $0x1, s1  }
0x8c: {  	s17 =	sshll.u32 s0, $0xA;
	s2 =	sadd.s32 s3, s2  }
0x8d: {  	s2 =	sadd.s32 s2, s17  }
0x8e: {  	[smem:$0x3FBA] =	sst s2  }
0x8f: {  	_ = 	snop  }
0x90: {  	s2 =	sld [smem:$0x3FD0];
	(tm) =	ssettm $0x1  }
0x91: {  	s18 =	sld [smem:$0x3FFB];
	_ =	sdelay $0x3  }
0x92: {  	_ =	strace s18  }
0x93: {  	s3 =	sld [smem:$0x3FFC];
	_ =	sdelay $0x3  }
0x94: {  	_ =	strace s3  }
0x95: {  	s3 =	sld [smem:$0x3FFD];
	_ =	sdelay $0x3  }
0x96: {  	_ =	strace s3  }
0x97: {  	_ =	strace $0x8FFFFFFF  }
0x98: {  	s19 =	sld [smem:$0x3FDB];
	_ =	sdelay $0x1  }
0x99: {  	s4 =	simm.s32 $_scs_section_size  }
0x9a: {  	s5 =	simm.s32 $_size__tile_overlayer_lowered;
	s6 =	simm.s32 $_tile_overlayer_lowered  }
0x9b: {  	s22 =	simm.s32 $0x1BFF;
	s21 =	sshll.u32 s6, $0x1;
	s3 =	sadd.s32 s4, s19  }
0x9c: {  	s7 =	simm.s32 $0x0;
	s20 =	sshll.u32 s5, $0x1;
	s5 =	sadd.s32 s21, s3  }
0x9d: {  	[timem:s7], [sflag:s22] =	dma.local [hbm:s5], s20  }
0x9e: {  	_ =	swait.ge [sflag:s22], s20  }
0x9f: {  	s4 =	ssub.s32 $0x0, s20;
	[sflag:s22] =	ssyncset.done $0x0  }
0xa0: {  	[sflag:s22] =	ssyncadd.s32 s4;
	_ =	sdelay $0x1  }
0xa1: {  	s23 =	simm.s32 $0x1B8B  }
0xa2: {  	_ =	swait.ge [sflag:s23], $0x1  }
0xa3: {  	[sflag:s23] =	ssyncset.done $0x0  }
0xa4: {  	s25 =	simm.s32 $0x1B8E;
	s24 =	sld [smem:$0x3FFE];
	[sflag:s23] =	ssyncadd.s32 $0xFFFFFFFF  }
0xa5: {  	s26 =	simm.s32 $execute0_lowered;
	[smem:$0x3FD2] =	sst s25  }
0xa6: {  	s5 =	sshll.u32 s26, $0x1;
	_ =	strace $0x8000004C;
	[dreg:$0x1] =	wrdreg $0xFFFFFFFF  }
0xa7: {  	s28 =	simm.s32 $_size_execute0_lowered;
	s3 =	sadd.s32 s3, s5;
	[dreg:$0x0] =	wrdreg $0x0  }
0xa8: {  	s5 =	sshll.u32 s28, $0x1;
	[dreg:$0x2] =	wrdreg s3  }
0xa9: {  	[dreg:$0x3] =	wrdreg s5  }
0xaa: {  	[dreg:$0x4] =	wrdreg $0xC0  }
0xab: {  	_ =	task [dreg:s7], $0x5FFFF  }
0xac: {  	[dreg:$0x1] =	wrdreg $0xFFFFFFFF  }
0xad: {  	[dreg:$0x0] =	wrdreg $0x60  }
0xae: {  	[dreg:$0x2] =	wrdreg s24  }
0xaf: {  	[dreg:$0x3] =	wrdreg s2  }
0xb0: {  	[dreg:$0x4] =	wrdreg $0xFB000  }
0xb1: {  	[dreg:$0x5] =	wrdreg $0x9  }
0xb2: {  	_ =	task.clear_ibuf [dreg:s7], $0x6FFFF;
	_ =	strace $0x9000004C  }
0xb3: {  	s29 =	simm.s32 $0x9;
	_ =	strace $0x8000004E  }
0xb4: {  	_ =	swait.ge [sflag:s29], $0x1  }
0xb5: {  	[sflag:s29] =	ssyncadd.s32 $0xFFFFFFFF  }
0xb6: {  	_ =	strace $0x9000004E  }
0xb7: {  	_ =	sfence  }
0xb8: {  	s30 =	sld [smem:$0x0];
	_ =	sdelay $0x2  }
0xb9: {  	s31 =	sshll.u32 s1, $0xD;
	s1 =	sshrl.u32 s1, $0x2  }
0xba: {  	s3 =	sand.u32 $0x4000, s31;
	s1 =	sadd.s32 s1, s30  }
0xbb: {  	s0 =	sor.u32 s3, s0;
	s1 =	sshll.u32 s1, $0x11  }
0xbc: {  	s0 =	sor.u32 s1, s0  }
0xbd: {  	s0 =	sadd.s32 $0x8F2B, s0  }
0xbe: {  	[sflag:s0] =	ssyncadd.remote.s32 $0x1  }
0xbf: {  	_ =	sfence.sel $0xFFFF  }
0xc0: {  	[dreg:$0x0] =	wrdreg $0xFFFFFFFF;
	(pc) =	sbr.abs _section_cstart, $3  }
0xc1: {  	[dreg:$0x1] =	wrdreg $0xFFFFFFFF  }
0xc2: {  	_ =	task.clear_ibuf [dreg:s7], $0x2FFFF;
	_ =	strace $0x9FFFFFFF  }
0xc3: {  	(tm) =	ssettm $0x7FFFFFFF  }
tec
execute0_lowered:
.L_overlay_start_1:
0x0: {  	(tag) =	ssettag $0x1  }
0x1: {  	s0 =	rddreg [dreg:$0x0]  }
0x2: {  	s2 =	rddreg [dreg:$0x1]  }
0x3: {  	s1 =	rddreg [dreg:$0x2]  }
0x4: {  	s3 =	simm.s32 $0x0;
	s23 =	srdreg.scid;
	s8 =	stileid.u32  }
0x5: {  	s19 =	simm.s32 $0xD300;
	s20 =	simm.s32 $0x3;
	s22 =	simm.s32 $0x80  }
0x6: {  	s28 =	simm.s32 $0x2;
	s29 =	simm.s32 $0x0;
	s11 =	smul.u32 $0xA20, s8  }
0x7: {  	[smem:$0x7FF] =	sst s3;
	s3 =	sand.u32 $0x1, s23;
	s12 =	smul.u32 $0xC800, s8  }
0x8: {  	s4 =	sadd.s32 $0x17400, s0;
	s5 =	sadd.s32 $0x3200, s0;
	s23 =	smul.u32 $0x2800, s3  }
0x9: {  	_ =	strace $0x8000004D;
	s6 =	ssub.s32 $0x2, s3;
	s3 =	smul.u32 $0xC8000, s3  }
0xa: {  	s7 =	sshrl.u32 s6, $0x1;
	s13 =	sadd.s32 s11, s0;
	s0 =	sadd.s32 $0x49400, s0  }
0xb: {  	s14 =	sadd.s32 $0x2800, s12;
	s15 =	sadd.s32 $0x5000, s12;
	s16 =	sadd.s32 $0x7800, s12  }
0xc: {  	s17 =	sadd.s32 $0xA000, s12;
	s2 =	sadd.s32 s2, s11;
	s18 =	ssub.s32 s6, s7  }
0xd: {  	s6 =	sadd.s32 s12, s1;
	s7 =	sadd.s32 s14, s1;
	s8 =	sadd.s32 s15, s1  }
0xe: {  	s9 =	sadd.s32 s16, s1;
	s10 =	sadd.s32 s17, s1;
	s12 =	sadd.s32 s12, s3  }
0xf: {  	[dreg:$0x4] =	wrdreg s2;
	s14 =	sadd.s32 s3, s14;
	s26 =	sadd.s32 s3, s15  }
0x10: {  	s30 =	sadd.s32 s3, s16;
	s3 =	sadd.s32 s3, s17;
	v0 =	vmov s23;
	s23 =	simm.s32 $0xA200  }
0x11: {  	s24 =	sshrl.u32 s12, $0x3;
	s12 =	sadd.s32 $0xD200, s13;
	s25 =	sshrl.u32 s14, $0x3  }
0x12: {  	s2 =	sshrl.u32 s26, $0x3;
	s16 =	sshrl.u32 s30, $0x3;
	s31 =	sshrl.u32 s3, $0x3  }
0x13: {  	s18 =	smax.u32 s18, $0x1;
	s26 =	simm.s32 $0x1;
	s13 =	sadd.s32 s0, s24  }
0x14: {  	v1 =	vimm.f32 $0.0e+00;
	v2 =	vimm.s32 $0x0;
	s14 =	sadd.s32 s0, s25;
	s15 =	sadd.s32 s0, s2;
	s16 =	sadd.s32 s0, s16  }
0x15: {  	v3 =	vimm.s32 $0x1;
	v4 =	vimm.s32 $0x2;
	v5 =	vimm.s32 $0x3;
	s17 =	sadd.s32 s0, s31;
	s24 =	simm.s32 $0xA300;
	s25 =	simm.s32 $0xA280  }
.LBB2_1:
0x16: {  	s0 =	simm.s32 $0x0  }
0x17: {  	s0 =	smul.u32 $0xCCCD, s0;
	_ =	sdelay $0x1  }
0x18: {  	s2 =	sshrl.u32 s0, $0x12  }
0x19: {  	s3 =	simm.s32 $0x0;
	s0 =	simm.s32 $0x1;
	s30 =	smul.u32 $0x5, s2  }
.LBB2_2:
0x1a: {  	s31 =	smul.u32 $0xCCCD, s0  }
0x1b: {  	s21 =	smov.u32 s0;
	s2 =	smul.u32 $0x140, s2;
	p0 =	sne.s32 s0, $0x27F  }
.Ltmp0:
0x1c: {  	s3 =	ssub.s32 s3, s30;
	(pc) =	sbr.rel @p0 .LBB2_2-.Ltmp0, $4  }
0x1d: {  	s0 =	sadd.s32 $0x1, s0;
	s3 =	sand.u32 $0xFFFF, s3  }
0x1e: {  	s30 =	sshrl.u32 s2, $0x2;
	s11 =	sshll.u32 s3, $0x4;
	s3 =	smov.u32 s21  }
0x1f: {  	s2 =	sshrl.u32 s31, $0x12;
	s11 =	sadd.s32 s11, s30  }
0x20: {  	s30 =	smul.u32 $0x5, s2;
	[tilespmem:s11+$0xD300] =	vst v1  }
0x21: {  	_ = 	snop  }
0x22: {  	s2 =	smul.u32 $0x140, s2;
	s0 =	ssub.s32 s3, s30  }
0x23: {  	s0 =	sand.u32 $0xFFFF, s0  }
0x24: {  	s2 =	sshrl.u32 s2, $0x2;
	s0 =	sshll.u32 s0, $0x4  }
0x25: {  	s0 =	sadd.s32 s0, s2  }
0x26: {  	[tilespmem:s0+$0xD300] =	vst v1  }
0x27: {  	[spmem:s6] =	stream.linear.scatter [tilespmem:s19], [sflag:$0x3], $0x2800, $0x38;
	[tilespmem:$0x1C300] =	vst v63  }
0x28: {  	_ =	swait.ge [sflag:s20], $0x2800  }
0x29: {  	[sflag:s20] =	ssyncset.done $0x0  }
0x2a: {  	[sflag:s20] =	ssyncadd.s32 $0xFFFFD800  }
0x2b: {  	[spmem:s7] =	stream.linear.scatter [tilespmem:s19], [sflag:$0x3], $0x2800, $0x38;
	[tilespmem:$0x1C300] =	vst v63  }
0x2c: {  	_ =	swait.ge [sflag:s20], $0x2800  }
0x2d: {  	[sflag:s20] =	ssyncset.done $0x0  }
0x2e: {  	[sflag:s20] =	ssyncadd.s32 $0xFFFFD800  }
0x2f: {  	[spmem:s8] =	stream.linear.scatter [tilespmem:s19], [sflag:$0x3], $0x2800, $0x38;
	[tilespmem:$0x1C300] =	vst v63  }
0x30: {  	_ =	swait.ge [sflag:s20], $0x2800  }
0x31: {  	[sflag:s20] =	ssyncset.done $0x0  }
0x32: {  	[sflag:s20] =	ssyncadd.s32 $0xFFFFD800  }
0x33: {  	[spmem:s9] =	stream.linear.scatter [tilespmem:s19], [sflag:$0x3], $0x2800, $0x38;
	[tilespmem:$0x1C300] =	vst v63  }
0x34: {  	_ =	swait.ge [sflag:s20], $0x2800  }
0x35: {  	[sflag:s20] =	ssyncset.done $0x0  }
0x36: {  	[sflag:s20] =	ssyncadd.s32 $0xFFFFD800  }
0x37: {  	[spmem:s10] =	stream.linear.scatter [tilespmem:s19], [sflag:$0x3], $0x2800, $0x38;
	[tilespmem:$0x1C300] =	vst v63  }
0x38: {  	_ =	swait.ge [sflag:s20], $0x2800  }
0x39: {  	[sflag:s20] =	ssyncset.done $0x0  }
0x3a: {  	[sflag:s20] =	ssyncadd.s32 $0xFFFFD800  }
0x3b: {  	[bflag:$0x0] =	sbarrier.arrive $0xFFFF  }
0x3c: {  	s30 =	simm.s32 $0x0;
	s21 =	rddreg [dreg:$0x4]  }
0x3d: {  	[tilespmem:s30], [sflag:$0x3] =	stream.linear.gather [hbm4b:s21+s30], $0x5100, $0x38;
	[tilespmem:$0x1C300] =	vst v63  }
0x3e: {  	_ =	swait.ge [sflag:s20], $0x5100  }
0x3f: {  	[sflag:s20] =	ssyncset.done $0x0  }
0x40: {  	s31 =	simm.s32 $0x5100;
	[sflag:s20] =	ssyncadd.s32 $0xFFFFAF00  }
0x41: {  	[tilespmem:s31], [sflag:$0x3] =	stream.linear.gather [hbm4b:s12+s30], $0x5100, $0x38;
	[tilespmem:$0x1C300] =	vst v63  }
0x42: {  	_ =	swait.ge [sflag:s20], $0x5100  }
0x43: {  	[sflag:s20] =	ssyncset.done $0x0  }
0x44: {  	[sflag:s20] =	ssyncadd.s32 $0xFFFFAF00  }
.LBB2_4:
0x45: {  	s2 =	sshll.u32 s30, $0x7  }
0x46: {  	v6 =	vld [tilespmem:s2+$0x0];
	_ =	sdelay $0x4  }
0x47: {  	v6 =	vadd.s32 v0, v6  }
0x48: {  	[tilespmem:$0xA200] =	vst v6  }
0x49: {  	v6 =	vld [tilespmem:s2+$0x5100];
	_ =	sdelay $0x4  }
0x4a: {  	v6 =	vadd.s32 v0, v6  }
0x4b: {  	[tilespmem:$0xA280] =	vst v6  }
0x4c: {  	v6 =	vld [tilespmem:s2+$0x10];
	_ =	sdelay $0x4  }
0x4d: {  	v6 =	vadd.s32 v0, v6  }
0x4e: {  	[tilespmem:$0xA210] =	vst v6  }
0x4f: {  	v6 =	vld [tilespmem:s2+$0x5110];
	_ =	sdelay $0x4  }
0x50: {  	v6 =	vadd.s32 v0, v6  }
0x51: {  	[tilespmem:$0xA290] =	vst v6  }
0x52: {  	v6 =	vld [tilespmem:s2+$0x20];
	_ =	sdelay $0x4  }
0x53: {  	v6 =	vadd.s32 v0, v6  }
0x54: {  	[tilespmem:$0xA220] =	vst v6  }
0x55: {  	v6 =	vld [tilespmem:s2+$0x5120];
	_ =	sdelay $0x4  }
0x56: {  	v6 =	vadd.s32 v0, v6  }
0x57: {  	[tilespmem:$0xA2A0] =	vst v6  }
0x58: {  	v6 =	vld [tilespmem:s2+$0x30];
	_ =	sdelay $0x4  }
0x59: {  	v6 =	vadd.s32 v0, v6  }
0x5a: {  	[tilespmem:$0xA230] =	vst v6  }
0x5b: {  	v6 =	vld [tilespmem:s2+$0x5130];
	_ =	sdelay $0x4  }
0x5c: {  	v6 =	vadd.s32 v0, v6  }
0x5d: {  	[tilespmem:$0xA2B0] =	vst v6  }
0x5e: {  	v6 =	vld [tilespmem:s2+$0x40];
	_ =	sdelay $0x4  }
0x5f: {  	v6 =	vadd.s32 v0, v6  }
0x60: {  	[tilespmem:$0xA240] =	vst v6  }
0x61: {  	v6 =	vld [tilespmem:s2+$0x5140];
	_ =	sdelay $0x4  }
0x62: {  	v6 =	vadd.s32 v0, v6  }
0x63: {  	[tilespmem:$0xA2C0] =	vst v6  }
0x64: {  	v6 =	vld [tilespmem:s2+$0x50];
	_ =	sdelay $0x4  }
0x65: {  	v6 =	vadd.s32 v0, v6  }
0x66: {  	[tilespmem:$0xA250] =	vst v6  }
0x67: {  	v6 =	vld [tilespmem:s2+$0x5150];
	_ =	sdelay $0x4  }
0x68: {  	v6 =	vadd.s32 v0, v6  }
0x69: {  	[tilespmem:$0xA2D0] =	vst v6  }
0x6a: {  	v6 =	vld [tilespmem:s2+$0x60];
	_ =	sdelay $0x4  }
0x6b: {  	v6 =	vadd.s32 v0, v6  }
0x6c: {  	[tilespmem:$0xA260] =	vst v6  }
0x6d: {  	v6 =	vld [tilespmem:s2+$0x5160];
	_ =	sdelay $0x4  }
0x6e: {  	v6 =	vadd.s32 v0, v6  }
0x6f: {  	[tilespmem:$0xA2E0] =	vst v6  }
0x70: {  	v6 =	vld [tilespmem:s2+$0x70];
	_ =	sdelay $0x4  }
0x71: {  	v6 =	vadd.s32 v0, v6  }
0x72: {  	[tilespmem:$0xA270] =	vst v6  }
0x73: {  	v6 =	vld [tilespmem:s2+$0x5170];
	_ =	sdelay $0x4  }
0x74: {  	v6 =	vadd.s32 v0, v6  }
0x75: {  	[tilespmem:$0xA2F0] =	vst v6  }
0x76: {  	[tilespmem:s24], [sflag:$0x1] =	stream.indirect.gather [hbm4b:s4+s22], $0x50, s23, s22, $0xb8;
	[tilespmem:$0x1C300] =	vst v63  }
0x77: {  	s3 =	simm.s32 $0xCB00  }
0x78: {  	[tilespmem:s3], [sflag:$0x2] =	stream.indirect.gather [hbm4b:s5+s22], $0x10, s25, s22, $0xb8;
	[tilespmem:$0x1C300] =	vst v63  }
0x79: {  	_ =	swait.ge [sflag:s26], $0x2800  }
0x7a: {  	[sflag:s26] =	ssyncset.done $0x0  }
0x7b: {  	[sflag:s26] =	ssyncadd.s32 $0xFFFFD800  }
0x7c: {  	_ =	swait.ge [sflag:s28], $0x800  }
0x7d: {  	[sflag:s28] =	ssyncset.done $0x0  }
0x7e: {  	s0 =	simm.s32 $0x0;
	[sflag:s28] =	ssyncadd.s32 $0xFFFFF800  }
0x7f: {  	s31 =	sadd.s32 $0x5100, s2;
	s2 =	simm.s32 $0x140;
	v6 =	vld [tilespmem:s0+$0xA340]  }
.LBB2_5:
0x80: {  	p0 =	sne.s32 s2, $0x9EC0;
	v7 =	vld [tilespmem:s3+$0x0];
	_ =	sdelay $0x4  }
0x81: {  	v6 =	vadd.f32 v7, v6;
	_ =	sdelay $0x1  }
0x82: {  	v7 =	vmul.f32 $2.000000030e-01, v6  }
0x83: {  	vm0 =	vge.f32 v6, $0.0e+00  }
0x84: {  	v6 =	vsel vm0, v6, v7  }
0x85: {  	v6 =	vmul.f32 $1.442695020e+00, v6;
	_ =	sdelay $0x1  }
0x86: {  	(erf) = vpow2.f32 v6;
	_ =	sdelay $0x4  }
0x87: {  	v6 =	vld [tilespmem:s0+$0xA300]  }
0x88: {  	v7 =	vld [tilespmem:s0+$0xA310]  }
0x89: {  	v8 =	vld [tilespmem:s0+$0xA320]  }
0x8a: {  	v9 =	vld [tilespmem:s0+$0xA330]  }
0x8b: {  	v10 =	vpop (erf)  }
0x8c: {  	[tilespmem:s0+$0xD340] =	vst v10;
	v11 =	vperm.xlane v10, v2;
	v12 =	vperm.xlane v10, v3  }
0x8d: {  	v13 =	vperm.xlane v10, v4;
	v10 =	vperm.xlane v10, v5  }
0x8e: {  	v6 =	vmul.f32 v6, v11;
	v7 =	vmul.f32 v7, v12  }
.Ltmp1:
0x8f: {  	v8 =	vmul.f32 v8, v13;
	v9 =	vmul.f32 v9, v10;
	(pc) =	sbr.rel @p0 .LBB2_5-.Ltmp1, $4  }
0x90: {  	[tilespmem:s0+$0xD300] =	vst v6  }
0x91: {  	[tilespmem:s0+$0xD310] =	vst v7  }
0x92: {  	s11 =	sshra.s32 s2, $0x2;
	[tilespmem:s0+$0xD320] =	vst v8  }
0x93: {  	s2 =	sadd.s32 $0x140, s2;
	s3 =	sadd.s32 $0x10, s3;
	v6 =	vld [tilespmem:s11+$0xA340];
	[tilespmem:s0+$0xD330] =	vst v9;
	s0 =	smov.u32 s11  }
0x94: {  	v7 =	vld [tilespmem:s3+$0x0];
	_ =	sdelay $0x4  }
0x95: {  	v6 =	vadd.f32 v7, v6;
	_ =	sdelay $0x1  }
0x96: {  	v7 =	vmul.f32 $2.000000030e-01, v6  }
0x97: {  	vm0 =	vge.f32 v6, $0.0e+00  }
0x98: {  	v6 =	vsel vm0, v6, v7  }
0x99: {  	v6 =	vmul.f32 $1.442695020e+00, v6;
	_ =	sdelay $0x1  }
0x9a: {  	(erf) = vpow2.f32 v6;
	_ =	sdelay $0x6  }
0x9b: {  	v6 =	vld [tilespmem:s0+$0xA300]  }
0x9c: {  	v7 =	vld [tilespmem:s0+$0xA310]  }
0x9d: {  	v8 =	vld [tilespmem:s0+$0xA320];
	v9 =	vpop (erf)  }
0x9e: {  	v10 =	vld [tilespmem:s0+$0xA330];
	v11 =	vperm.xlane v9, v2  }
0x9f: {  	v12 =	vperm.xlane v9, v3  }
0xa0: {  	v13 =	vperm.xlane v9, v4;
	v6 =	vmul.f32 v6, v11  }
0xa1: {  	[tilespmem:s0+$0xD340] =	vst v9;
	v9 =	vperm.xlane v9, v5;
	v7 =	vmul.f32 v7, v12  }
0xa2: {  	v8 =	vmul.f32 v8, v13;
	[tilespmem:s0+$0xD300] =	vst v6  }
0xa3: {  	s30 =	sadd.s32 $0x1, s30;
	v6 =	vmul.f32 v10, v9;
	[tilespmem:s0+$0xD310] =	vst v7  }
0xa4: {  	p0 =	sne.s32 s30, $0xA2;
	[tilespmem:s0+$0xD320] =	vst v8  }
.Ltmp2:
0xa5: {  	[tilespmem:s0+$0xD330] =	vst v6;
	(pc) =	sbr.rel @p0 .LBB2_4-.Ltmp2, $4  }
0xa6: {  	[spmem:s1] =	stream.indirect.scatter.add.f32 [tilespmem:s19], [sflag:$0x3], $0x50, s31, s22, $0xb8;
	[tilespmem:$0x1C300] =	vst v63  }
0xa7: {  	_ =	swait.ge [sflag:s20], $0x2800  }
0xa8: {  	[sflag:s20] =	ssyncset.done $0x0  }
0xa9: {  	[sflag:s20] =	ssyncadd.s32 $0xFFFFD800  }
0xaa: {  	s0 =	stileid.u32  }
0xab: {  	s0 =	sshll.u32 s0, $0x6  }
0xac: {  	[bflag:$0x0] =	sbarrier.arrive $0xFFFF;
	s2 =	sshrl.u32 s6, $0x3;
	s0 =	sor.u32 $0x1C03, s0  }
0xad: {  	[hbm:s13], [sflag:s0] =	dma.local [spmem:s2], $0x500  }
0xae: {  	_ =	swait.ge [sflag:s20], $0x500  }
0xaf: {  	[sflag:s20] =	ssyncset.done $0x0  }
0xb0: {  	s11 =	sshrl.u32 s7, $0x3;
	[sflag:s20] =	ssyncadd.s32 $0xFFFFFB00  }
0xb1: {  	[hbm:s14], [sflag:s0] =	dma.local [spmem:s11], $0x500  }
0xb2: {  	_ =	swait.ge [sflag:s20], $0x500  }
0xb3: {  	[sflag:s20] =	ssyncset.done $0x0  }
0xb4: {  	s21 =	sshrl.u32 s8, $0x3;
	[sflag:s20] =	ssyncadd.s32 $0xFFFFFB00  }
0xb5: {  	[hbm:s15], [sflag:s0] =	dma.local [spmem:s21], $0x500  }
0xb6: {  	_ =	swait.ge [sflag:s20], $0x500  }
0xb7: {  	[sflag:s20] =	ssyncset.done $0x0  }
0xb8: {  	s30 =	sshrl.u32 s9, $0x3;
	[sflag:s20] =	ssyncadd.s32 $0xFFFFFB00  }
0xb9: {  	[hbm:s16], [sflag:s0] =	dma.local [spmem:s30], $0x500  }
0xba: {  	s29 =	sadd.s32 $0x1, s29;
	_ =	swait.ge [sflag:s20], $0x500  }
0xbb: {  	p0 =	sne.s32 s29, s18;
	[sflag:s20] =	ssyncset.done $0x0  }
.Ltmp3:
0xbc: {  	s31 =	sshrl.u32 s10, $0x3;
	[sflag:s20] =	ssyncadd.s32 $0xFFFFFB00;
	(pc) =	sbr.rel @p0 .LBB2_1-.Ltmp3, $4  }
0xbd: {  	[hbm:s17], [sflag:s0] =	dma.local [spmem:s31], $0x500  }
0xbe: {  	_ =	swait.ge [sflag:s20], $0x500  }
0xbf: {  	[sflag:s20] =	ssyncset.done $0x0  }
0xc0: {  	[sflag:s20] =	ssyncadd.s32 $0xFFFFFB00  }
0xc1: {  	_ =	sfence.sel $0x180000  }
0xc2: {  	[bflag:$0x0] =	sbarrier.arrive $0xFFFF  }
0xc3: {  	_ =	strace $0x9000004D  }
0xc4: {  	s0 =	stileid.u32;
	[bflag:$0x2] =	sbarrier.arrive $0xFFFF  }
0xc5: {  	p0 =	sne.s32 s0, $0x0;
	s0 =	rddreg [dreg:$0x3]  }
0xc6: {  	s0 =	sadd.s32 @!p0 $0x100000, s0  }
0xc7: {  	[sflag:s0] =	ssyncadd.tile.s32 @!p0 $0x1;
	_ =	shalt  }
.Lfunc_end2:
_tile_overlayer_lowered:
.L_overlay_start_2:
0xc8: {  	(tag) =	ssettag $0x2  }
0xc9: {  	s0 =	rddreg [dreg:$0x0];
	s2 =	stileid.u32  }
0xca: {  	s1 =	rddreg [dreg:$0x1];
	p0 =	sne.s32 s2, $0x0  }
0xcb: {  	s3 =	rddreg [dreg:$0x2];
	[bflag:$0x3] =	sbarrier.arrive $0xFFFF;
	s2 =	simm.s32 @!p0 $0x1C03  }
0xcc: {  	[timem:s3], [sflag:s2] =	dma.local @!p0 [hbm:s0], s1  }
0xcd: {  	s0 =	simm.s32 @!p0 $0x3  }
0xce: {  	_ =	swait.ge @!p0 [sflag:s0], s1  }
0xcf: {  	s1 =	ssub.s32 @!p0 $0x0, s1;
	[sflag:s0] =	ssyncset.done @!p0 $0x0  }
0xd0: {  	[sflag:s0] =	ssyncadd.s32 @!p0 s1  }
0xd1: {  	[bflag:$0x3] =	sbarrier.arrive $0xFFFF  }
0xd2: {  	_ =	shalt  }

// kernel: kernel.9.cloned.1.call-start
scs
__scs_entry_jumppad:
0x0: {  	(pc) =	sbr.rel $0x88, $3  }
0x1: {  	(tag) =	ssettag $0x0;
	lr =	simm.s32 $0x1  }
0x2: {  	[smem:$0x3F93] =	sst lr;
	_ =	strace $0xD0000000  }
0x3: {  	_ = 	snop  }
0x4: {  	_ = 	snop  }
0x5: {  	_ = 	snop  }
0x6: {  	_ = 	snop  }
0x7: {  	_ = 	snop  }
__scs_overlays_trampoline_lowered:
0x8: {  	[smem:$0x3FA2] =	sst s0  }
0x9: {  	[smem:$0x3FA3] =	sst s1  }
0xa: {  	[smem:$0x3FA4] =	sst s2  }
0xb: {  	[smem:$0x3FA5] =	sst s3  }
0xc: {  	[smem:$0x3FA6] =	sst s4  }
0xd: {  	[smem:$0x3FA7] =	sst s5  }
0xe: {  	[smem:$0x3FA8] =	sst s6  }
0xf: {  	[smem:$0x3FA9] =	sst s7  }
0x10: {  	[smem:$0x3FAA] =	sst s8  }
0x11: {  	[smem:$0x3FAB] =	sst s9;
	s0 =	simm.s32 @!p0 $0x0  }
0x12: {  	s1 =	sld [smem:$0x3F91];
	s0 =	simm.s32 @p0 $0x1  }
0x13: {  	[smem:$0x3FAC] =	sst s0;
	s0 =	simm.s32 @!p1 $0x0  }
0x14: {  	s2 =	sld [smem:$0x3F90];
	s0 =	simm.s32 @p1 $0x1  }
0x15: {  	[smem:$0x3FAD] =	sst s0;
	s0 =	simm.s32 @!p2 $0x0  }
0x16: {  	s3 =	sld [smem:$0x3FDB];
	s0 =	simm.s32 @p2 $0x1  }
0x17: {  	s4 =	simm.s32 $0x1BF5;
	[smem:$0x3FAF] =	sst s0  }
0x18: {  	s0 =	sld [smem:$0x3F92];
	_ =	swait.ge [sflag:s4], $0x0  }
0x19: {  	s7 =	sld [smem:$0x3F93]  }
0x1a: {  	s8 =	sadd.s32 $0xFFFFE003, lr  }
0x1b: {  	s9 =	sadd.s32 $0xFFFFFEF7, lr;
	s5 =	simm.s32 $0xFFFFFFFF;
	p2 =	slt.u32 s8, $0xFFFFF086  }
0x1c: {  	p1 =	slt.u32 s9, $0xF7A;
	s5 =	simm.s32 @!p2 $0x0  }
0x1d: {  	s5 =	simm.s32 @p1 $0x1;
	p0 =	seq.s32 s7, s2  }
0x1e: {  	s7 =	smul.u32 @!p0 $0xF7A, s2;
	p2 =	seq.s32 @!p0 s5, $0x0  }
0x1f: {  	s9 =	smul.u32 $0xF7A, s1;
	s8 =	simm.s32 @!p0 $0x1BF5;
	p2 =	por !p2, p0  }
0x20: {  	[sflag:s8] =	ssyncset.s32 @!p0 $0xFFFFF086;
	s6 =	sadd.s32 @!p0 s3, s7;
	s7 =	simm.s32 @!p0 $0x108  }
0x21: {  	s3 =	sadd.s32 s3, s9;
	s6 =	sadd.s32 @!p0 $0x88, s6;
	s7 =	simm.s32 @p2 $0x1082  }
0x22: {  	[simem:s7], [sflag:s8] =	dma.local @!p0 [hbm:s6], $0xF7A  }
0x23: {  	s9 =	sor.u32 $0xD0000000, s2;
	s6 =	simm.s32 $0x108;
	_ =	swait.ge @!p0 [sflag:s8], $0x0  }
0x24: {  	s3 =	sadd.s32 $0x88, s3;
	s6 =	simm.s32 @!p1 $0x1082;
	[sflag:s4] =	ssyncset.s32 $0xFFFFF086  }
0x25: {  	[simem:s6], [sflag:s4] =	dma.local [hbm:s3], $0xF7A  }
0x26: {  	[smem:$0x3F93] =	sst s1;
	(tag) =	ssettag s2;
	_ =	strace s9  }
0x27: {  	s1 =	sld [smem:$0x3FA3]  }
0x28: {  	s2 =	sld [smem:$0x3FA4]  }
0x29: {  	s4 =	sld [smem:$0x3FA6]  }
0x2a: {  	p0 =	seq.s32 s5, $0x0;
	s5 =	sld [smem:$0x3FA7]  }
0x2b: {  	s6 =	sld [smem:$0x3FA8]  }
0x2c: {  	s7 =	sld [smem:$0x3FA9]  }
0x2d: {  	s3 =	simm.s32 $0x108;
	s8 =	sld [smem:$0x3FAA]  }
0x2e: {  	s3 =	simm.s32 @!p0 $0x1082;
	s9 =	sld [smem:$0x3FAB]  }
0x2f: {  	lr =	sadd.s32 s0, s3;
	s0 =	sld [smem:$0x3FA2]  }
0x30: {  	s3 =	sld [smem:$0x3FA5]  }
0x31: {  	[smem:$0x3FAE] =	sst s10  }
0x32: {  	s10 =	sld [smem:$0x3FAC];
	_ =	sdelay $0x3  }
0x33: {  	p0 =	seq.s32 s10, $0x1;
	s10 =	sld [smem:$0x3FAE];
	_ =	sdelay $0x3  }
0x34: {  	[smem:$0x3FAE] =	sst s10  }
0x35: {  	s10 =	sld [smem:$0x3FAD];
	_ =	sdelay $0x3  }
0x36: {  	p1 =	seq.s32 s10, $0x1;
	s10 =	sld [smem:$0x3FAE];
	_ =	sdelay $0x3  }
0x37: {  	[smem:$0x3FAE] =	sst s10  }
0x38: {  	s10 =	sld [smem:$0x3FAF]  }
0x39: {  	_ = 	snop;
	(pc) =	sbr.ind lr, $3  }
0x3a: {  	_ = 	snop  }
0x3b: {  	_ = 	snop  }
0x3c: {  	p2 =	seq.s32 s10, $0x1;
	s10 =	sld [smem:$0x3FAE]  }
0x3d: {  	_ =	shalt  }
0x3e: {  	_ =	shalt  }
0x3f: {  	_ =	shalt  }
0x40: {  	_ =	shalt  }
0x41: {  	_ =	shalt  }
0x42: {  	_ =	shalt  }
0x43: {  	_ =	shalt  }
0x44: {  	_ =	shalt  }
0x45: {  	_ =	shalt  }
0x46: {  	_ =	shalt  }
0x47: {  	_ =	shalt  }
0x48: {  	_ =	shalt  }
0x49: {  	_ =	shalt  }
0x4a: {  	_ =	shalt  }
0x4b: {  	_ =	shalt  }
0x4c: {  	_ =	shalt  }
0x4d: {  	_ =	shalt  }
0x4e: {  	_ =	shalt  }
0x4f: {  	_ =	shalt  }
0x50: {  	_ =	shalt  }
0x51: {  	_ =	shalt  }
0x52: {  	_ =	shalt  }
0x53: {  	_ =	shalt  }
0x54: {  	_ =	shalt  }
0x55: {  	_ =	shalt  }
0x56: {  	_ =	shalt  }
0x57: {  	_ =	shalt  }
0x58: {  	_ =	shalt  }
0x59: {  	_ =	shalt  }
0x5a: {  	_ =	shalt  }
0x5b: {  	_ =	shalt  }
0x5c: {  	_ =	shalt  }
0x5d: {  	_ =	shalt  }
0x5e: {  	_ =	shalt  }
0x5f: {  	_ =	shalt  }
0x60: {  	_ =	shalt  }
0x61: {  	_ =	shalt  }
0x62: {  	_ =	shalt  }
0x63: {  	_ =	shalt  }
0x64: {  	_ =	shalt  }
0x65: {  	_ =	shalt  }
0x66: {  	_ =	shalt  }
0x67: {  	_ =	shalt  }
0x68: {  	_ =	shalt  }
0x69: {  	_ =	shalt  }
0x6a: {  	_ =	shalt  }
0x6b: {  	_ =	shalt  }
0x6c: {  	_ =	shalt  }
0x6d: {  	_ =	shalt  }
0x6e: {  	_ =	shalt  }
0x6f: {  	_ =	shalt  }
0x70: {  	_ =	shalt  }
0x71: {  	_ =	shalt  }
0x72: {  	_ =	shalt  }
0x73: {  	_ =	shalt  }
0x74: {  	_ =	shalt  }
0x75: {  	_ =	shalt  }
0x76: {  	_ =	shalt  }
0x77: {  	_ =	shalt  }
0x78: {  	_ =	shalt  }
0x79: {  	_ =	shalt  }
0x7a: {  	_ =	shalt  }
0x7b: {  	_ =	shalt  }
0x7c: {  	_ =	shalt  }
0x7d: {  	_ =	shalt  }
0x7e: {  	_ =	shalt  }
0x7f: {  	_ =	shalt  }
0x80: {  	_ =	shalt  }
0x81: {  	_ =	shalt  }
0x82: {  	_ =	shalt  }
0x83: {  	_ =	shalt  }
0x84: {  	_ =	shalt  }
0x85: {  	_ =	shalt  }
0x86: {  	_ =	shalt  }
0x87: {  	_ =	shalt  }
.Lfunc_end0:
.L_simem_size_0:
called_computation_lowered:
.L_overlay_start_0:
0x88: {  	s2 =	sld [smem:$0x3FD9]  }
0x89: {  	s3 =	sld [smem:$0x3FFE];
	_ =	sdelay $0x1  }
0x8a: {  	s1 =	srdreg.scid  }
0x8b: {  	s0 =	sand.u32 $0x1, s1  }
0x8c: {  	s17 =	sshll.u32 s0, $0xA;
	s2 =	sadd.s32 s3, s2  }
0x8d: {  	s2 =	sadd.s32 s2, s17  }
0x8e: {  	[smem:$0x3FBA] =	sst s2  }
0x8f: {  	_ = 	snop  }
0x90: {  	s2 =	sld [smem:$0x3FD0];
	(tm) =	ssettm $0x1  }
0x91: {  	s18 =	sld [smem:$0x3FFB];
	_ =	sdelay $0x3  }
0x92: {  	_ =	strace s18  }
0x93: {  	s3 =	sld [smem:$0x3FFC];
	_ =	sdelay $0x3  }
0x94: {  	_ =	strace s3  }
0x95: {  	s3 =	sld [smem:$0x3FFD];
	_ =	sdelay $0x3  }
0x96: {  	_ =	strace s3  }
0x97: {  	_ =	strace $0x8FFFFFFF  }
0x98: {  	s19 =	sld [smem:$0x3FDB];
	_ =	sdelay $0x1  }
0x99: {  	s4 =	simm.s32 $_scs_section_size  }
0x9a: {  	s5 =	simm.s32 $_size__tile_overlayer_lowered;
	s6 =	simm.s32 $_tile_overlayer_lowered  }
0x9b: {  	s22 =	simm.s32 $0x1BFF;
	s21 =	sshll.u32 s6, $0x1;
	s3 =	sadd.s32 s4, s19  }
0x9c: {  	s7 =	simm.s32 $0x0;
	s20 =	sshll.u32 s5, $0x1;
	s5 =	sadd.s32 s21, s3  }
0x9d: {  	[timem:s7], [sflag:s22] =	dma.local [hbm:s5], s20  }
0x9e: {  	_ =	swait.ge [sflag:s22], s20  }
0x9f: {  	s4 =	ssub.s32 $0x0, s20;
	[sflag:s22] =	ssyncset.done $0x0  }
0xa0: {  	[sflag:s22] =	ssyncadd.s32 s4;
	_ =	sdelay $0x1  }
0xa1: {  	s23 =	simm.s32 $0x1B8B  }
0xa2: {  	_ =	swait.ge [sflag:s23], $0x1  }
0xa3: {  	[sflag:s23] =	ssyncset.done $0x0  }
0xa4: {  	s25 =	simm.s32 $0x1B8E;
	s24 =	sld [smem:$0x3FFE];
	[sflag:s23] =	ssyncadd.s32 $0xFFFFFFFF  }
0xa5: {  	s26 =	simm.s32 $execute0_lowered;
	[smem:$0x3FD2] =	sst s25  }
0xa6: {  	s5 =	sshll.u32 s26, $0x1;
	_ =	strace $0x80000046;
	[dreg:$0x1] =	wrdreg $0xFFFFFFFF  }
0xa7: {  	s28 =	simm.s32 $_size_execute0_lowered;
	s3 =	sadd.s32 s3, s5;
	[dreg:$0x0] =	wrdreg $0x0  }
0xa8: {  	s5 =	sshll.u32 s28, $0x1;
	[dreg:$0x2] =	wrdreg s3  }
0xa9: {  	[dreg:$0x3] =	wrdreg s5  }
0xaa: {  	[dreg:$0x4] =	wrdreg $0xC0  }
0xab: {  	_ =	task [dreg:s7], $0x5FFFF  }
0xac: {  	[dreg:$0x1] =	wrdreg $0xFFFFFFFF  }
0xad: {  	[dreg:$0x0] =	wrdreg $0x60  }
0xae: {  	[dreg:$0x2] =	wrdreg s24  }
0xaf: {  	[dreg:$0x3] =	wrdreg s2  }
0xb0: {  	[dreg:$0x4] =	wrdreg $0xFB000  }
0xb1: {  	[dreg:$0x5] =	wrdreg $0x9  }
0xb2: {  	_ =	task.clear_ibuf [dreg:s7], $0x6FFFF;
	_ =	strace $0x90000046  }
0xb3: {  	s29 =	simm.s32 $0x9;
	_ =	strace $0x80000048  }
0xb4: {  	_ =	swait.ge [sflag:s29], $0x1  }
0xb5: {  	[sflag:s29] =	ssyncadd.s32 $0xFFFFFFFF  }
0xb6: {  	_ =	strace $0x90000048  }
0xb7: {  	_ =	sfence  }
0xb8: {  	s30 =	sld [smem:$0x0];
	_ =	sdelay $0x2  }
0xb9: {  	s31 =	sshll.u32 s1, $0xD;
	s1 =	sshrl.u32 s1, $0x2  }
0xba: {  	s3 =	sand.u32 $0x4000, s31;
	s1 =	sadd.s32 s1, s30  }
0xbb: {  	s0 =	sor.u32 s3, s0;
	s1 =	sshll.u32 s1, $0x11  }
0xbc: {  	s0 =	sor.u32 s1, s0  }
0xbd: {  	s0 =	sadd.s32 $0x8F2B, s0  }
0xbe: {  	[sflag:s0] =	ssyncadd.remote.s32 $0x1  }
0xbf: {  	_ =	sfence.sel $0xFFFF  }
0xc0: {  	[dreg:$0x0] =	wrdreg $0xFFFFFFFF;
	(pc) =	sbr.abs _section_cstart, $3  }
0xc1: {  	[dreg:$0x1] =	wrdreg $0xFFFFFFFF  }
0xc2: {  	_ =	task.clear_ibuf [dreg:s7], $0x2FFFF;
	_ =	strace $0x9FFFFFFF  }
0xc3: {  	(tm) =	ssettm $0x7FFFFFFF  }
tec
execute0_lowered:
.L_overlay_start_1:
0x0: {  	(tag) =	ssettag $0x1  }
0x1: {  	s0 =	rddreg [dreg:$0x0]  }
0x2: {  	s2 =	rddreg [dreg:$0x1]  }
0x3: {  	s1 =	rddreg [dreg:$0x2]  }
0x4: {  	s3 =	simm.s32 $0x0;
	s23 =	srdreg.scid;
	s8 =	stileid.u32  }
0x5: {  	s19 =	simm.s32 $0xD300;
	s20 =	simm.s32 $0x3;
	s22 =	simm.s32 $0x80  }
0x6: {  	s28 =	simm.s32 $0x2;
	s29 =	simm.s32 $0x0;
	s11 =	smul.u32 $0xA20, s8  }
0x7: {  	[smem:$0x7FF] =	sst s3;
	s3 =	sand.u32 $0x1, s23;
	s12 =	smul.u32 $0xC800, s8  }
0x8: {  	s4 =	sadd.s32 $0x53200, s0;
	s5 =	sadd.s32 $0x3200, s0;
	s23 =	smul.u32 $0x2800, s3  }
0x9: {  	_ =	strace $0x80000047;
	s6 =	ssub.s32 $0x2, s3;
	s3 =	smul.u32 $0xC8000, s3  }
0xa: {  	s7 =	sshrl.u32 s6, $0x1;
	s13 =	sadd.s32 s11, s0;
	s0 =	sadd.s32 $0x17400, s0  }
0xb: {  	s14 =	sadd.s32 $0x2800, s12;
	s15 =	sadd.s32 $0x5000, s12;
	s16 =	sadd.s32 $0x7800, s12  }
0xc: {  	s17 =	sadd.s32 $0xA000, s12;
	s2 =	sadd.s32 s2, s11;
	s18 =	ssub.s32 s6, s7  }
0xd: {  	s6 =	sadd.s32 s12, s1;
	s7 =	sadd.s32 s14, s1;
	s8 =	sadd.s32 s15, s1  }
0xe: {  	s9 =	sadd.s32 s16, s1;
	s10 =	sadd.s32 s17, s1;
	s12 =	sadd.s32 s12, s3  }
0xf: {  	[dreg:$0x4] =	wrdreg s2;
	s14 =	sadd.s32 s3, s14;
	s26 =	sadd.s32 s3, s15  }
0x10: {  	s30 =	sadd.s32 s3, s16;
	s3 =	sadd.s32 s3, s17;
	v0 =	vmov s23;
	s23 =	simm.s32 $0xA200  }
0x11: {  	s24 =	sshrl.u32 s12, $0x3;
	s12 =	sadd.s32 $0xD200, s13;
	s25 =	sshrl.u32 s14, $0x3  }
0x12: {  	s2 =	sshrl.u32 s26, $0x3;
	s16 =	sshrl.u32 s30, $0x3;
	s31 =	sshrl.u32 s3, $0x3  }
0x13: {  	s18 =	smax.u32 s18, $0x1;
	s26 =	simm.s32 $0x1;
	s13 =	sadd.s32 s0, s24  }
0x14: {  	v1 =	vimm.f32 $0.0e+00;
	v2 =	vimm.s32 $0x0;
	s14 =	sadd.s32 s0, s25;
	s15 =	sadd.s32 s0, s2;
	s16 =	sadd.s32 s0, s16  }
0x15: {  	v3 =	vimm.s32 $0x1;
	v4 =	vimm.s32 $0x2;
	v5 =	vimm.s32 $0x3;
	s17 =	sadd.s32 s0, s31;
	s24 =	simm.s32 $0xA300;
	s25 =	simm.s32 $0xA280  }
.LBB2_1:
0x16: {  	s0 =	simm.s32 $0x0  }
0x17: {  	s0 =	smul.u32 $0xCCCD, s0;
	_ =	sdelay $0x1  }
0x18: {  	s2 =	sshrl.u32 s0, $0x12  }
0x19: {  	s3 =	simm.s32 $0x0;
	s0 =	simm.s32 $0x1;
	s30 =	smul.u32 $0x5, s2  }
.LBB2_2:
0x1a: {  	s31 =	smul.u32 $0xCCCD, s0  }
0x1b: {  	s21 =	smov.u32 s0;
	s2 =	smul.u32 $0x140, s2;
	p0 =	sne.s32 s0, $0x27F  }
.Ltmp0:
0x1c: {  	s3 =	ssub.s32 s3, s30;
	(pc) =	sbr.rel @p0 .LBB2_2-.Ltmp0, $4  }
0x1d: {  	s0 =	sadd.s32 $0x1, s0;
	s3 =	sand.u32 $0xFFFF, s3  }
0x1e: {  	s30 =	sshrl.u32 s2, $0x2;
	s11 =	sshll.u32 s3, $0x4;
	s3 =	smov.u32 s21  }
0x1f: {  	s2 =	sshrl.u32 s31, $0x12;
	s11 =	sadd.s32 s11, s30  }
0x20: {  	s30 =	smul.u32 $0x5, s2;
	[tilespmem:s11+$0xD300] =	vst v1  }
0x21: {  	_ = 	snop  }
0x22: {  	s2 =	smul.u32 $0x140, s2;
	s0 =	ssub.s32 s3, s30  }
0x23: {  	s0 =	sand.u32 $0xFFFF, s0  }
0x24: {  	s2 =	sshrl.u32 s2, $0x2;
	s0 =	sshll.u32 s0, $0x4  }
0x25: {  	s0 =	sadd.s32 s0, s2  }
0x26: {  	[tilespmem:s0+$0xD300] =	vst v1  }
0x27: {  	[spmem:s6] =	stream.linear.scatter [tilespmem:s19], [sflag:$0x3], $0x2800, $0x38;
	[tilespmem:$0x1C300] =	vst v63  }
0x28: {  	_ =	swait.ge [sflag:s20], $0x2800  }
0x29: {  	[sflag:s20] =	ssyncset.done $0x0  }
0x2a: {  	[sflag:s20] =	ssyncadd.s32 $0xFFFFD800  }
0x2b: {  	[spmem:s7] =	stream.linear.scatter [tilespmem:s19], [sflag:$0x3], $0x2800, $0x38;
	[tilespmem:$0x1C300] =	vst v63  }
0x2c: {  	_ =	swait.ge [sflag:s20], $0x2800  }
0x2d: {  	[sflag:s20] =	ssyncset.done $0x0  }
0x2e: {  	[sflag:s20] =	ssyncadd.s32 $0xFFFFD800  }
0x2f: {  	[spmem:s8] =	stream.linear.scatter [tilespmem:s19], [sflag:$0x3], $0x2800, $0x38;
	[tilespmem:$0x1C300] =	vst v63  }
0x30: {  	_ =	swait.ge [sflag:s20], $0x2800  }
0x31: {  	[sflag:s20] =	ssyncset.done $0x0  }
0x32: {  	[sflag:s20] =	ssyncadd.s32 $0xFFFFD800  }
0x33: {  	[spmem:s9] =	stream.linear.scatter [tilespmem:s19], [sflag:$0x3], $0x2800, $0x38;
	[tilespmem:$0x1C300] =	vst v63  }
0x34: {  	_ =	swait.ge [sflag:s20], $0x2800  }
0x35: {  	[sflag:s20] =	ssyncset.done $0x0  }
0x36: {  	[sflag:s20] =	ssyncadd.s32 $0xFFFFD800  }
0x37: {  	[spmem:s10] =	stream.linear.scatter [tilespmem:s19], [sflag:$0x3], $0x2800, $0x38;
	[tilespmem:$0x1C300] =	vst v63  }
0x38: {  	_ =	swait.ge [sflag:s20], $0x2800  }
0x39: {  	[sflag:s20] =	ssyncset.done $0x0  }
0x3a: {  	[sflag:s20] =	ssyncadd.s32 $0xFFFFD800  }
0x3b: {  	[bflag:$0x0] =	sbarrier.arrive $0xFFFF  }
0x3c: {  	s30 =	simm.s32 $0x0;
	s21 =	rddreg [dreg:$0x4]  }
0x3d: {  	[tilespmem:s30], [sflag:$0x3] =	stream.linear.gather [hbm4b:s21+s30], $0x5100, $0x38;
	[tilespmem:$0x1C300] =	vst v63  }
0x3e: {  	_ =	swait.ge [sflag:s20], $0x5100  }
0x3f: {  	[sflag:s20] =	ssyncset.done $0x0  }
0x40: {  	s31 =	simm.s32 $0x5100;
	[sflag:s20] =	ssyncadd.s32 $0xFFFFAF00  }
0x41: {  	[tilespmem:s31], [sflag:$0x3] =	stream.linear.gather [hbm4b:s12+s30], $0x5100, $0x38;
	[tilespmem:$0x1C300] =	vst v63  }
0x42: {  	_ =	swait.ge [sflag:s20], $0x5100  }
0x43: {  	[sflag:s20] =	ssyncset.done $0x0  }
0x44: {  	[sflag:s20] =	ssyncadd.s32 $0xFFFFAF00  }
.LBB2_4:
0x45: {  	s2 =	sshll.u32 s30, $0x7  }
0x46: {  	v6 =	vld [tilespmem:s2+$0x0];
	_ =	sdelay $0x4  }
0x47: {  	v6 =	vadd.s32 v0, v6  }
0x48: {  	[tilespmem:$0xA200] =	vst v6  }
0x49: {  	v6 =	vld [tilespmem:s2+$0x5100];
	_ =	sdelay $0x4  }
0x4a: {  	v6 =	vadd.s32 v0, v6  }
0x4b: {  	[tilespmem:$0xA280] =	vst v6  }
0x4c: {  	v6 =	vld [tilespmem:s2+$0x10];
	_ =	sdelay $0x4  }
0x4d: {  	v6 =	vadd.s32 v0, v6  }
0x4e: {  	[tilespmem:$0xA210] =	vst v6  }
0x4f: {  	v6 =	vld [tilespmem:s2+$0x5110];
	_ =	sdelay $0x4  }
0x50: {  	v6 =	vadd.s32 v0, v6  }
0x51: {  	[tilespmem:$0xA290] =	vst v6  }
0x52: {  	v6 =	vld [tilespmem:s2+$0x20];
	_ =	sdelay $0x4  }
0x53: {  	v6 =	vadd.s32 v0, v6  }
0x54: {  	[tilespmem:$0xA220] =	vst v6  }
0x55: {  	v6 =	vld [tilespmem:s2+$0x5120];
	_ =	sdelay $0x4  }
0x56: {  	v6 =	vadd.s32 v0, v6  }
0x57: {  	[tilespmem:$0xA2A0] =	vst v6  }
0x58: {  	v6 =	vld [tilespmem:s2+$0x30];
	_ =	sdelay $0x4  }
0x59: {  	v6 =	vadd.s32 v0, v6  }
0x5a: {  	[tilespmem:$0xA230] =	vst v6  }
0x5b: {  	v6 =	vld [tilespmem:s2+$0x5130];
	_ =	sdelay $0x4  }
0x5c: {  	v6 =	vadd.s32 v0, v6  }
0x5d: {  	[tilespmem:$0xA2B0] =	vst v6  }
0x5e: {  	v6 =	vld [tilespmem:s2+$0x40];
	_ =	sdelay $0x4  }
0x5f: {  	v6 =	vadd.s32 v0, v6  }
0x60: {  	[tilespmem:$0xA240] =	vst v6  }
0x61: {  	v6 =	vld [tilespmem:s2+$0x5140];
	_ =	sdelay $0x4  }
0x62: {  	v6 =	vadd.s32 v0, v6  }
0x63: {  	[tilespmem:$0xA2C0] =	vst v6  }
0x64: {  	v6 =	vld [tilespmem:s2+$0x50];
	_ =	sdelay $0x4  }
0x65: {  	v6 =	vadd.s32 v0, v6  }
0x66: {  	[tilespmem:$0xA250] =	vst v6  }
0x67: {  	v6 =	vld [tilespmem:s2+$0x5150];
	_ =	sdelay $0x4  }
0x68: {  	v6 =	vadd.s32 v0, v6  }
0x69: {  	[tilespmem:$0xA2D0] =	vst v6  }
0x6a: {  	v6 =	vld [tilespmem:s2+$0x60];
	_ =	sdelay $0x4  }
0x6b: {  	v6 =	vadd.s32 v0, v6  }
0x6c: {  	[tilespmem:$0xA260] =	vst v6  }
0x6d: {  	v6 =	vld [tilespmem:s2+$0x5160];
	_ =	sdelay $0x4  }
0x6e: {  	v6 =	vadd.s32 v0, v6  }
0x6f: {  	[tilespmem:$0xA2E0] =	vst v6  }
0x70: {  	v6 =	vld [tilespmem:s2+$0x70];
	_ =	sdelay $0x4  }
0x71: {  	v6 =	vadd.s32 v0, v6  }
0x72: {  	[tilespmem:$0xA270] =	vst v6  }
0x73: {  	v6 =	vld [tilespmem:s2+$0x5170];
	_ =	sdelay $0x4  }
0x74: {  	v6 =	vadd.s32 v0, v6  }
0x75: {  	[tilespmem:$0xA2F0] =	vst v6  }
0x76: {  	[tilespmem:s24], [sflag:$0x1] =	stream.indirect.gather [hbm4b:s4+s22], $0x50, s23, s22, $0xb8;
	[tilespmem:$0x1C300] =	vst v63  }
0x77: {  	s3 =	simm.s32 $0xCB00  }
0x78: {  	[tilespmem:s3], [sflag:$0x2] =	stream.indirect.gather [hbm4b:s5+s22], $0x10, s25, s22, $0xb8;
	[tilespmem:$0x1C300] =	vst v63  }
0x79: {  	_ =	swait.ge [sflag:s26], $0x2800  }
0x7a: {  	[sflag:s26] =	ssyncset.done $0x0  }
0x7b: {  	[sflag:s26] =	ssyncadd.s32 $0xFFFFD800  }
0x7c: {  	_ =	swait.ge [sflag:s28], $0x800  }
0x7d: {  	[sflag:s28] =	ssyncset.done $0x0  }
0x7e: {  	s0 =	simm.s32 $0x0;
	[sflag:s28] =	ssyncadd.s32 $0xFFFFF800  }
0x7f: {  	s31 =	sadd.s32 $0x5100, s2;
	s2 =	simm.s32 $0x140;
	v6 =	vld [tilespmem:s0+$0xA340]  }
.LBB2_5:
0x80: {  	p0 =	sne.s32 s2, $0x9EC0;
	v7 =	vld [tilespmem:s3+$0x0];
	_ =	sdelay $0x4  }
0x81: {  	v6 =	vadd.f32 v7, v6;
	_ =	sdelay $0x1  }
0x82: {  	v7 =	vmul.f32 $2.000000030e-01, v6  }
0x83: {  	vm0 =	vge.f32 v6, $0.0e+00  }
0x84: {  	v6 =	vsel vm0, v6, v7  }
0x85: {  	v6 =	vmul.f32 $1.442695020e+00, v6;
	_ =	sdelay $0x1  }
0x86: {  	(erf) = vpow2.f32 v6;
	_ =	sdelay $0x4  }
0x87: {  	v6 =	vld [tilespmem:s0+$0xA300]  }
0x88: {  	v7 =	vld [tilespmem:s0+$0xA310]  }
0x89: {  	v8 =	vld [tilespmem:s0+$0xA320]  }
0x8a: {  	v9 =	vld [tilespmem:s0+$0xA330]  }
0x8b: {  	v10 =	vpop (erf)  }
0x8c: {  	[tilespmem:s0+$0xD340] =	vst v10;
	v11 =	vperm.xlane v10, v2;
	v12 =	vperm.xlane v10, v3  }
0x8d: {  	v13 =	vperm.xlane v10, v4;
	v10 =	vperm.xlane v10, v5  }
0x8e: {  	v6 =	vmul.f32 v6, v11;
	v7 =	vmul.f32 v7, v12  }
.Ltmp1:
0x8f: {  	v8 =	vmul.f32 v8, v13;
	v9 =	vmul.f32 v9, v10;
	(pc) =	sbr.rel @p0 .LBB2_5-.Ltmp1, $4  }
0x90: {  	[tilespmem:s0+$0xD300] =	vst v6  }
0x91: {  	[tilespmem:s0+$0xD310] =	vst v7  }
0x92: {  	s11 =	sshra.s32 s2, $0x2;
	[tilespmem:s0+$0xD320] =	vst v8  }
0x93: {  	s2 =	sadd.s32 $0x140, s2;
	s3 =	sadd.s32 $0x10, s3;
	v6 =	vld [tilespmem:s11+$0xA340];
	[tilespmem:s0+$0xD330] =	vst v9;
	s0 =	smov.u32 s11  }
0x94: {  	v7 =	vld [tilespmem:s3+$0x0];
	_ =	sdelay $0x4  }
0x95: {  	v6 =	vadd.f32 v7, v6;
	_ =	sdelay $0x1  }
0x96: {  	v7 =	vmul.f32 $2.000000030e-01, v6  }
0x97: {  	vm0 =	vge.f32 v6, $0.0e+00  }
0x98: {  	v6 =	vsel vm0, v6, v7  }
0x99: {  	v6 =	vmul.f32 $1.442695020e+00, v6;
	_ =	sdelay $0x1  }
0x9a: {  	(erf) = vpow2.f32 v6;
	_ =	sdelay $0x6  }
0x9b: {  	v6 =	vld [tilespmem:s0+$0xA300]  }
0x9c: {  	v7 =	vld [tilespmem:s0+$0xA310]  }
0x9d: {  	v8 =	vld [tilespmem:s0+$0xA320];
	v9 =	vpop (erf)  }
0x9e: {  	v10 =	vld [tilespmem:s0+$0xA330];
	v11 =	vperm.xlane v9, v2  }
0x9f: {  	v12 =	vperm.xlane v9, v3  }
0xa0: {  	v13 =	vperm.xlane v9, v4;
	v6 =	vmul.f32 v6, v11  }
0xa1: {  	[tilespmem:s0+$0xD340] =	vst v9;
	v9 =	vperm.xlane v9, v5;
	v7 =	vmul.f32 v7, v12  }
0xa2: {  	v8 =	vmul.f32 v8, v13;
	[tilespmem:s0+$0xD300] =	vst v6  }
0xa3: {  	s30 =	sadd.s32 $0x1, s30;
	v6 =	vmul.f32 v10, v9;
	[tilespmem:s0+$0xD310] =	vst v7  }
0xa4: {  	p0 =	sne.s32 s30, $0xA2;
	[tilespmem:s0+$0xD320] =	vst v8  }
.Ltmp2:
0xa5: {  	[tilespmem:s0+$0xD330] =	vst v6;
	(pc) =	sbr.rel @p0 .LBB2_4-.Ltmp2, $4  }
0xa6: {  	[spmem:s1] =	stream.indirect.scatter.add.f32 [tilespmem:s19], [sflag:$0x3], $0x50, s31, s22, $0xb8;
	[tilespmem:$0x1C300] =	vst v63  }
0xa7: {  	_ =	swait.ge [sflag:s20], $0x2800  }
0xa8: {  	[sflag:s20] =	ssyncset.done $0x0  }
0xa9: {  	[sflag:s20] =	ssyncadd.s32 $0xFFFFD800  }
0xaa: {  	s0 =	stileid.u32  }
0xab: {  	s0 =	sshll.u32 s0, $0x6  }
0xac: {  	[bflag:$0x0] =	sbarrier.arrive $0xFFFF;
	s2 =	sshrl.u32 s6, $0x3;
	s0 =	sor.u32 $0x1C03, s0  }
0xad: {  	[hbm:s13], [sflag:s0] =	dma.local [spmem:s2], $0x500  }
0xae: {  	_ =	swait.ge [sflag:s20], $0x500  }
0xaf: {  	[sflag:s20] =	ssyncset.done $0x0  }
0xb0: {  	s11 =	sshrl.u32 s7, $0x3;
	[sflag:s20] =	ssyncadd.s32 $0xFFFFFB00  }
0xb1: {  	[hbm:s14], [sflag:s0] =	dma.local [spmem:s11], $0x500  }
0xb2: {  	_ =	swait.ge [sflag:s20], $0x500  }
0xb3: {  	[sflag:s20] =	ssyncset.done $0x0  }
0xb4: {  	s21 =	sshrl.u32 s8, $0x3;
	[sflag:s20] =	ssyncadd.s32 $0xFFFFFB00  }
0xb5: {  	[hbm:s15], [sflag:s0] =	dma.local [spmem:s21], $0x500  }
0xb6: {  	_ =	swait.ge [sflag:s20], $0x500  }
0xb7: {  	[sflag:s20] =	ssyncset.done $0x0  }
0xb8: {  	s30 =	sshrl.u32 s9, $0x3;
	[sflag:s20] =	ssyncadd.s32 $0xFFFFFB00  }
0xb9: {  	[hbm:s16], [sflag:s0] =	dma.local [spmem:s30], $0x500  }
0xba: {  	s29 =	sadd.s32 $0x1, s29;
	_ =	swait.ge [sflag:s20], $0x500  }
0xbb: {  	p0 =	sne.s32 s29, s18;
	[sflag:s20] =	ssyncset.done $0x0  }
.Ltmp3:
0xbc: {  	s31 =	sshrl.u32 s10, $0x3;
	[sflag:s20] =	ssyncadd.s32 $0xFFFFFB00;
	(pc) =	sbr.rel @p0 .LBB2_1-.Ltmp3, $4  }
0xbd: {  	[hbm:s17], [sflag:s0] =	dma.local [spmem:s31], $0x500  }
0xbe: {  	_ =	swait.ge [sflag:s20], $0x500  }
0xbf: {  	[sflag:s20] =	ssyncset.done $0x0  }
0xc0: {  	[sflag:s20] =	ssyncadd.s32 $0xFFFFFB00  }
0xc1: {  	_ =	sfence.sel $0x180000  }
0xc2: {  	[bflag:$0x0] =	sbarrier.arrive $0xFFFF  }
0xc3: {  	_ =	strace $0x90000047  }
0xc4: {  	s0 =	stileid.u32;
	[bflag:$0x2] =	sbarrier.arrive $0xFFFF  }
0xc5: {  	p0 =	sne.s32 s0, $0x0;
	s0 =	rddreg [dreg:$0x3]  }
0xc6: {  	s0 =	sadd.s32 @!p0 $0x100000, s0  }
0xc7: {  	[sflag:s0] =	ssyncadd.tile.s32 @!p0 $0x1;
	_ =	shalt  }
.Lfunc_end2:
_tile_overlayer_lowered:
.L_overlay_start_2:
0xc8: {  	(tag) =	ssettag $0x2  }
0xc9: {  	s0 =	rddreg [dreg:$0x0];
	s2 =	stileid.u32  }
0xca: {  	s1 =	rddreg [dreg:$0x1];
	p0 =	sne.s32 s2, $0x0  }
0xcb: {  	s3 =	rddreg [dreg:$0x2];
	[bflag:$0x3] =	sbarrier.arrive $0xFFFF;
	s2 =	simm.s32 @!p0 $0x1C03  }
0xcc: {  	[timem:s3], [sflag:s2] =	dma.local @!p0 [hbm:s0], s1  }
0xcd: {  	s0 =	simm.s32 @!p0 $0x3  }
0xce: {  	_ =	swait.ge @!p0 [sflag:s0], s1  }
0xcf: {  	s1 =	ssub.s32 @!p0 $0x0, s1;
	[sflag:s0] =	ssyncset.done @!p0 $0x0  }
0xd0: {  	[sflag:s0] =	ssyncadd.s32 @!p0 s1  }
0xd1: {  	[bflag:$0x3] =	sbarrier.arrive $0xFFFF  }
0xd2: {  	_ =	shalt  }

</sc_bundles>
